<compile_context>
chip_gen: v7x
topology: tpu7x:2x2x1
jax: 0.10.2.dev20260603
libtpu: 0.0.44.dev20260713+nightly
codegen_flags: <defaults>
</compile_context>

<pallas_src>
import functools

import jax
import jax.numpy as jnp
from jax import lax
from jax.experimental import pallas as pl
from jax.experimental.pallas import tpu as pltpu
from jax.experimental.pallas import tpu_sc as plsc

N = 10000
D = 128
E = 320000
NC = 2
NS = 16
NW = NC * NS
EPW = E // NW
CHUNK = 128
NCHUNK = 80
NCA = NCHUNK + 2
EPAD = NCA * CHUNK
NA = N + 8
RPT = N // NS
RZ = 125

_mesh = plsc.VectorSubcoreMesh(
    core_axis_name="c", subcore_axis_name="s", num_cores=NC, num_subcores=NS
)


@functools.partial(
    pl.kernel,
    out_type=jax.ShapeDtypeStruct((NC, NS, RPT, D), jnp.float32),
    mesh=_mesh,
    scratch_types=[
        pltpu.VMEM((2, CHUNK), jnp.int32),
        pltpu.VMEM((2, CHUNK), jnp.int32),
        pltpu.VMEM((2, CHUNK), jnp.int32),
        pltpu.VMEM((2, CHUNK), jnp.int32),
        pltpu.VMEM((CHUNK, D), jnp.float32),
        pltpu.VMEM_SHARED((NA, D), jnp.float32),
        pltpu.SemaphoreType.DMA,
        pltpu.SemaphoreType.DMA,
        pltpu.SemaphoreType.DMA,
        pltpu.SemaphoreType.DMA,
    ],
)
def _sc_degree(dst_hbm, out_hbm, i0, i1, i2, i3, ones_v, acc, s0, s1, s2, s3):
    c = lax.axis_index("c")
    s = lax.axis_index("s")
    wid = c * NS + s
    idxs = (i0, i1, i2, i3)
    ssem = (s0, s1, s2, s3)

    def zrow(i, _):
        for k in range(D // 16):
            ones_v[i, pl.ds(k * 16, 16)] = jnp.zeros((16,), jnp.float32)
        return 0

    lax.fori_loop(0, CHUNK, zrow, 0)
    for r in range(RPT // CHUNK):
        pltpu.sync_copy(ones_v, acc.at[pl.ds(s * RPT + r * CHUNK, CHUNK)])
    rtail = RPT % CHUNK
    pltpu.sync_copy(
        ones_v.at[pl.ds(0, rtail)],
        acc.at[pl.ds(s * RPT + RPT - rtail, rtail)],
    )

    def orow(i, _):
        for k in range(D // 16):
            ones_v[i, pl.ds(k * 16, 16)] = jnp.ones((16,), jnp.float32)
        return 0

    lax.fori_loop(0, CHUNK, orow, 0)
    plsc.subcore_barrier()

    def load_scatter(b, j):
        pltpu.sync_copy(dst_hbm.at[wid, j], idxs[b])
        pltpu.async_copy(ones_v, acc.at[idxs[b].at[1]], ssem[b], add=True)

    def wait_scatter(b):
        pltpu.make_async_copy(ones_v, acc.at[idxs[b].at[1]], ssem[b]).wait()

    for b in range(4):
        load_scatter(b, b)

    def round4(jj, _):
        base = 4 * jj
        for b in range(4):
            wait_scatter(b)
            load_scatter(b, base + b)
        return 0

    lax.fori_loop(1, NCHUNK // 4, round4, 0)
    for t in range(NCHUNK % 4):
        wait_scatter(t)
        load_scatter(t, 4 * (NCHUNK // 4) + t)
    for b in range(4):
        wait_scatter(b)
    plsc.subcore_barrier()
    pltpu.sync_copy(acc.at[pl.ds(s * RPT, RPT)], out_hbm.at[c, s])


@functools.partial(
    pl.kernel,
    out_type=jax.ShapeDtypeStruct((NC, NS, RPT, D), jnp.float32),
    mesh=_mesh,
    scratch_types=[
        pltpu.VMEM((2, CHUNK), jnp.int32),
        pltpu.VMEM((2, CHUNK), jnp.int32),
        pltpu.VMEM((2, CHUNK), jnp.int32),
        pltpu.VMEM((CHUNK, D), jnp.float32),
        pltpu.VMEM((CHUNK, D), jnp.float32),
        pltpu.VMEM((CHUNK, D), jnp.float32),
        pltpu.VMEM_SHARED((NA, D), jnp.float32),
        pltpu.SemaphoreType.DMA,
        pltpu.SemaphoreType.DMA,
        pltpu.SemaphoreType.DMA,
    ],
)
def _sc_aggregate(
    table_hbm, idx_hbm, out_hbm, i0, i1, i2, r0, r1, r2, acc, g0, g1, g2
):
    c = lax.axis_index("c")
    s = lax.axis_index("s")
    wid = c * NS + s
    ibufs = (i0, i1, i2)
    rows = (r0, r1, r2)
    gsem = (g0, g1, g2)

    def zrow(i, _):
        for k in range(D // 16):
            r0[i, pl.ds(k * 16, 16)] = jnp.zeros((16,), jnp.float32)
        return 0

    lax.fori_loop(0, CHUNK, zrow, 0)
    for r in range(RPT // CHUNK):
        pltpu.sync_copy(r0, acc.at[pl.ds(s * RPT + r * CHUNK, CHUNK)])
    rtail = RPT % CHUNK
    pltpu.sync_copy(
        r0.at[pl.ds(0, rtail)], acc.at[pl.ds(s * RPT + RPT - rtail, rtail)]
    )
    plsc.subcore_barrier()

    def load(b, j):
        pltpu.sync_copy(idx_hbm.at[wid, j], ibufs[b])
        pltpu.async_copy(table_hbm.at[ibufs[b].at[0]], rows[b], gsem[b])

    def drain(b):
        pltpu.make_async_copy(
            table_hbm.at[ibufs[b].at[0]], rows[b], gsem[b]
        ).wait()
        pltpu.sync_copy(rows[b], acc.at[ibufs[b].at[1]], add=True)

    for b in range(3):
        load(b, b)

    def step(p, _):
        base = 3 * p + 3
        for b in range(3):
            drain(b)
            load(b, base + b)
        return 0

    lax.fori_loop(0, (NCHUNK + 1) // 3 - 1, step, 0)
    for b in range(3):
        drain(b)
    plsc.subcore_barrier()
    pltpu.sync_copy(acc.at[pl.ds(s * RPT, RPT)], out_hbm.at[c, s])


def _tc_matmul(x_ref, w_ref, out_ref):
    out_ref[...] = jnp.dot(
        x_ref[...], w_ref[...], preferred_element_type=jnp.float32
    )


def _tc_scale(hist_ref, h_ref, out_ref):
    dinv = lax.rsqrt(1.0 + hist_ref[0] + hist_ref[1])
    out_ref[...] = dinv * h_ref[...]


def _tc_mid(hist_ref, agg_ref, hs_ref, b_ref, w_ref, out_ref):
    dinv = lax.rsqrt(1.0 + hist_ref[0] + hist_ref[1])
    pre = dinv * (agg_ref[0] + agg_ref[1] + hs_ref[...]) + b_ref[...]
    h1 = jnp.maximum(pre, 0.0)
    out_ref[...] = dinv * jnp.dot(
        h1, w_ref[...], preferred_element_type=jnp.float32
    )


def _tc_final(hist_ref, agg_ref, hs_ref, b_ref, out_ref):
    dinv = lax.rsqrt(1.0 + hist_ref[0] + hist_ref[1])
    out_ref[...] = dinv * (agg_ref[0] + agg_ref[1] + hs_ref[...]) + b_ref[...]


_f32 = functools.partial(jax.ShapeDtypeStruct, dtype=jnp.float32)


@jax.jit
def kernel(x, edge_index, W1, b1, W2, b2):
    pad_src = jnp.zeros((NW, EPAD - EPW), jnp.int32)
    pad_dst = jnp.full((NW, EPAD - EPW), N, jnp.int32)
    src = jnp.concatenate(
        [edge_index[0].reshape(NW, EPW), pad_src], axis=1
    ).reshape(NW, NCA, 1, CHUNK)
    dst = jnp.concatenate(
        [edge_index[1].reshape(NW, EPW), pad_dst], axis=1
    ).reshape(NW, NCA, 1, CHUNK)
    idx = jnp.concatenate([src, dst], axis=2)

    hist = _sc_degree(idx).reshape(NC, N, D)[:, :, 0:1]
    h1 = pl.pallas_call(_tc_matmul, out_shape=_f32((N, D)))(x, W1)

    hs1 = pl.pallas_call(_tc_scale, out_shape=_f32((N, D)))(hist, h1)

    agg1 = _sc_aggregate(hs1, idx).reshape(NC, N, D)

    hs2 = pl.pallas_call(_tc_mid, out_shape=_f32((N, D)))(
        hist, agg1, hs1, b1.reshape(1, D), W2
    )

    agg2 = _sc_aggregate(hs2, idx).reshape(NC, N, D)

    out = pl.pallas_call(_tc_final, out_shape=_f32((N, D)))(
        hist, agg2, hs2, b2.reshape(1, D)
    )
    return out

# --- scband reference (transcript-rebuilt; emitter-appended) ---
"""Pipeline reference for scband-gcn-10247791968634 (READ-ONLY COPY).

The authoritative reference and input builder live on the scoring server;
editing this copy changes nothing except your own understanding.
"""

import jax, jax.numpy as jnp
import numpy as np

N_NODES = 10000
N_EDGES = 320000
D_IN = 128
D_HID = 128
D_OUT = 128


def setup_inputs(seed: int = 0) -> dict:
    key = jax.random.key(seed)
    k1, k2, k3, k4, k5, k6 = jax.random.split(key, 6)
    x = jax.random.normal(k1, (N_NODES, D_IN), dtype=jnp.float32)
    edge_index = jax.random.randint(k2, (2, N_EDGES), 0, N_NODES, dtype=jnp.int32)
    s1 = 1.0 / np.sqrt(D_IN)
    s2 = 1.0 / np.sqrt(D_HID)
    W1 = jax.random.uniform(k3, (D_IN, D_HID), minval=-s1, maxval=s1, dtype=jnp.float32)
    b1 = jax.random.uniform(k4, (D_HID,), minval=-s1, maxval=s1, dtype=jnp.float32)
    W2 = jax.random.uniform(k5, (D_HID, D_OUT), minval=-s2, maxval=s2, dtype=jnp.float32)
    b2 = jax.random.uniform(k6, (D_OUT,), minval=-s2, maxval=s2, dtype=jnp.float32)
    return {"x": x, "edge_index": edge_index, "W1": W1, "b1": b1, "W2": W2, "b2": b2}


def _gcn_conv(x, edge_index, W, b, num_nodes):
    # PyG GCNConv: add self-loops, symmetric D^-1/2 (A+I) D^-1/2 normalization
    loop = jnp.arange(num_nodes, dtype=edge_index.dtype)
    src = jnp.concatenate([edge_index[0], loop])
    dst = jnp.concatenate([edge_index[1], loop])
    deg = jnp.zeros((num_nodes,), dtype=x.dtype).at[dst].add(1.0)
    deg_inv_sqrt = jnp.where(deg > 0, jax.lax.rsqrt(jnp.maximum(deg, 1e-12)), 0.0)
    norm = deg_inv_sqrt[src] * deg_inv_sqrt[dst]
    h = x @ W
    msg = h[src] * norm[:, None]
    out = jnp.zeros((num_nodes, W.shape[1]), dtype=x.dtype).at[dst].add(msg)
    return out + b


def reference(x, edge_index, W1, b1, W2, b2):
    h = _gcn_conv(x, edge_index, W1, b1, N_NODES)
    h = jax.nn.relu(h)
    # dropout is identity in eval mode (deterministic reference)
    out = _gcn_conv(h, edge_index, W2, b2, N_NODES)
    return out

if __name__ == "__main__":
    import jax
    _d = setup_inputs()
    print(jax.jit(kernel)(*tuple(_d.values())))

</pallas_src>

<mosaic_0001>
#map = affine_map<(d0, d1) -> (0, 0)>
#map1 = affine_map<(d0, d1) -> (0, 0, 0, 0)>
module attributes {stable_mosaic.version = 14 : i64} {
  func.func @_sc_aggregate(%arg0: i32, %arg1: i32, %arg2: memref<10000x128xf32, #tpu.memory_space<hbm>>, %arg3: memref<32x82x2x128xi32, #tpu.memory_space<hbm>>, %arg4: memref<2x16x625x128xf32, #tpu.memory_space<hbm>>, %arg5: memref<2x128xi32, #tpu.memory_space<vmem>>, %arg6: memref<2x128xi32, #tpu.memory_space<vmem>>, %arg7: memref<2x128xi32, #tpu.memory_space<vmem>>, %arg8: memref<128x128xf32, #tpu.memory_space<vmem>>, %arg9: memref<128x128xf32, #tpu.memory_space<vmem>>, %arg10: memref<128x128xf32, #tpu.memory_space<vmem>>, %arg11: memref<10008x128xf32, #tpu.memory_space<vmem_shared>>, %arg12: memref<!tpu.dma_semaphore, #tpu.memory_space<semaphore_mem>>, %arg13: memref<!tpu.dma_semaphore, #tpu.memory_space<semaphore_mem>>, %arg14: memref<!tpu.dma_semaphore, #tpu.memory_space<semaphore_mem>>) attributes {dimension_semantics = [#tpu.dimension_semantics<core_parallel>, #tpu.dimension_semantics<subcore_parallel>], iteration_bounds = array<i64: 2, 16>, scalar_prefetch = 0 : i64, scratch_operands = 10 : i64, tpu.core_type = #tpu.core_type<sc_vector_subcore>, window_params = [{transform_indices = #map}, {transform_indices = #map1}, {transform_indices = #map1}]} {
    %mul3A = arith.constant 16 : i32
    %mul3A_0 = arith.muli %arg0, %mul3A : i32
    %add3A = arith.addi %mul3A_0, %arg1 : i32
    %scan3A = arith.constant 0 : i32
    %scan3A_1 = arith.constant 0 : i32
    %scan3A_2 = arith.constant 128 : i32
    %scan3A_3 = arith.addi %scan3A_1, %scan3A_2 : i32
    %scan3A_4 = arith.constant 1 : i32
    %scan3A_5 = scf.for %scan3A_83 = %scan3A_1 to %scan3A_3 step %scan3A_4 iter_args(%scan3A_84 = %scan3A) -> (i32)  : i32 {
      %broadcast_in_dim3A = arith.constant 0.000000e+00 : f32
      %broadcast_in_dim3A_85 = vector.broadcast %broadcast_in_dim3A : f32 to vector<16xf32>
      %swap3A = arith.index_cast %scan3A_83 : i32 to index
      %swap3A_86 = arith.constant 0 : index
      %swap3A_87 = tpu.vector_load %arg8[%swap3A, %swap3A_86] {strides = array<i32>} : memref<128x128xf32, #tpu.memory_space<vmem>>, vector<1x16xf32>,
      %swap3A_88 = vector.shape_cast %swap3A_87 : vector<1x16xf32> to vector<16xf32>
      %swap3A_89 = vector.shape_cast %broadcast_in_dim3A_85 : vector<16xf32> to vector<1x16xf32>
      tpu.vector_store %arg8[%swap3A, %swap3A_86], %swap3A_89 {strides = array<i32>} : memref<128x128xf32, #tpu.memory_space<vmem>>, vector<1x16xf32>,
      %broadcast_in_dim3A_90 = arith.constant 0.000000e+00 : f32
      %broadcast_in_dim3A_91 = vector.broadcast %broadcast_in_dim3A_90 : f32 to vector<16xf32>
      %swap3A_92 = arith.index_cast %scan3A_83 : i32 to index
      %swap3A_93 = arith.constant 16 : index
      %swap3A_94 = tpu.vector_load %arg8[%swap3A_92, %swap3A_93] {strides = array<i32>} : memref<128x128xf32, #tpu.memory_space<vmem>>, vector<1x16xf32>,
      %swap3A_95 = vector.shape_cast %swap3A_94 : vector<1x16xf32> to vector<16xf32>
      %swap3A_96 = vector.shape_cast %broadcast_in_dim3A_91 : vector<16xf32> to vector<1x16xf32>
      tpu.vector_store %arg8[%swap3A_92, %swap3A_93], %swap3A_96 {strides = array<i32>} : memref<128x128xf32, #tpu.memory_space<vmem>>, vector<1x16xf32>,
      %broadcast_in_dim3A_97 = arith.constant 0.000000e+00 : f32
      %broadcast_in_dim3A_98 = vector.broadcast %broadcast_in_dim3A_97 : f32 to vector<16xf32>
      %swap3A_99 = arith.index_cast %scan3A_83 : i32 to index
      %swap3A_100 = arith.constant 32 : index
      %swap3A_101 = tpu.vector_load %arg8[%swap3A_99, %swap3A_100] {strides = array<i32>} : memref<128x128xf32, #tpu.memory_space<vmem>>, vector<1x16xf32>,
      %swap3A_102 = vector.shape_cast %swap3A_101 : vector<1x16xf32> to vector<16xf32>
      %swap3A_103 = vector.shape_cast %broadcast_in_dim3A_98 : vector<16xf32> to vector<1x16xf32>
      tpu.vector_store %arg8[%swap3A_99, %swap3A_100], %swap3A_103 {strides = array<i32>} : memref<128x128xf32, #tpu.memory_space<vmem>>, vector<1x16xf32>,
      %broadcast_in_dim3A_104 = arith.constant 0.000000e+00 : f32
      %broadcast_in_dim3A_105 = vector.broadcast %broadcast_in_dim3A_104 : f32 to vector<16xf32>
      %swap3A_106 = arith.index_cast %scan3A_83 : i32 to index
      %swap3A_107 = arith.constant 48 : index
      %swap3A_108 = tpu.vector_load %arg8[%swap3A_106, %swap3A_107] {strides = array<i32>} : memref<128x128xf32, #tpu.memory_space<vmem>>, vector<1x16xf32>,
      %swap3A_109 = vector.shape_cast %swap3A_108 : vector<1x16xf32> to vector<16xf32>
      %swap3A_110 = vector.shape_cast %broadcast_in_dim3A_105 : vector<16xf32> to vector<1x16xf32>
      tpu.vector_store %arg8[%swap3A_106, %swap3A_107], %swap3A_110 {strides = array<i32>} : memref<128x128xf32, #tpu.memory_space<vmem>>, vector<1x16xf32>,
      %broadcast_in_dim3A_111 = arith.constant 0.000000e+00 : f32
      %broadcast_in_dim3A_112 = vector.broadcast %broadcast_in_dim3A_111 : f32 to vector<16xf32>
      %swap3A_113 = arith.index_cast %scan3A_83 : i32 to index
      %swap3A_114 = arith.constant 64 : index
      %swap3A_115 = tpu.vector_load %arg8[%swap3A_113, %swap3A_114] {strides = array<i32>} : memref<128x128xf32, #tpu.memory_space<vmem>>, vector<1x16xf32>,
      %swap3A_116 = vector.shape_cast %swap3A_115 : vector<1x16xf32> to vector<16xf32>
      %swap3A_117 = vector.shape_cast %broadcast_in_dim3A_112 : vector<16xf32> to vector<1x16xf32>
      tpu.vector_store %arg8[%swap3A_113, %swap3A_114], %swap3A_117 {strides = array<i32>} : memref<128x128xf32, #tpu.memory_space<vmem>>, vector<1x16xf32>,
      %broadcast_in_dim3A_118 = arith.constant 0.000000e+00 : f32
      %broadcast_in_dim3A_119 = vector.broadcast %broadcast_in_dim3A_118 : f32 to vector<16xf32>
      %swap3A_120 = arith.index_cast %scan3A_83 : i32 to index
      %swap3A_121 = arith.constant 80 : index
      %swap3A_122 = tpu.vector_load %arg8[%swap3A_120, %swap3A_121] {strides = array<i32>} : memref<128x128xf32, #tpu.memory_space<vmem>>, vector<1x16xf32>,
      %swap3A_123 = vector.shape_cast %swap3A_122 : vector<1x16xf32> to vector<16xf32>
      %swap3A_124 = vector.shape_cast %broadcast_in_dim3A_119 : vector<16xf32> to vector<1x16xf32>
      tpu.vector_store %arg8[%swap3A_120, %swap3A_121], %swap3A_124 {strides = array<i32>} : memref<128x128xf32, #tpu.memory_space<vmem>>, vector<1x16xf32>,
      %broadcast_in_dim3A_125 = arith.constant 0.000000e+00 : f32
      %broadcast_in_dim3A_126 = vector.broadcast %broadcast_in_dim3A_125 : f32 to vector<16xf32>
      %swap3A_127 = arith.index_cast %scan3A_83 : i32 to index
      %swap3A_128 = arith.constant 96 : index
      %swap3A_129 = tpu.vector_load %arg8[%swap3A_127, %swap3A_128] {strides = array<i32>} : memref<128x128xf32, #tpu.memory_space<vmem>>, vector<1x16xf32>,
      %swap3A_130 = vector.shape_cast %swap3A_129 : vector<1x16xf32> to vector<16xf32>
      %swap3A_131 = vector.shape_cast %broadcast_in_dim3A_126 : vector<16xf32> to vector<1x16xf32>
      tpu.vector_store %arg8[%swap3A_127, %swap3A_128], %swap3A_131 {strides = array<i32>} : memref<128x128xf32, #tpu.memory_space<vmem>>, vector<1x16xf32>,
      %broadcast_in_dim3A_132 = arith.constant 0.000000e+00 : f32
      %broadcast_in_dim3A_133 = vector.broadcast %broadcast_in_dim3A_132 : f32 to vector<16xf32>
      %swap3A_134 = arith.index_cast %scan3A_83 : i32 to index
      %swap3A_135 = arith.constant 112 : index
      %swap3A_136 = tpu.vector_load %arg8[%swap3A_134, %swap3A_135] {strides = array<i32>} : memref<128x128xf32, #tpu.memory_space<vmem>>, vector<1x16xf32>,
      %swap3A_137 = vector.shape_cast %swap3A_136 : vector<1x16xf32> to vector<16xf32>
      %swap3A_138 = vector.shape_cast %broadcast_in_dim3A_133 : vector<16xf32> to vector<1x16xf32>
      tpu.vector_store %arg8[%swap3A_134, %swap3A_135], %swap3A_138 {strides = array<i32>} : memref<128x128xf32, #tpu.memory_space<vmem>>, vector<1x16xf32>,
      %scan3A_139 = arith.constant 0 : i32
      scf.yield %scan3A_139 : i32
    }
    %scan3A_6 = arith.constant 128 : i32
    %mul3A_7 = arith.constant 625 : i32
    %mul3A_8 = arith.muli %arg1, %mul3A_7 : i32
    %add3A_9 = arith.constant 0 : i32
    %add3A_10 = arith.addi %mul3A_8, %add3A_9 : i32
    "tpu.region"() ({
      %run_scoped3A_83 = tpu.sem_alloc : memref<!tpu.dma_semaphore, #tpu.memory_space<semaphore_mem>>
      %dma_start3A_84 = arith.constant 0 : i32
      %dma_start3A_85 = tpu.memref_slice %arg11[%add3A_10, %dma_start3A_84] : memref<10008x128xf32, #tpu.memory_space<vmem_shared>> -> memref<128x128xf32, #tpu.memory_space<vmem_shared>>
      %dma_start3A_86 = arith.constant 0 : i32
      %dma_start3A_87 = tpu.memref_slice %arg11[%add3A_10, %dma_start3A_86] : memref<10008x128xf32, #tpu.memory_space<vmem_shared>> -> memref<128x128xf32, #tpu.memory_space<vmem_shared>>
      tpu.enqueue_dma source(%arg8 : memref<128x128xf32, #tpu.memory_space<vmem>>) target(%dma_start3A_87 : memref<128x128xf32, #tpu.memory_space<vmem_shared>>) target_semaphore(%run_scoped3A_83 : memref<!tpu.dma_semaphore, #tpu.memory_space<semaphore_mem>>)
      %dma_wait3A_88 = arith.constant 0 : i32
      %dma_wait3A_89 = tpu.memref_slice %arg11[%add3A_10, %dma_wait3A_88] : memref<10008x128xf32, #tpu.memory_space<vmem_shared>> -> memref<128x128xf32, #tpu.memory_space<vmem_shared>>
      %dma_wait3A_90 = arith.constant 0 : i32
      %dma_wait3A_91 = tpu.memref_slice %arg11[%add3A_10, %dma_wait3A_90] : memref<10008x128xf32, #tpu.memory_space<vmem_shared>> -> memref<128x128xf32, #tpu.memory_space<vmem_shared>>
      tpu.wait_dma2 semaphore(%run_scoped3A_83 : memref<!tpu.dma_semaphore, #tpu.memory_space<semaphore_mem>>) src(%arg8 : memref<128x128xf32, #tpu.memory_space<vmem>>) dst(%dma_wait3A_91 : memref<128x128xf32, #tpu.memory_space<vmem_shared>>)
      tpu.yield
    }) : () -> ()
    %mul3A_11 = arith.constant 625 : i32
    %mul3A_12 = arith.muli %arg1, %mul3A_11 : i32
    %add3A_13 = arith.constant 128 : i32
    %add3A_14 = arith.addi %mul3A_12, %add3A_13 : i32
    "tpu.region"() ({
      %run_scoped3A_83 = tpu.sem_alloc : memref<!tpu.dma_semaphore, #tpu.memory_space<semaphore_mem>>
      %dma_start3A_84 = arith.constant 0 : i32
      %dma_start3A_85 = tpu.memref_slice %arg11[%add3A_14, %dma_start3A_84] : memref<10008x128xf32, #tpu.memory_space<vmem_shared>> -> memref<128x128xf32, #tpu.memory_space<vmem_shared>>
      %dma_start3A_86 = arith.constant 0 : i32
      %dma_start3A_87 = tpu.memref_slice %arg11[%add3A_14, %dma_start3A_86] : memref<10008x128xf32, #tpu.memory_space<vmem_shared>> -> memref<128x128xf32, #tpu.memory_space<vmem_shared>>
      tpu.enqueue_dma source(%arg8 : memref<128x128xf32, #tpu.memory_space<vmem>>) target(%dma_start3A_87 : memref<128x128xf32, #tpu.memory_space<vmem_shared>>) target_semaphore(%run_scoped3A_83 : memref<!tpu.dma_semaphore, #tpu.memory_space<semaphore_mem>>)
      %dma_wait3A_88 = arith.constant 0 : i32
      %dma_wait3A_89 = tpu.memref_slice %arg11[%add3A_14, %dma_wait3A_88] : memref<10008x128xf32, #tpu.memory_space<vmem_shared>> -> memref<128x128xf32, #tpu.memory_space<vmem_shared>>
      %dma_wait3A_90 = arith.constant 0 : i32
      %dma_wait3A_91 = tpu.memref_slice %arg11[%add3A_14, %dma_wait3A_90] : memref<10008x128xf32, #tpu.memory_space<vmem_shared>> -> memref<128x128xf32, #tpu.memory_space<vmem_shared>>
      tpu.wait_dma2 semaphore(%run_scoped3A_83 : memref<!tpu.dma_semaphore, #tpu.memory_space<semaphore_mem>>) src(%arg8 : memref<128x128xf32, #tpu.memory_space<vmem>>) dst(%dma_wait3A_91 : memref<128x128xf32, #tpu.memory_space<vmem_shared>>)
      tpu.yield
    }) : () -> ()
    %mul3A_15 = arith.constant 625 : i32
    %mul3A_16 = arith.muli %arg1, %mul3A_15 : i32
    %add3A_17 = arith.constant 256 : i32
    %add3A_18 = arith.addi %mul3A_16, %add3A_17 : i32
    "tpu.region"() ({
      %run_scoped3A_83 = tpu.sem_alloc : memref<!tpu.dma_semaphore, #tpu.memory_space<semaphore_mem>>
      %dma_start3A_84 = arith.constant 0 : i32
      %dma_start3A_85 = tpu.memref_slice %arg11[%add3A_18, %dma_start3A_84] : memref<10008x128xf32, #tpu.memory_space<vmem_shared>> -> memref<128x128xf32, #tpu.memory_space<vmem_shared>>
      %dma_start3A_86 = arith.constant 0 : i32
      %dma_start3A_87 = tpu.memref_slice %arg11[%add3A_18, %dma_start3A_86] : memref<10008x128xf32, #tpu.memory_space<vmem_shared>> -> memref<128x128xf32, #tpu.memory_space<vmem_shared>>
      tpu.enqueue_dma source(%arg8 : memref<128x128xf32, #tpu.memory_space<vmem>>) target(%dma_start3A_87 : memref<128x128xf32, #tpu.memory_space<vmem_shared>>) target_semaphore(%run_scoped3A_83 : memref<!tpu.dma_semaphore, #tpu.memory_space<semaphore_mem>>)
      %dma_wait3A_88 = arith.constant 0 : i32
      %dma_wait3A_89 = tpu.memref_slice %arg11[%add3A_18, %dma_wait3A_88] : memref<10008x128xf32, #tpu.memory_space<vmem_shared>> -> memref<128x128xf32, #tpu.memory_space<vmem_shared>>
      %dma_wait3A_90 = arith.constant 0 : i32
      %dma_wait3A_91 = tpu.memref_slice %arg11[%add3A_18, %dma_wait3A_90] : memref<10008x128xf32, #tpu.memory_space<vmem_shared>> -> memref<128x128xf32, #tpu.memory_space<vmem_shared>>
      tpu.wait_dma2 semaphore(%run_scoped3A_83 : memref<!tpu.dma_semaphore, #tpu.memory_space<semaphore_mem>>) src(%arg8 : memref<128x128xf32, #tpu.memory_space<vmem>>) dst(%dma_wait3A_91 : memref<128x128xf32, #tpu.memory_space<vmem_shared>>)
      tpu.yield
    }) : () -> ()
    %mul3A_19 = arith.constant 625 : i32
    %mul3A_20 = arith.muli %arg1, %mul3A_19 : i32
    %add3A_21 = arith.constant 384 : i32
    %add3A_22 = arith.addi %mul3A_20, %add3A_21 : i32
    "tpu.region"() ({
      %run_scoped3A_83 = tpu.sem_alloc : memref<!tpu.dma_semaphore, #tpu.memory_space<semaphore_mem>>
      %dma_start3A_84 = arith.constant 0 : i32
      %dma_start3A_85 = tpu.memref_slice %arg11[%add3A_22, %dma_start3A_84] : memref<10008x128xf32, #tpu.memory_space<vmem_shared>> -> memref<128x128xf32, #tpu.memory_space<vmem_shared>>
      %dma_start3A_86 = arith.constant 0 : i32
      %dma_start3A_87 = tpu.memref_slice %arg11[%add3A_22, %dma_start3A_86] : memref<10008x128xf32, #tpu.memory_space<vmem_shared>> -> memref<128x128xf32, #tpu.memory_space<vmem_shared>>
      tpu.enqueue_dma source(%arg8 : memref<128x128xf32, #tpu.memory_space<vmem>>) target(%dma_start3A_87 : memref<128x128xf32, #tpu.memory_space<vmem_shared>>) target_semaphore(%run_scoped3A_83 : memref<!tpu.dma_semaphore, #tpu.memory_space<semaphore_mem>>)
      %dma_wait3A_88 = arith.constant 0 : i32
      %dma_wait3A_89 = tpu.memref_slice %arg11[%add3A_22, %dma_wait3A_88] : memref<10008x128xf32, #tpu.memory_space<vmem_shared>> -> memref<128x128xf32, #tpu.memory_space<vmem_shared>>
      %dma_wait3A_90 = arith.constant 0 : i32
      %dma_wait3A_91 = tpu.memref_slice %arg11[%add3A_22, %dma_wait3A_90] : memref<10008x128xf32, #tpu.memory_space<vmem_shared>> -> memref<128x128xf32, #tpu.memory_space<vmem_shared>>
      tpu.wait_dma2 semaphore(%run_scoped3A_83 : memref<!tpu.dma_semaphore, #tpu.memory_space<semaphore_mem>>) src(%arg8 : memref<128x128xf32, #tpu.memory_space<vmem>>) dst(%dma_wait3A_91 : memref<128x128xf32, #tpu.memory_space<vmem_shared>>)
      tpu.yield
    }) : () -> ()
    %mul3A_23 = arith.constant 625 : i32
    %mul3A_24 = arith.muli %arg1, %mul3A_23 : i32
    %add3A_25 = arith.constant 625 : i32
    %add3A_26 = arith.addi %mul3A_24, %add3A_25 : i32
    %sub3A = arith.constant 113 : i32
    %sub3A_27 = arith.subi %add3A_26, %sub3A : i32
    "tpu.region"() ({
      %run_scoped3A_83 = tpu.sem_alloc : memref<!tpu.dma_semaphore, #tpu.memory_space<semaphore_mem>>
      %dma_start3A_84 = arith.constant 0 : i32
      %dma_start3A_85 = arith.constant 0 : i32
      %dma_start3A_86 = tpu.memref_slice %arg8[%dma_start3A_84, %dma_start3A_85] : memref<128x128xf32, #tpu.memory_space<vmem>> -> memref<113x128xf32, #tpu.memory_space<vmem>>
      %dma_start3A_87 = arith.constant 0 : i32
      %dma_start3A_88 = tpu.memref_slice %arg11[%sub3A_27, %dma_start3A_87] : memref<10008x128xf32, #tpu.memory_space<vmem_shared>> -> memref<113x128xf32, #tpu.memory_space<vmem_shared>>
      %dma_start3A_89 = arith.constant 0 : i32
      %dma_start3A_90 = tpu.memref_slice %arg11[%sub3A_27, %dma_start3A_89] : memref<10008x128xf32, #tpu.memory_space<vmem_shared>> -> memref<113x128xf32, #tpu.memory_space<vmem_shared>>
      %dma_start3A_91 = arith.constant 0 : i32
      %dma_start3A_92 = arith.constant 0 : i32
      %dma_start3A_93 = tpu.memref_slice %arg8[%dma_start3A_91, %dma_start3A_92] : memref<128x128xf32, #tpu.memory_space<vmem>> -> memref<113x128xf32, #tpu.memory_space<vmem>>
      tpu.enqueue_dma source(%dma_start3A_93 : memref<113x128xf32, #tpu.memory_space<vmem>>) target(%dma_start3A_90 : memref<113x128xf32, #tpu.memory_space<vmem_shared>>) target_semaphore(%run_scoped3A_83 : memref<!tpu.dma_semaphore, #tpu.memory_space<semaphore_mem>>)
      %dma_wait3A_94 = arith.constant 0 : i32
      %dma_wait3A_95 = arith.constant 0 : i32
      %dma_wait3A_96 = tpu.memref_slice %arg8[%dma_wait3A_94, %dma_wait3A_95] : memref<128x128xf32, #tpu.memory_space<vmem>> -> memref<113x128xf32, #tpu.memory_space<vmem>>
      %dma_wait3A_97 = arith.constant 0 : i32
      %dma_wait3A_98 = tpu.memref_slice %arg11[%sub3A_27, %dma_wait3A_97] : memref<10008x128xf32, #tpu.memory_space<vmem_shared>> -> memref<113x128xf32, #tpu.memory_space<vmem_shared>>
      %dma_wait3A_99 = arith.constant 0 : i32
      %dma_wait3A_100 = tpu.memref_slice %arg11[%sub3A_27, %dma_wait3A_99] : memref<10008x128xf32, #tpu.memory_space<vmem_shared>> -> memref<113x128xf32, #tpu.memory_space<vmem_shared>>
      %dma_wait3A_101 = arith.constant 0 : i32
      %dma_wait3A_102 = arith.constant 0 : i32
      %dma_wait3A_103 = tpu.memref_slice %arg8[%dma_wait3A_101, %dma_wait3A_102] : memref<128x128xf32, #tpu.memory_space<vmem>> -> memref<113x128xf32, #tpu.memory_space<vmem>>
      tpu.wait_dma2 semaphore(%run_scoped3A_83 : memref<!tpu.dma_semaphore, #tpu.memory_space<semaphore_mem>>) src(%dma_wait3A_103 : memref<113x128xf32, #tpu.memory_space<vmem>>) dst(%dma_wait3A_100 : memref<113x128xf32, #tpu.memory_space<vmem_shared>>)
      tpu.yield
    }) : () -> ()
    %barrier3A = arith.constant 0 : index
    tpu.barrier barrier_id(%barrier3A)
    %run_scoped3A = arith.constant 0 : i32
    "tpu.region"() ({
      %run_scoped3A_83 = tpu.sem_alloc : memref<!tpu.dma_semaphore, #tpu.memory_space<semaphore_mem>>
      %dma_start3A_84 = arith.constant 0 : i32
      %dma_start3A_85 = arith.constant 0 : i32
      %dma_start3A_86 = tpu.memref_slice %arg3[%add3A, %run_scoped3A, %dma_start3A_84, %dma_start3A_85] : memref<32x82x2x128xi32, #tpu.memory_space<hbm>> -> memref<1x1x2x128xi32, #tpu.memory_space<hbm>>
      %dma_start3A_87 = tpu.memref_squeeze %dma_start3A_86 : memref<1x1x2x128xi32, #tpu.memory_space<hbm>> -> memref<2x128xi32, #tpu.memory_space<hbm>>
      %dma_start3A_88 = arith.constant 0 : i32
      %dma_start3A_89 = arith.constant 0 : i32
      %dma_start3A_90 = tpu.memref_slice %arg3[%add3A, %run_scoped3A, %dma_start3A_88, %dma_start3A_89] : memref<32x82x2x128xi32, #tpu.memory_space<hbm>> -> memref<1x1x2x128xi32, #tpu.memory_space<hbm>>
      %dma_start3A_91 = tpu.memref_squeeze %dma_start3A_90 : memref<1x1x2x128xi32, #tpu.memory_space<hbm>> -> memref<2x128xi32, #tpu.memory_space<hbm>>
      tpu.enqueue_dma source(%dma_start3A_91 : memref<2x128xi32, #tpu.memory_space<hbm>>) target(%arg5 : memref<2x128xi32, #tpu.memory_space<vmem>>) target_semaphore(%run_scoped3A_83 : memref<!tpu.dma_semaphore, #tpu.memory_space<semaphore_mem>>)
      %dma_wait3A_92 = arith.constant 0 : i32
      %dma_wait3A_93 = arith.constant 0 : i32
      %dma_wait3A_94 = tpu.memref_slice %arg3[%add3A, %run_scoped3A, %dma_wait3A_92, %dma_wait3A_93] : memref<32x82x2x128xi32, #tpu.memory_space<hbm>> -> memref<1x1x2x128xi32, #tpu.memory_space<hbm>>
      %dma_wait3A_95 = tpu.memref_squeeze %dma_wait3A_94 : memref<1x1x2x128xi32, #tpu.memory_space<hbm>> -> memref<2x128xi32, #tpu.memory_space<hbm>>
      %dma_wait3A_96 = arith.constant 0 : i32
      %dma_wait3A_97 = arith.constant 0 : i32
      %dma_wait3A_98 = tpu.memref_slice %arg3[%add3A, %run_scoped3A, %dma_wait3A_96, %dma_wait3A_97] : memref<32x82x2x128xi32, #tpu.memory_space<hbm>> -> memref<1x1x2x128xi32, #tpu.memory_space<hbm>>
      %dma_wait3A_99 = tpu.memref_squeeze %dma_wait3A_98 : memref<1x1x2x128xi32, #tpu.memory_space<hbm>> -> memref<2x128xi32, #tpu.memory_space<hbm>>
      tpu.wait_dma2 semaphore(%run_scoped3A_83 : memref<!tpu.dma_semaphore, #tpu.memory_space<semaphore_mem>>) src(%dma_wait3A_99 : memref<2x128xi32, #tpu.memory_space<hbm>>) dst(%arg5 : memref<2x128xi32, #tpu.memory_space<vmem>>)
      tpu.yield
    }) : () -> ()
    %dma_start3A = arith.constant 0 : i32
    %dma_start3A_28 = arith.constant 0 : i32
    %dma_start3A_29 = tpu.memref_slice %arg5[%dma_start3A, %dma_start3A_28] : memref<2x128xi32, #tpu.memory_space<vmem>> -> memref<1x128xi32, #tpu.memory_space<vmem>>
    %dma_start3A_30 = tpu.memref_squeeze %dma_start3A_29 : memref<1x128xi32, #tpu.memory_space<vmem>> -> memref<128xi32, #tpu.memory_space<vmem>>
    %dma_start3A_31 = arith.constant 0 : i32
    %dma_start3A_32 = arith.constant 0 : i32
    %dma_start3A_33 = tpu.memref_slice %arg2[%dma_start3A_31, %dma_start3A_32] : memref<10000x128xf32, #tpu.memory_space<hbm>> -> memref<10000x128xf32, #tpu.memory_space<hbm>>
    tpu.enqueue_indirect_dma source(%dma_start3A_33 : memref<10000x128xf32, #tpu.memory_space<hbm>>) target(%arg8 : memref<128x128xf32, #tpu.memory_space<vmem>>) offsets(%dma_start3A_30 : memref<128xi32, #tpu.memory_space<vmem>>) semaphore(%arg12 : memref<!tpu.dma_semaphore, #tpu.memory_space<semaphore_mem>>)
    %run_scoped3A_34 = arith.constant 1 : i32
    "tpu.region"() ({
      %run_scoped3A_83 = tpu.sem_alloc : memref<!tpu.dma_semaphore, #tpu.memory_space<semaphore_mem>>
      %dma_start3A_84 = arith.constant 0 : i32
      %dma_start3A_85 = arith.constant 0 : i32
      %dma_start3A_86 = tpu.memref_slice %arg3[%add3A, %run_scoped3A_34, %dma_start3A_84, %dma_start3A_85] : memref<32x82x2x128xi32, #tpu.memory_space<hbm>> -> memref<1x1x2x128xi32, #tpu.memory_space<hbm>>
      %dma_start3A_87 = tpu.memref_squeeze %dma_start3A_86 : memref<1x1x2x128xi32, #tpu.memory_space<hbm>> -> memref<2x128xi32, #tpu.memory_space<hbm>>
      %dma_start3A_88 = arith.constant 0 : i32
      %dma_start3A_89 = arith.constant 0 : i32
      %dma_start3A_90 = tpu.memref_slice %arg3[%add3A, %run_scoped3A_34, %dma_start3A_88, %dma_start3A_89] : memref<32x82x2x128xi32, #tpu.memory_space<hbm>> -> memref<1x1x2x128xi32, #tpu.memory_space<hbm>>
      %dma_start3A_91 = tpu.memref_squeeze %dma_start3A_90 : memref<1x1x2x128xi32, #tpu.memory_space<hbm>> -> memref<2x128xi32, #tpu.memory_space<hbm>>
      tpu.enqueue_dma source(%dma_start3A_91 : memref<2x128xi32, #tpu.memory_space<hbm>>) target(%arg6 : memref<2x128xi32, #tpu.memory_space<vmem>>) target_semaphore(%run_scoped3A_83 : memref<!tpu.dma_semaphore, #tpu.memory_space<semaphore_mem>>)
      %dma_wait3A_92 = arith.constant 0 : i32
      %dma_wait3A_93 = arith.constant 0 : i32
      %dma_wait3A_94 = tpu.memref_slice %arg3[%add3A, %run_scoped3A_34, %dma_wait3A_92, %dma_wait3A_93] : memref<32x82x2x128xi32, #tpu.memory_space<hbm>> -> memref<1x1x2x128xi32, #tpu.memory_space<hbm>>
      %dma_wait3A_95 = tpu.memref_squeeze %dma_wait3A_94 : memref<1x1x2x128xi32, #tpu.memory_space<hbm>> -> memref<2x128xi32, #tpu.memory_space<hbm>>
      %dma_wait3A_96 = arith.constant 0 : i32
      %dma_wait3A_97 = arith.constant 0 : i32
      %dma_wait3A_98 = tpu.memref_slice %arg3[%add3A, %run_scoped3A_34, %dma_wait3A_96, %dma_wait3A_97] : memref<32x82x2x128xi32, #tpu.memory_space<hbm>> -> memref<1x1x2x128xi32, #tpu.memory_space<hbm>>
      %dma_wait3A_99 = tpu.memref_squeeze %dma_wait3A_98 : memref<1x1x2x128xi32, #tpu.memory_space<hbm>> -> memref<2x128xi32, #tpu.memory_space<hbm>>
      tpu.wait_dma2 semaphore(%run_scoped3A_83 : memref<!tpu.dma_semaphore, #tpu.memory_space<semaphore_mem>>) src(%dma_wait3A_99 : memref<2x128xi32, #tpu.memory_space<hbm>>) dst(%arg6 : memref<2x128xi32, #tpu.memory_space<vmem>>)
      tpu.yield
    }) : () -> ()
    %dma_start3A_35 = arith.constant 0 : i32
    %dma_start3A_36 = arith.constant 0 : i32
    %dma_start3A_37 = tpu.memref_slice %arg6[%dma_start3A_35, %dma_start3A_36] : memref<2x128xi32, #tpu.memory_space<vmem>> -> memref<1x128xi32, #tpu.memory_space<vmem>>
    %dma_start3A_38 = tpu.memref_squeeze %dma_start3A_37 : memref<1x128xi32, #tpu.memory_space<vmem>> -> memref<128xi32, #tpu.memory_space<vmem>>
    %dma_start3A_39 = arith.constant 0 : i32
    %dma_start3A_40 = arith.constant 0 : i32
    %dma_start3A_41 = tpu.memref_slice %arg2[%dma_start3A_39, %dma_start3A_40] : memref<10000x128xf32, #tpu.memory_space<hbm>> -> memref<10000x128xf32, #tpu.memory_space<hbm>>
    tpu.enqueue_indirect_dma source(%dma_start3A_41 : memref<10000x128xf32, #tpu.memory_space<hbm>>) target(%arg9 : memref<128x128xf32, #tpu.memory_space<vmem>>) offsets(%dma_start3A_38 : memref<128xi32, #tpu.memory_space<vmem>>) semaphore(%arg13 : memref<!tpu.dma_semaphore, #tpu.memory_space<semaphore_mem>>)
    %run_scoped3A_42 = arith.constant 2 : i32
    "tpu.region"() ({
      %run_scoped3A_83 = tpu.sem_alloc : memref<!tpu.dma_semaphore, #tpu.memory_space<semaphore_mem>>
      %dma_start3A_84 = arith.constant 0 : i32
      %dma_start3A_85 = arith.constant 0 : i32
      %dma_start3A_86 = tpu.memref_slice %arg3[%add3A, %run_scoped3A_42, %dma_start3A_84, %dma_start3A_85] : memref<32x82x2x128xi32, #tpu.memory_space<hbm>> -> memref<1x1x2x128xi32, #tpu.memory_space<hbm>>
      %dma_start3A_87 = tpu.memref_squeeze %dma_start3A_86 : memref<1x1x2x128xi32, #tpu.memory_space<hbm>> -> memref<2x128xi32, #tpu.memory_space<hbm>>
      %dma_start3A_88 = arith.constant 0 : i32
      %dma_start3A_89 = arith.constant 0 : i32
      %dma_start3A_90 = tpu.memref_slice %arg3[%add3A, %run_scoped3A_42, %dma_start3A_88, %dma_start3A_89] : memref<32x82x2x128xi32, #tpu.memory_space<hbm>> -> memref<1x1x2x128xi32, #tpu.memory_space<hbm>>
      %dma_start3A_91 = tpu.memref_squeeze %dma_start3A_90 : memref<1x1x2x128xi32, #tpu.memory_space<hbm>> -> memref<2x128xi32, #tpu.memory_space<hbm>>
      tpu.enqueue_dma source(%dma_start3A_91 : memref<2x128xi32, #tpu.memory_space<hbm>>) target(%arg7 : memref<2x128xi32, #tpu.memory_space<vmem>>) target_semaphore(%run_scoped3A_83 : memref<!tpu.dma_semaphore, #tpu.memory_space<semaphore_mem>>)
      %dma_wait3A_92 = arith.constant 0 : i32
      %dma_wait3A_93 = arith.constant 0 : i32
      %dma_wait3A_94 = tpu.memref_slice %arg3[%add3A, %run_scoped3A_42, %dma_wait3A_92, %dma_wait3A_93] : memref<32x82x2x128xi32, #tpu.memory_space<hbm>> -> memref<1x1x2x128xi32, #tpu.memory_space<hbm>>
      %dma_wait3A_95 = tpu.memref_squeeze %dma_wait3A_94 : memref<1x1x2x128xi32, #tpu.memory_space<hbm>> -> memref<2x128xi32, #tpu.memory_space<hbm>>
      %dma_wait3A_96 = arith.constant 0 : i32
      %dma_wait3A_97 = arith.constant 0 : i32
      %dma_wait3A_98 = tpu.memref_slice %arg3[%add3A, %run_scoped3A_42, %dma_wait3A_96, %dma_wait3A_97] : memref<32x82x2x128xi32, #tpu.memory_space<hbm>> -> memref<1x1x2x128xi32, #tpu.memory_space<hbm>>
      %dma_wait3A_99 = tpu.memref_squeeze %dma_wait3A_98 : memref<1x1x2x128xi32, #tpu.memory_space<hbm>> -> memref<2x128xi32, #tpu.memory_space<hbm>>
      tpu.wait_dma2 semaphore(%run_scoped3A_83 : memref<!tpu.dma_semaphore, #tpu.memory_space<semaphore_mem>>) src(%dma_wait3A_99 : memref<2x128xi32, #tpu.memory_space<hbm>>) dst(%arg7 : memref<2x128xi32, #tpu.memory_space<vmem>>)
      tpu.yield
    }) : () -> ()
    %dma_start3A_43 = arith.constant 0 : i32
    %dma_start3A_44 = arith.constant 0 : i32
    %dma_start3A_45 = tpu.memref_slice %arg7[%dma_start3A_43, %dma_start3A_44] : memref<2x128xi32, #tpu.memory_space<vmem>> -> memref<1x128xi32, #tpu.memory_space<vmem>>
    %dma_start3A_46 = tpu.memref_squeeze %dma_start3A_45 : memref<1x128xi32, #tpu.memory_space<vmem>> -> memref<128xi32, #tpu.memory_space<vmem>>
    %dma_start3A_47 = arith.constant 0 : i32
    %dma_start3A_48 = arith.constant 0 : i32
    %dma_start3A_49 = tpu.memref_slice %arg2[%dma_start3A_47, %dma_start3A_48] : memref<10000x128xf32, #tpu.memory_space<hbm>> -> memref<10000x128xf32, #tpu.memory_space<hbm>>
    tpu.enqueue_indirect_dma source(%dma_start3A_49 : memref<10000x128xf32, #tpu.memory_space<hbm>>) target(%arg10 : memref<128x128xf32, #tpu.memory_space<vmem>>) offsets(%dma_start3A_46 : memref<128xi32, #tpu.memory_space<vmem>>) semaphore(%arg14 : memref<!tpu.dma_semaphore, #tpu.memory_space<semaphore_mem>>)
    %scan3A_50 = arith.constant 0 : i32
    %scan3A_51 = arith.constant 0 : i32
    %scan3A_52 = arith.constant 26 : i32
    %scan3A_53 = arith.addi %scan3A_51, %scan3A_52 : i32
    %scan3A_54 = arith.constant 1 : i32
    %scan3A_55 = scf.for %scan3A_83 = %scan3A_51 to %scan3A_53 step %scan3A_54 iter_args(%scan3A_84 = %scan3A_50) -> (i32)  : i32 {
      %mul3A_85 = arith.constant 3 : i32
      %mul3A_86 = arith.muli %mul3A_85, %scan3A_83 : i32
      %add3A_87 = arith.constant 3 : i32
      %add3A_88 = arith.addi %mul3A_86, %add3A_87 : i32
      %dma_wait3A_89 = arith.constant 0 : i32
      %dma_wait3A_90 = arith.constant 0 : i32
      %dma_wait3A_91 = tpu.memref_slice %arg5[%dma_wait3A_89, %dma_wait3A_90] : memref<2x128xi32, #tpu.memory_space<vmem>> -> memref<1x128xi32, #tpu.memory_space<vmem>>
      %dma_wait3A_92 = tpu.memref_squeeze %dma_wait3A_91 : memref<1x128xi32, #tpu.memory_space<vmem>> -> memref<128xi32, #tpu.memory_space<vmem>>
      %dma_wait3A_93 = arith.constant 0 : i32
      %dma_wait3A_94 = arith.constant 0 : i32
      %dma_wait3A_95 = tpu.memref_slice %arg2[%dma_wait3A_93, %dma_wait3A_94] : memref<10000x128xf32, #tpu.memory_space<hbm>> -> memref<10000x128xf32, #tpu.memory_space<hbm>>
      tpu.wait_indirect_dma semaphore(%arg12 : memref<!tpu.dma_semaphore, #tpu.memory_space<semaphore_mem>>) src(%dma_wait3A_95 : memref<10000x128xf32, #tpu.memory_space<hbm>>) dst(%arg8 : memref<128x128xf32, #tpu.memory_space<vmem>>)
      %run_scoped3A_96 = arith.constant 1 : i32
      "tpu.region"() ({
        %run_scoped3A_141 = tpu.sem_alloc : memref<!tpu.dma_semaphore, #tpu.memory_space<semaphore_mem>>
        %dma_start3A_142 = arith.constant 0 : i32
        %dma_start3A_143 = tpu.memref_slice %arg5[%run_scoped3A_96, %dma_start3A_142] : memref<2x128xi32, #tpu.memory_space<vmem>> -> memref<1x128xi32, #tpu.memory_space<vmem>>
        %dma_start3A_144 = tpu.memref_squeeze %dma_start3A_143 : memref<1x128xi32, #tpu.memory_space<vmem>> -> memref<128xi32, #tpu.memory_space<vmem>>
        %dma_start3A_145 = arith.constant 0 : i32
        %dma_start3A_146 = arith.constant 0 : i32
        %dma_start3A_147 = tpu.memref_slice %arg11[%dma_start3A_145, %dma_start3A_146] : memref<10008x128xf32, #tpu.memory_space<vmem_shared>> -> memref<10008x128xf32, #tpu.memory_space<vmem_shared>>
        tpu.enqueue_indirect_dma source(%arg8 : memref<128x128xf32, #tpu.memory_space<vmem>>) target(%dma_start3A_147 : memref<10008x128xf32, #tpu.memory_space<vmem_shared>>) offsets(%dma_start3A_144 : memref<128xi32, #tpu.memory_space<vmem>>) semaphore(%run_scoped3A_141 : memref<!tpu.dma_semaphore, #tpu.memory_space<semaphore_mem>>) {add = true}
        %dma_wait3A_148 = arith.constant 0 : i32
        %dma_wait3A_149 = tpu.memref_slice %arg5[%run_scoped3A_96, %dma_wait3A_148] : memref<2x128xi32, #tpu.memory_space<vmem>> -> memref<1x128xi32, #tpu.memory_space<vmem>>
        %dma_wait3A_150 = tpu.memref_squeeze %dma_wait3A_149 : memref<1x128xi32, #tpu.memory_space<vmem>> -> memref<128xi32, #tpu.memory_space<vmem>>
        %dma_wait3A_151 = arith.constant 0 : i32
        %dma_wait3A_152 = arith.constant 0 : i32
        %dma_wait3A_153 = tpu.memref_slice %arg11[%dma_wait3A_151, %dma_wait3A_152] : memref<10008x128xf32, #tpu.memory_space<vmem_shared>> -> memref<10008x128xf32, #tpu.memory_space<vmem_shared>>
        tpu.wait_indirect_dma semaphore(%run_scoped3A_141 : memref<!tpu.dma_semaphore, #tpu.memory_space<semaphore_mem>>) src(%arg8 : memref<128x128xf32, #tpu.memory_space<vmem>>) dst(%dma_wait3A_153 : memref<10008x128xf32, #tpu.memory_space<vmem_shared>>)
        tpu.yield
      }) : () -> ()
      %add3A_97 = arith.constant 0 : i32
      %add3A_98 = arith.addi %add3A_88, %add3A_97 : i32
      "tpu.region"() ({
        %run_scoped3A_141 = tpu.sem_alloc : memref<!tpu.dma_semaphore, #tpu.memory_space<semaphore_mem>>
        %dma_start3A_142 = arith.constant 0 : i32
        %dma_start3A_143 = arith.constant 0 : i32
        %dma_start3A_144 = tpu.memref_slice %arg3[%add3A, %add3A_98, %dma_start3A_142, %dma_start3A_143] : memref<32x82x2x128xi32, #tpu.memory_space<hbm>> -> memref<1x1x2x128xi32, #tpu.memory_space<hbm>>
        %dma_start3A_145 = tpu.memref_squeeze %dma_start3A_144 : memref<1x1x2x128xi32, #tpu.memory_space<hbm>> -> memref<2x128xi32, #tpu.memory_space<hbm>>
        %dma_start3A_146 = arith.constant 0 : i32
        %dma_start3A_147 = arith.constant 0 : i32
        %dma_start3A_148 = tpu.memref_slice %arg3[%add3A, %add3A_98, %dma_start3A_146, %dma_start3A_147] : memref<32x82x2x128xi32, #tpu.memory_space<hbm>> -> memref<1x1x2x128xi32, #tpu.memory_space<hbm>>
        %dma_start3A_149 = tpu.memref_squeeze %dma_start3A_148 : memref<1x1x2x128xi32, #tpu.memory_space<hbm>> -> memref<2x128xi32, #tpu.memory_space<hbm>>
        tpu.enqueue_dma source(%dma_start3A_149 : memref<2x128xi32, #tpu.memory_space<hbm>>) target(%arg5 : memref<2x128xi32, #tpu.memory_space<vmem>>) target_semaphore(%run_scoped3A_141 : memref<!tpu.dma_semaphore, #tpu.memory_space<semaphore_mem>>)
        %dma_wait3A_150 = arith.constant 0 : i32
        %dma_wait3A_151 = arith.constant 0 : i32
        %dma_wait3A_152 = tpu.memref_slice %arg3[%add3A, %add3A_98, %dma_wait3A_150, %dma_wait3A_151] : memref<32x82x2x128xi32, #tpu.memory_space<hbm>> -> memref<1x1x2x128xi32, #tpu.memory_space<hbm>>
        %dma_wait3A_153 = tpu.memref_squeeze %dma_wait3A_152 : memref<1x1x2x128xi32, #tpu.memory_space<hbm>> -> memref<2x128xi32, #tpu.memory_space<hbm>>
        %dma_wait3A_154 = arith.constant 0 : i32
        %dma_wait3A_155 = arith.constant 0 : i32
        %dma_wait3A_156 = tpu.memref_slice %arg3[%add3A, %add3A_98, %dma_wait3A_154, %dma_wait3A_155] : memref<32x82x2x128xi32, #tpu.memory_space<hbm>> -> memref<1x1x2x128xi32, #tpu.memory_space<hbm>>
        %dma_wait3A_157 = tpu.memref_squeeze %dma_wait3A_156 : memref<1x1x2x128xi32, #tpu.memory_space<hbm>> -> memref<2x128xi32, #tpu.memory_space<hbm>>
        tpu.wait_dma2 semaphore(%run_scoped3A_141 : memref<!tpu.dma_semaphore, #tpu.memory_space<semaphore_mem>>) src(%dma_wait3A_157 : memref<2x128xi32, #tpu.memory_space<hbm>>) dst(%arg5 : memref<2x128xi32, #tpu.memory_space<vmem>>)
        tpu.yield
      }) : () -> ()
      %dma_start3A_99 = arith.constant 0 : i32
      %dma_start3A_100 = arith.constant 0 : i32
      %dma_start3A_101 = tpu.memref_slice %arg5[%dma_start3A_99, %dma_start3A_100] : memref<2x128xi32, #tpu.memory_space<vmem>> -> memref<1x128xi32, #tpu.memory_space<vmem>>
      %dma_start3A_102 = tpu.memref_squeeze %dma_start3A_101 : memref<1x128xi32, #tpu.memory_space<vmem>> -> memref<128xi32, #tpu.memory_space<vmem>>
      %dma_start3A_103 = arith.constant 0 : i32
      %dma_start3A_104 = arith.constant 0 : i32
      %dma_start3A_105 = tpu.memref_slice %arg2[%dma_start3A_103, %dma_start3A_104] : memref<10000x128xf32, #tpu.memory_space<hbm>> -> memref<10000x128xf32, #tpu.memory_space<hbm>>
      tpu.enqueue_indirect_dma source(%dma_start3A_105 : memref<10000x128xf32, #tpu.memory_space<hbm>>) target(%arg8 : memref<128x128xf32, #tpu.memory_space<vmem>>) offsets(%dma_start3A_102 : memref<128xi32, #tpu.memory_space<vmem>>) semaphore(%arg12 : memref<!tpu.dma_semaphore, #tpu.memory_space<semaphore_mem>>)
      %dma_wait3A_106 = arith.constant 0 : i32
      %dma_wait3A_107 = arith.constant 0 : i32
      %dma_wait3A_108 = tpu.memref_slice %arg6[%dma_wait3A_106, %dma_wait3A_107] : memref<2x128xi32, #tpu.memory_space<vmem>> -> memref<1x128xi32, #tpu.memory_space<vmem>>
      %dma_wait3A_109 = tpu.memref_squeeze %dma_wait3A_108 : memref<1x128xi32, #tpu.memory_space<vmem>> -> memref<128xi32, #tpu.memory_space<vmem>>
      %dma_wait3A_110 = arith.constant 0 : i32
      %dma_wait3A_111 = arith.constant 0 : i32
      %dma_wait3A_112 = tpu.memref_slice %arg2[%dma_wait3A_110, %dma_wait3A_111] : memref<10000x128xf32, #tpu.memory_space<hbm>> -> memref<10000x128xf32, #tpu.memory_space<hbm>>
      tpu.wait_indirect_dma semaphore(%arg13 : memref<!tpu.dma_semaphore, #tpu.memory_space<semaphore_mem>>) src(%dma_wait3A_112 : memref<10000x128xf32, #tpu.memory_space<hbm>>) dst(%arg9 : memref<128x128xf32, #tpu.memory_space<vmem>>)
      %run_scoped3A_113 = arith.constant 1 : i32
      "tpu.region"() ({
        %run_scoped3A_141 = tpu.sem_alloc : memref<!tpu.dma_semaphore, #tpu.memory_space<semaphore_mem>>
        %dma_start3A_142 = arith.constant 0 : i32
        %dma_start3A_143 = tpu.memref_slice %arg6[%run_scoped3A_113, %dma_start3A_142] : memref<2x128xi32, #tpu.memory_space<vmem>> -> memref<1x128xi32, #tpu.memory_space<vmem>>
        %dma_start3A_144 = tpu.memref_squeeze %dma_start3A_143 : memref<1x128xi32, #tpu.memory_space<vmem>> -> memref<128xi32, #tpu.memory_space<vmem>>
        %dma_start3A_145 = arith.constant 0 : i32
        %dma_start3A_146 = arith.constant 0 : i32
        %dma_start3A_147 = tpu.memref_slice %arg11[%dma_start3A_145, %dma_start3A_146] : memref<10008x128xf32, #tpu.memory_space<vmem_shared>> -> memref<10008x128xf32, #tpu.memory_space<vmem_shared>>
        tpu.enqueue_indirect_dma source(%arg9 : memref<128x128xf32, #tpu.memory_space<vmem>>) target(%dma_start3A_147 : memref<10008x128xf32, #tpu.memory_space<vmem_shared>>) offsets(%dma_start3A_144 : memref<128xi32, #tpu.memory_space<vmem>>) semaphore(%run_scoped3A_141 : memref<!tpu.dma_semaphore, #tpu.memory_space<semaphore_mem>>) {add = true}
        %dma_wait3A_148 = arith.constant 0 : i32
        %dma_wait3A_149 = tpu.memref_slice %arg6[%run_scoped3A_113, %dma_wait3A_148] : memref<2x128xi32, #tpu.memory_space<vmem>> -> memref<1x128xi32, #tpu.memory_space<vmem>>
        %dma_wait3A_150 = tpu.memref_squeeze %dma_wait3A_149 : memref<1x128xi32, #tpu.memory_space<vmem>> -> memref<128xi32, #tpu.memory_space<vmem>>
        %dma_wait3A_151 = arith.constant 0 : i32
        %dma_wait3A_152 = arith.constant 0 : i32
        %dma_wait3A_153 = tpu.memref_slice %arg11[%dma_wait3A_151, %dma_wait3A_152] : memref<10008x128xf32, #tpu.memory_space<vmem_shared>> -> memref<10008x128xf32, #tpu.memory_space<vmem_shared>>
        tpu.wait_indirect_dma semaphore(%run_scoped3A_141 : memref<!tpu.dma_semaphore, #tpu.memory_space<semaphore_mem>>) src(%arg9 : memref<128x128xf32, #tpu.memory_space<vmem>>) dst(%dma_wait3A_153 : memref<10008x128xf32, #tpu.memory_space<vmem_shared>>)
        tpu.yield
      }) : () -> ()
      %add3A_114 = arith.constant 1 : i32
      %add3A_115 = arith.addi %add3A_88, %add3A_114 : i32
      "tpu.region"() ({
        %run_scoped3A_141 = tpu.sem_alloc : memref<!tpu.dma_semaphore, #tpu.memory_space<semaphore_mem>>
        %dma_start3A_142 = arith.constant 0 : i32
        %dma_start3A_143 = arith.constant 0 : i32
        %dma_start3A_144 = tpu.memref_slice %arg3[%add3A, %add3A_115, %dma_start3A_142, %dma_start3A_143] : memref<32x82x2x128xi32, #tpu.memory_space<hbm>> -> memref<1x1x2x128xi32, #tpu.memory_space<hbm>>
        %dma_start3A_145 = tpu.memref_squeeze %dma_start3A_144 : memref<1x1x2x128xi32, #tpu.memory_space<hbm>> -> memref<2x128xi32, #tpu.memory_space<hbm>>
        %dma_start3A_146 = arith.constant 0 : i32
        %dma_start3A_147 = arith.constant 0 : i32
        %dma_start3A_148 = tpu.memref_slice %arg3[%add3A, %add3A_115, %dma_start3A_146, %dma_start3A_147] : memref<32x82x2x128xi32, #tpu.memory_space<hbm>> -> memref<1x1x2x128xi32, #tpu.memory_space<hbm>>
        %dma_start3A_149 = tpu.memref_squeeze %dma_start3A_148 : memref<1x1x2x128xi32, #tpu.memory_space<hbm>> -> memref<2x128xi32, #tpu.memory_space<hbm>>
        tpu.enqueue_dma source(%dma_start3A_149 : memref<2x128xi32, #tpu.memory_space<hbm>>) target(%arg6 : memref<2x128xi32, #tpu.memory_space<vmem>>) target_semaphore(%run_scoped3A_141 : memref<!tpu.dma_semaphore, #tpu.memory_space<semaphore_mem>>)
        %dma_wait3A_150 = arith.constant 0 : i32
        %dma_wait3A_151 = arith.constant 0 : i32
        %dma_wait3A_152 = tpu.memref_slice %arg3[%add3A, %add3A_115, %dma_wait3A_150, %dma_wait3A_151] : memref<32x82x2x128xi32, #tpu.memory_space<hbm>> -> memref<1x1x2x128xi32, #tpu.memory_space<hbm>>
        %dma_wait3A_153 = tpu.memref_squeeze %dma_wait3A_152 : memref<1x1x2x128xi32, #tpu.memory_space<hbm>> -> memref<2x128xi32, #tpu.memory_space<hbm>>
        %dma_wait3A_154 = arith.constant 0 : i32
        %dma_wait3A_155 = arith.constant 0 : i32
        %dma_wait3A_156 = tpu.memref_slice %arg3[%add3A, %add3A_115, %dma_wait3A_154, %dma_wait3A_155] : memref<32x82x2x128xi32, #tpu.memory_space<hbm>> -> memref<1x1x2x128xi32, #tpu.memory_space<hbm>>
        %dma_wait3A_157 = tpu.memref_squeeze %dma_wait3A_156 : memref<1x1x2x128xi32, #tpu.memory_space<hbm>> -> memref<2x128xi32, #tpu.memory_space<hbm>>
        tpu.wait_dma2 semaphore(%run_scoped3A_141 : memref<!tpu.dma_semaphore, #tpu.memory_space<semaphore_mem>>) src(%dma_wait3A_157 : memref<2x128xi32, #tpu.memory_space<hbm>>) dst(%arg6 : memref<2x128xi32, #tpu.memory_space<vmem>>)
        tpu.yield
      }) : () -> ()
      %dma_start3A_116 = arith.constant 0 : i32
      %dma_start3A_117 = arith.constant 0 : i32
      %dma_start3A_118 = tpu.memref_slice %arg6[%dma_start3A_116, %dma_start3A_117] : memref<2x128xi32, #tpu.memory_space<vmem>> -> memref<1x128xi32, #tpu.memory_space<vmem>>
      %dma_start3A_119 = tpu.memref_squeeze %dma_start3A_118 : memref<1x128xi32, #tpu.memory_space<vmem>> -> memref<128xi32, #tpu.memory_space<vmem>>
      %dma_start3A_120 = arith.constant 0 : i32
      %dma_start3A_121 = arith.constant 0 : i32
      %dma_start3A_122 = tpu.memref_slice %arg2[%dma_start3A_120, %dma_start3A_121] : memref<10000x128xf32, #tpu.memory_space<hbm>> -> memref<10000x128xf32, #tpu.memory_space<hbm>>
      tpu.enqueue_indirect_dma source(%dma_start3A_122 : memref<10000x128xf32, #tpu.memory_space<hbm>>) target(%arg9 : memref<128x128xf32, #tpu.memory_space<vmem>>) offsets(%dma_start3A_119 : memref<128xi32, #tpu.memory_space<vmem>>) semaphore(%arg13 : memref<!tpu.dma_semaphore, #tpu.memory_space<semaphore_mem>>)
      %dma_wait3A_123 = arith.constant 0 : i32
      %dma_wait3A_124 = arith.constant 0 : i32
      %dma_wait3A_125 = tpu.memref_slice %arg7[%dma_wait3A_123, %dma_wait3A_124] : memref<2x128xi32, #tpu.memory_space<vmem>> -> memref<1x128xi32, #tpu.memory_space<vmem>>
      %dma_wait3A_126 = tpu.memref_squeeze %dma_wait3A_125 : memref<1x128xi32, #tpu.memory_space<vmem>> -> memref<128xi32, #tpu.memory_space<vmem>>
      %dma_wait3A_127 = arith.constant 0 : i32
      %dma_wait3A_128 = arith.constant 0 : i32
      %dma_wait3A_129 = tpu.memref_slice %arg2[%dma_wait3A_127, %dma_wait3A_128] : memref<10000x128xf32, #tpu.memory_space<hbm>> -> memref<10000x128xf32, #tpu.memory_space<hbm>>
      tpu.wait_indirect_dma semaphore(%arg14 : memref<!tpu.dma_semaphore, #tpu.memory_space<semaphore_mem>>) src(%dma_wait3A_129 : memref<10000x128xf32, #tpu.memory_space<hbm>>) dst(%arg10 : memref<128x128xf32, #tpu.memory_space<vmem>>)
      %run_scoped3A_130 = arith.constant 1 : i32
      "tpu.region"() ({
        %run_scoped3A_141 = tpu.sem_alloc : memref<!tpu.dma_semaphore, #tpu.memory_space<semaphore_mem>>
        %dma_start3A_142 = arith.constant 0 : i32
        %dma_start3A_143 = tpu.memref_slice %arg7[%run_scoped3A_130, %dma_start3A_142] : memref<2x128xi32, #tpu.memory_space<vmem>> -> memref<1x128xi32, #tpu.memory_space<vmem>>
        %dma_start3A_144 = tpu.memref_squeeze %dma_start3A_143 : memref<1x128xi32, #tpu.memory_space<vmem>> -> memref<128xi32, #tpu.memory_space<vmem>>
        %dma_start3A_145 = arith.constant 0 : i32
        %dma_start3A_146 = arith.constant 0 : i32
        %dma_start3A_147 = tpu.memref_slice %arg11[%dma_start3A_145, %dma_start3A_146] : memref<10008x128xf32, #tpu.memory_space<vmem_shared>> -> memref<10008x128xf32, #tpu.memory_space<vmem_shared>>
        tpu.enqueue_indirect_dma source(%arg10 : memref<128x128xf32, #tpu.memory_space<vmem>>) target(%dma_start3A_147 : memref<10008x128xf32, #tpu.memory_space<vmem_shared>>) offsets(%dma_start3A_144 : memref<128xi32, #tpu.memory_space<vmem>>) semaphore(%run_scoped3A_141 : memref<!tpu.dma_semaphore, #tpu.memory_space<semaphore_mem>>) {add = true}
        %dma_wait3A_148 = arith.constant 0 : i32
        %dma_wait3A_149 = tpu.memref_slice %arg7[%run_scoped3A_130, %dma_wait3A_148] : memref<2x128xi32, #tpu.memory_space<vmem>> -> memref<1x128xi32, #tpu.memory_space<vmem>>
        %dma_wait3A_150 = tpu.memref_squeeze %dma_wait3A_149 : memref<1x128xi32, #tpu.memory_space<vmem>> -> memref<128xi32, #tpu.memory_space<vmem>>
        %dma_wait3A_151 = arith.constant 0 : i32
        %dma_wait3A_152 = arith.constant 0 : i32
        %dma_wait3A_153 = tpu.memref_slice %arg11[%dma_wait3A_151, %dma_wait3A_152] : memref<10008x128xf32, #tpu.memory_space<vmem_shared>> -> memref<10008x128xf32, #tpu.memory_space<vmem_shared>>
        tpu.wait_indirect_dma semaphore(%run_scoped3A_141 : memref<!tpu.dma_semaphore, #tpu.memory_space<semaphore_mem>>) src(%arg10 : memref<128x128xf32, #tpu.memory_space<vmem>>) dst(%dma_wait3A_153 : memref<10008x128xf32, #tpu.memory_space<vmem_shared>>)
        tpu.yield
      }) : () -> ()
      %add3A_131 = arith.constant 2 : i32
      %add3A_132 = arith.addi %add3A_88, %add3A_131 : i32
      "tpu.region"() ({
        %run_scoped3A_141 = tpu.sem_alloc : memref<!tpu.dma_semaphore, #tpu.memory_space<semaphore_mem>>
        %dma_start3A_142 = arith.constant 0 : i32
        %dma_start3A_143 = arith.constant 0 : i32
        %dma_start3A_144 = tpu.memref_slice %arg3[%add3A, %add3A_132, %dma_start3A_142, %dma_start3A_143] : memref<32x82x2x128xi32, #tpu.memory_space<hbm>> -> memref<1x1x2x128xi32, #tpu.memory_space<hbm>>
        %dma_start3A_145 = tpu.memref_squeeze %dma_start3A_144 : memref<1x1x2x128xi32, #tpu.memory_space<hbm>> -> memref<2x128xi32, #tpu.memory_space<hbm>>
        %dma_start3A_146 = arith.constant 0 : i32
        %dma_start3A_147 = arith.constant 0 : i32
        %dma_start3A_148 = tpu.memref_slice %arg3[%add3A, %add3A_132, %dma_start3A_146, %dma_start3A_147] : memref<32x82x2x128xi32, #tpu.memory_space<hbm>> -> memref<1x1x2x128xi32, #tpu.memory_space<hbm>>
        %dma_start3A_149 = tpu.memref_squeeze %dma_start3A_148 : memref<1x1x2x128xi32, #tpu.memory_space<hbm>> -> memref<2x128xi32, #tpu.memory_space<hbm>>
        tpu.enqueue_dma source(%dma_start3A_149 : memref<2x128xi32, #tpu.memory_space<hbm>>) target(%arg7 : memref<2x128xi32, #tpu.memory_space<vmem>>) target_semaphore(%run_scoped3A_141 : memref<!tpu.dma_semaphore, #tpu.memory_space<semaphore_mem>>)
        %dma_wait3A_150 = arith.constant 0 : i32
        %dma_wait3A_151 = arith.constant 0 : i32
        %dma_wait3A_152 = tpu.memref_slice %arg3[%add3A, %add3A_132, %dma_wait3A_150, %dma_wait3A_151] : memref<32x82x2x128xi32, #tpu.memory_space<hbm>> -> memref<1x1x2x128xi32, #tpu.memory_space<hbm>>
        %dma_wait3A_153 = tpu.memref_squeeze %dma_wait3A_152 : memref<1x1x2x128xi32, #tpu.memory_space<hbm>> -> memref<2x128xi32, #tpu.memory_space<hbm>>
        %dma_wait3A_154 = arith.constant 0 : i32
        %dma_wait3A_155 = arith.constant 0 : i32
        %dma_wait3A_156 = tpu.memref_slice %arg3[%add3A, %add3A_132, %dma_wait3A_154, %dma_wait3A_155] : memref<32x82x2x128xi32, #tpu.memory_space<hbm>> -> memref<1x1x2x128xi32, #tpu.memory_space<hbm>>
        %dma_wait3A_157 = tpu.memref_squeeze %dma_wait3A_156 : memref<1x1x2x128xi32, #tpu.memory_space<hbm>> -> memref<2x128xi32, #tpu.memory_space<hbm>>
        tpu.wait_dma2 semaphore(%run_scoped3A_141 : memref<!tpu.dma_semaphore, #tpu.memory_space<semaphore_mem>>) src(%dma_wait3A_157 : memref<2x128xi32, #tpu.memory_space<hbm>>) dst(%arg7 : memref<2x128xi32, #tpu.memory_space<vmem>>)
        tpu.yield
      }) : () -> ()
      %dma_start3A_133 = arith.constant 0 : i32
      %dma_start3A_134 = arith.constant 0 : i32
      %dma_start3A_135 = tpu.memref_slice %arg7[%dma_start3A_133, %dma_start3A_134] : memref<2x128xi32, #tpu.memory_space<vmem>> -> memref<1x128xi32, #tpu.memory_space<vmem>>
      %dma_start3A_136 = tpu.memref_squeeze %dma_start3A_135 : memref<1x128xi32, #tpu.memory_space<vmem>> -> memref<128xi32, #tpu.memory_space<vmem>>
      %dma_start3A_137 = arith.constant 0 : i32
      %dma_start3A_138 = arith.constant 0 : i32
      %dma_start3A_139 = tpu.memref_slice %arg2[%dma_start3A_137, %dma_start3A_138] : memref<10000x128xf32, #tpu.memory_space<hbm>> -> memref<10000x128xf32, #tpu.memory_space<hbm>>
      tpu.enqueue_indirect_dma source(%dma_start3A_139 : memref<10000x128xf32, #tpu.memory_space<hbm>>) target(%arg10 : memref<128x128xf32, #tpu.memory_space<vmem>>) offsets(%dma_start3A_136 : memref<128xi32, #tpu.memory_space<vmem>>) semaphore(%arg14 : memref<!tpu.dma_semaphore, #tpu.memory_space<semaphore_mem>>)
      %scan3A_140 = arith.constant 0 : i32
      scf.yield %scan3A_140 : i32
    }
    %scan3A_56 = arith.constant 26 : i32
    %dma_wait3A = arith.constant 0 : i32
    %dma_wait3A_57 = arith.constant 0 : i32
    %dma_wait3A_58 = tpu.memref_slice %arg5[%dma_wait3A, %dma_wait3A_57] : memref<2x128xi32, #tpu.memory_space<vmem>> -> memref<1x128xi32, #tpu.memory_space<vmem>>
    %dma_wait3A_59 = tpu.memref_squeeze %dma_wait3A_58 : memref<1x128xi32, #tpu.memory_space<vmem>> -> memref<128xi32, #tpu.memory_space<vmem>>
    %dma_wait3A_60 = arith.constant 0 : i32
    %dma_wait3A_61 = arith.constant 0 : i32
    %dma_wait3A_62 = tpu.memref_slice %arg2[%dma_wait3A_60, %dma_wait3A_61] : memref<10000x128xf32, #tpu.memory_space<hbm>> -> memref<10000x128xf32, #tpu.memory_space<hbm>>
    tpu.wait_indirect_dma semaphore(%arg12 : memref<!tpu.dma_semaphore, #tpu.memory_space<semaphore_mem>>) src(%dma_wait3A_62 : memref<10000x128xf32, #tpu.memory_space<hbm>>) dst(%arg8 : memref<128x128xf32, #tpu.memory_space<vmem>>)
    %run_scoped3A_63 = arith.constant 1 : i32
    "tpu.region"() ({
      %run_scoped3A_83 = tpu.sem_alloc : memref<!tpu.dma_semaphore, #tpu.memory_space<semaphore_mem>>
      %dma_start3A_84 = arith.constant 0 : i32
      %dma_start3A_85 = tpu.memref_slice %arg5[%run_scoped3A_63, %dma_start3A_84] : memref<2x128xi32, #tpu.memory_space<vmem>> -> memref<1x128xi32, #tpu.memory_space<vmem>>
      %dma_start3A_86 = tpu.memref_squeeze %dma_start3A_85 : memref<1x128xi32, #tpu.memory_space<vmem>> -> memref<128xi32, #tpu.memory_space<vmem>>
      %dma_start3A_87 = arith.constant 0 : i32
      %dma_start3A_88 = arith.constant 0 : i32
      %dma_start3A_89 = tpu.memref_slice %arg11[%dma_start3A_87, %dma_start3A_88] : memref<10008x128xf32, #tpu.memory_space<vmem_shared>> -> memref<10008x128xf32, #tpu.memory_space<vmem_shared>>
      tpu.enqueue_indirect_dma source(%arg8 : memref<128x128xf32, #tpu.memory_space<vmem>>) target(%dma_start3A_89 : memref<10008x128xf32, #tpu.memory_space<vmem_shared>>) offsets(%dma_start3A_86 : memref<128xi32, #tpu.memory_space<vmem>>) semaphore(%run_scoped3A_83 : memref<!tpu.dma_semaphore, #tpu.memory_space<semaphore_mem>>) {add = true}
      %dma_wait3A_90 = arith.constant 0 : i32
      %dma_wait3A_91 = tpu.memref_slice %arg5[%run_scoped3A_63, %dma_wait3A_90] : memref<2x128xi32, #tpu.memory_space<vmem>> -> memref<1x128xi32, #tpu.memory_space<vmem>>
      %dma_wait3A_92 = tpu.memref_squeeze %dma_wait3A_91 : memref<1x128xi32, #tpu.memory_space<vmem>> -> memref<128xi32, #tpu.memory_space<vmem>>
      %dma_wait3A_93 = arith.constant 0 : i32
      %dma_wait3A_94 = arith.constant 0 : i32
      %dma_wait3A_95 = tpu.memref_slice %arg11[%dma_wait3A_93, %dma_wait3A_94] : memref<10008x128xf32, #tpu.memory_space<vmem_shared>> -> memref<10008x128xf32, #tpu.memory_space<vmem_shared>>
      tpu.wait_indirect_dma semaphore(%run_scoped3A_83 : memref<!tpu.dma_semaphore, #tpu.memory_space<semaphore_mem>>) src(%arg8 : memref<128x128xf32, #tpu.memory_space<vmem>>) dst(%dma_wait3A_95 : memref<10008x128xf32, #tpu.memory_space<vmem_shared>>)
      tpu.yield
    }) : () -> ()
    %dma_wait3A_64 = arith.constant 0 : i32
    %dma_wait3A_65 = arith.constant 0 : i32
    %dma_wait3A_66 = tpu.memref_slice %arg6[%dma_wait3A_64, %dma_wait3A_65] : memref<2x128xi32, #tpu.memory_space<vmem>> -> memref<1x128xi32, #tpu.memory_space<vmem>>
    %dma_wait3A_67 = tpu.memref_squeeze %dma_wait3A_66 : memref<1x128xi32, #tpu.memory_space<vmem>> -> memref<128xi32, #tpu.memory_space<vmem>>
    %dma_wait3A_68 = arith.constant 0 : i32
    %dma_wait3A_69 = arith.constant 0 : i32
    %dma_wait3A_70 = tpu.memref_slice %arg2[%dma_wait3A_68, %dma_wait3A_69] : memref<10000x128xf32, #tpu.memory_space<hbm>> -> memref<10000x128xf32, #tpu.memory_space<hbm>>
    tpu.wait_indirect_dma semaphore(%arg13 : memref<!tpu.dma_semaphore, #tpu.memory_space<semaphore_mem>>) src(%dma_wait3A_70 : memref<10000x128xf32, #tpu.memory_space<hbm>>) dst(%arg9 : memref<128x128xf32, #tpu.memory_space<vmem>>)
    %run_scoped3A_71 = arith.constant 1 : i32
    "tpu.region"() ({
      %run_scoped3A_83 = tpu.sem_alloc : memref<!tpu.dma_semaphore, #tpu.memory_space<semaphore_mem>>
      %dma_start3A_84 = arith.constant 0 : i32
      %dma_start3A_85 = tpu.memref_slice %arg6[%run_scoped3A_71, %dma_start3A_84] : memref<2x128xi32, #tpu.memory_space<vmem>> -> memref<1x128xi32, #tpu.memory_space<vmem>>
      %dma_start3A_86 = tpu.memref_squeeze %dma_start3A_85 : memref<1x128xi32, #tpu.memory_space<vmem>> -> memref<128xi32, #tpu.memory_space<vmem>>
      %dma_start3A_87 = arith.constant 0 : i32
      %dma_start3A_88 = arith.constant 0 : i32
      %dma_start3A_89 = tpu.memref_slice %arg11[%dma_start3A_87, %dma_start3A_88] : memref<10008x128xf32, #tpu.memory_space<vmem_shared>> -> memref<10008x128xf32, #tpu.memory_space<vmem_shared>>
      tpu.enqueue_indirect_dma source(%arg9 : memref<128x128xf32, #tpu.memory_space<vmem>>) target(%dma_start3A_89 : memref<10008x128xf32, #tpu.memory_space<vmem_shared>>) offsets(%dma_start3A_86 : memref<128xi32, #tpu.memory_space<vmem>>) semaphore(%run_scoped3A_83 : memref<!tpu.dma_semaphore, #tpu.memory_space<semaphore_mem>>) {add = true}
      %dma_wait3A_90 = arith.constant 0 : i32
      %dma_wait3A_91 = tpu.memref_slice %arg6[%run_scoped3A_71, %dma_wait3A_90] : memref<2x128xi32, #tpu.memory_space<vmem>> -> memref<1x128xi32, #tpu.memory_space<vmem>>
      %dma_wait3A_92 = tpu.memref_squeeze %dma_wait3A_91 : memref<1x128xi32, #tpu.memory_space<vmem>> -> memref<128xi32, #tpu.memory_space<vmem>>
      %dma_wait3A_93 = arith.constant 0 : i32
      %dma_wait3A_94 = arith.constant 0 : i32
      %dma_wait3A_95 = tpu.memref_slice %arg11[%dma_wait3A_93, %dma_wait3A_94] : memref<10008x128xf32, #tpu.memory_space<vmem_shared>> -> memref<10008x128xf32, #tpu.memory_space<vmem_shared>>
      tpu.wait_indirect_dma semaphore(%run_scoped3A_83 : memref<!tpu.dma_semaphore, #tpu.memory_space<semaphore_mem>>) src(%arg9 : memref<128x128xf32, #tpu.memory_space<vmem>>) dst(%dma_wait3A_95 : memref<10008x128xf32, #tpu.memory_space<vmem_shared>>)
      tpu.yield
    }) : () -> ()
    %dma_wait3A_72 = arith.constant 0 : i32
    %dma_wait3A_73 = arith.constant 0 : i32
    %dma_wait3A_74 = tpu.memref_slice %arg7[%dma_wait3A_72, %dma_wait3A_73] : memref<2x128xi32, #tpu.memory_space<vmem>> -> memref<1x128xi32, #tpu.memory_space<vmem>>
    %dma_wait3A_75 = tpu.memref_squeeze %dma_wait3A_74 : memref<1x128xi32, #tpu.memory_space<vmem>> -> memref<128xi32, #tpu.memory_space<vmem>>
    %dma_wait3A_76 = arith.constant 0 : i32
    %dma_wait3A_77 = arith.constant 0 : i32
    %dma_wait3A_78 = tpu.memref_slice %arg2[%dma_wait3A_76, %dma_wait3A_77] : memref<10000x128xf32, #tpu.memory_space<hbm>> -> memref<10000x128xf32, #tpu.memory_space<hbm>>
    tpu.wait_indirect_dma semaphore(%arg14 : memref<!tpu.dma_semaphore, #tpu.memory_space<semaphore_mem>>) src(%dma_wait3A_78 : memref<10000x128xf32, #tpu.memory_space<hbm>>) dst(%arg10 : memref<128x128xf32, #tpu.memory_space<vmem>>)
    %run_scoped3A_79 = arith.constant 1 : i32
    "tpu.region"() ({
      %run_scoped3A_83 = tpu.sem_alloc : memref<!tpu.dma_semaphore, #tpu.memory_space<semaphore_mem>>
      %dma_start3A_84 = arith.constant 0 : i32
      %dma_start3A_85 = tpu.memref_slice %arg7[%run_scoped3A_79, %dma_start3A_84] : memref<2x128xi32, #tpu.memory_space<vmem>> -> memref<1x128xi32, #tpu.memory_space<vmem>>
      %dma_start3A_86 = tpu.memref_squeeze %dma_start3A_85 : memref<1x128xi32, #tpu.memory_space<vmem>> -> memref<128xi32, #tpu.memory_space<vmem>>
      %dma_start3A_87 = arith.constant 0 : i32
      %dma_start3A_88 = arith.constant 0 : i32
      %dma_start3A_89 = tpu.memref_slice %arg11[%dma_start3A_87, %dma_start3A_88] : memref<10008x128xf32, #tpu.memory_space<vmem_shared>> -> memref<10008x128xf32, #tpu.memory_space<vmem_shared>>
      tpu.enqueue_indirect_dma source(%arg10 : memref<128x128xf32, #tpu.memory_space<vmem>>) target(%dma_start3A_89 : memref<10008x128xf32, #tpu.memory_space<vmem_shared>>) offsets(%dma_start3A_86 : memref<128xi32, #tpu.memory_space<vmem>>) semaphore(%run_scoped3A_83 : memref<!tpu.dma_semaphore, #tpu.memory_space<semaphore_mem>>) {add = true}
      %dma_wait3A_90 = arith.constant 0 : i32
      %dma_wait3A_91 = tpu.memref_slice %arg7[%run_scoped3A_79, %dma_wait3A_90] : memref<2x128xi32, #tpu.memory_space<vmem>> -> memref<1x128xi32, #tpu.memory_space<vmem>>
      %dma_wait3A_92 = tpu.memref_squeeze %dma_wait3A_91 : memref<1x128xi32, #tpu.memory_space<vmem>> -> memref<128xi32, #tpu.memory_space<vmem>>
      %dma_wait3A_93 = arith.constant 0 : i32
      %dma_wait3A_94 = arith.constant 0 : i32
      %dma_wait3A_95 = tpu.memref_slice %arg11[%dma_wait3A_93, %dma_wait3A_94] : memref<10008x128xf32, #tpu.memory_space<vmem_shared>> -> memref<10008x128xf32, #tpu.memory_space<vmem_shared>>
      tpu.wait_indirect_dma semaphore(%run_scoped3A_83 : memref<!tpu.dma_semaphore, #tpu.memory_space<semaphore_mem>>) src(%arg10 : memref<128x128xf32, #tpu.memory_space<vmem>>) dst(%dma_wait3A_95 : memref<10008x128xf32, #tpu.memory_space<vmem_shared>>)
      tpu.yield
    }) : () -> ()
    %barrier3A_80 = arith.constant 0 : index
    tpu.barrier barrier_id(%barrier3A_80)
    %mul3A_81 = arith.constant 625 : i32
    %mul3A_82 = arith.muli %arg1, %mul3A_81 : i32
    "tpu.region"() ({
      %run_scoped3A_83 = tpu.sem_alloc : memref<!tpu.dma_semaphore, #tpu.memory_space<semaphore_mem>>
      %dma_start3A_84 = arith.constant 0 : i32
      %dma_start3A_85 = arith.constant 0 : i32
      %dma_start3A_86 = tpu.memref_slice %arg4[%arg0, %arg1, %dma_start3A_84, %dma_start3A_85] : memref<2x16x625x128xf32, #tpu.memory_space<hbm>> -> memref<1x1x625x128xf32, #tpu.memory_space<hbm>>
      %dma_start3A_87 = tpu.memref_squeeze %dma_start3A_86 : memref<1x1x625x128xf32, #tpu.memory_space<hbm>> -> memref<625x128xf32, #tpu.memory_space<hbm>>
      %dma_start3A_88 = arith.constant 0 : i32
      %dma_start3A_89 = tpu.memref_slice %arg11[%mul3A_82, %dma_start3A_88] : memref<10008x128xf32, #tpu.memory_space<vmem_shared>> -> memref<625x128xf32, #tpu.memory_space<vmem_shared>>
      tpu.enqueue_dma source(%dma_start3A_89 : memref<625x128xf32, #tpu.memory_space<vmem_shared>>) target(%dma_start3A_87 : memref<625x128xf32, #tpu.memory_space<hbm>>) target_semaphore(%run_scoped3A_83 : memref<!tpu.dma_semaphore, #tpu.memory_space<semaphore_mem>>)
      %dma_wait3A_90 = arith.constant 0 : i32
      %dma_wait3A_91 = arith.constant 0 : i32
      %dma_wait3A_92 = tpu.memref_slice %arg4[%arg0, %arg1, %dma_wait3A_90, %dma_wait3A_91] : memref<2x16x625x128xf32, #tpu.memory_space<hbm>> -> memref<1x1x625x128xf32, #tpu.memory_space<hbm>>
      %dma_wait3A_93 = tpu.memref_squeeze %dma_wait3A_92 : memref<1x1x625x128xf32, #tpu.memory_space<hbm>> -> memref<625x128xf32, #tpu.memory_space<hbm>>
      %dma_wait3A_94 = arith.constant 0 : i32
      %dma_wait3A_95 = tpu.memref_slice %arg11[%mul3A_82, %dma_wait3A_94] : memref<10008x128xf32, #tpu.memory_space<vmem_shared>> -> memref<625x128xf32, #tpu.memory_space<vmem_shared>>
      tpu.wait_dma2 semaphore(%run_scoped3A_83 : memref<!tpu.dma_semaphore, #tpu.memory_space<semaphore_mem>>) src(%dma_wait3A_95 : memref<625x128xf32, #tpu.memory_space<vmem_shared>>) dst(%dma_wait3A_93 : memref<625x128xf32, #tpu.memory_space<hbm>>)
      tpu.yield
    }) : () -> ()
    return
  }
}

#map = affine_map<(d0, d1) -> (0, 0, 0, 0)>
module attributes {stable_mosaic.version = 14 : i64} {
  func.func @_sc_degree(%arg0: i32, %arg1: i32, %arg2: memref<32x82x2x128xi32, #tpu.memory_space<hbm>>, %arg3: memref<2x16x625x128xf32, #tpu.memory_space<hbm>>, %arg4: memref<2x128xi32, #tpu.memory_space<vmem>>, %arg5: memref<2x128xi32, #tpu.memory_space<vmem>>, %arg6: memref<2x128xi32, #tpu.memory_space<vmem>>, %arg7: memref<2x128xi32, #tpu.memory_space<vmem>>, %arg8: memref<128x128xf32, #tpu.memory_space<vmem>>, %arg9: memref<10008x128xf32, #tpu.memory_space<vmem_shared>>, %arg10: memref<!tpu.dma_semaphore, #tpu.memory_space<semaphore_mem>>, %arg11: memref<!tpu.dma_semaphore, #tpu.memory_space<semaphore_mem>>, %arg12: memref<!tpu.dma_semaphore, #tpu.memory_space<semaphore_mem>>, %arg13: memref<!tpu.dma_semaphore, #tpu.memory_space<semaphore_mem>>) attributes {dimension_semantics = [#tpu.dimension_semantics<core_parallel>, #tpu.dimension_semantics<subcore_parallel>], iteration_bounds = array<i64: 2, 16>, scalar_prefetch = 0 : i64, scratch_operands = 10 : i64, tpu.core_type = #tpu.core_type<sc_vector_subcore>, window_params = [{transform_indices = #map}, {transform_indices = #map}]} {
    %mul3A = arith.constant 16 : i32
    %mul3A_0 = arith.muli %arg0, %mul3A : i32
    %add3A = arith.addi %mul3A_0, %arg1 : i32
    %scan3A = arith.constant 0 : i32
    %scan3A_1 = arith.constant 0 : i32
    %scan3A_2 = arith.constant 128 : i32
    %scan3A_3 = arith.addi %scan3A_1, %scan3A_2 : i32
    %scan3A_4 = arith.constant 1 : i32
    %scan3A_5 = scf.for %scan3A_102 = %scan3A_1 to %scan3A_3 step %scan3A_4 iter_args(%scan3A_103 = %scan3A) -> (i32)  : i32 {
      %broadcast_in_dim3A = arith.constant 0.000000e+00 : f32
      %broadcast_in_dim3A_104 = vector.broadcast %broadcast_in_dim3A : f32 to vector<16xf32>
      %swap3A = arith.index_cast %scan3A_102 : i32 to index
      %swap3A_105 = arith.constant 0 : index
      %swap3A_106 = tpu.vector_load %arg8[%swap3A, %swap3A_105] {strides = array<i32>} : memref<128x128xf32, #tpu.memory_space<vmem>>, vector<1x16xf32>,
      %swap3A_107 = vector.shape_cast %swap3A_106 : vector<1x16xf32> to vector<16xf32>
      %swap3A_108 = vector.shape_cast %broadcast_in_dim3A_104 : vector<16xf32> to vector<1x16xf32>
      tpu.vector_store %arg8[%swap3A, %swap3A_105], %swap3A_108 {strides = array<i32>} : memref<128x128xf32, #tpu.memory_space<vmem>>, vector<1x16xf32>,
      %broadcast_in_dim3A_109 = arith.constant 0.000000e+00 : f32
      %broadcast_in_dim3A_110 = vector.broadcast %broadcast_in_dim3A_109 : f32 to vector<16xf32>
      %swap3A_111 = arith.index_cast %scan3A_102 : i32 to index
      %swap3A_112 = arith.constant 16 : index
      %swap3A_113 = tpu.vector_load %arg8[%swap3A_111, %swap3A_112] {strides = array<i32>} : memref<128x128xf32, #tpu.memory_space<vmem>>, vector<1x16xf32>,
      %swap3A_114 = vector.shape_cast %swap3A_113 : vector<1x16xf32> to vector<16xf32>
      %swap3A_115 = vector.shape_cast %broadcast_in_dim3A_110 : vector<16xf32> to vector<1x16xf32>
      tpu.vector_store %arg8[%swap3A_111, %swap3A_112], %swap3A_115 {strides = array<i32>} : memref<128x128xf32, #tpu.memory_space<vmem>>, vector<1x16xf32>,
      %broadcast_in_dim3A_116 = arith.constant 0.000000e+00 : f32
      %broadcast_in_dim3A_117 = vector.broadcast %broadcast_in_dim3A_116 : f32 to vector<16xf32>
      %swap3A_118 = arith.index_cast %scan3A_102 : i32 to index
      %swap3A_119 = arith.constant 32 : index
      %swap3A_120 = tpu.vector_load %arg8[%swap3A_118, %swap3A_119] {strides = array<i32>} : memref<128x128xf32, #tpu.memory_space<vmem>>, vector<1x16xf32>,
      %swap3A_121 = vector.shape_cast %swap3A_120 : vector<1x16xf32> to vector<16xf32>
      %swap3A_122 = vector.shape_cast %broadcast_in_dim3A_117 : vector<16xf32> to vector<1x16xf32>
      tpu.vector_store %arg8[%swap3A_118, %swap3A_119], %swap3A_122 {strides = array<i32>} : memref<128x128xf32, #tpu.memory_space<vmem>>, vector<1x16xf32>,
      %broadcast_in_dim3A_123 = arith.constant 0.000000e+00 : f32
      %broadcast_in_dim3A_124 = vector.broadcast %broadcast_in_dim3A_123 : f32 to vector<16xf32>
      %swap3A_125 = arith.index_cast %scan3A_102 : i32 to index
      %swap3A_126 = arith.constant 48 : index
      %swap3A_127 = tpu.vector_load %arg8[%swap3A_125, %swap3A_126] {strides = array<i32>} : memref<128x128xf32, #tpu.memory_space<vmem>>, vector<1x16xf32>,
      %swap3A_128 = vector.shape_cast %swap3A_127 : vector<1x16xf32> to vector<16xf32>
      %swap3A_129 = vector.shape_cast %broadcast_in_dim3A_124 : vector<16xf32> to vector<1x16xf32>
      tpu.vector_store %arg8[%swap3A_125, %swap3A_126], %swap3A_129 {strides = array<i32>} : memref<128x128xf32, #tpu.memory_space<vmem>>, vector<1x16xf32>,
      %broadcast_in_dim3A_130 = arith.constant 0.000000e+00 : f32
      %broadcast_in_dim3A_131 = vector.broadcast %broadcast_in_dim3A_130 : f32 to vector<16xf32>
      %swap3A_132 = arith.index_cast %scan3A_102 : i32 to index
      %swap3A_133 = arith.constant 64 : index
      %swap3A_134 = tpu.vector_load %arg8[%swap3A_132, %swap3A_133] {strides = array<i32>} : memref<128x128xf32, #tpu.memory_space<vmem>>, vector<1x16xf32>,
      %swap3A_135 = vector.shape_cast %swap3A_134 : vector<1x16xf32> to vector<16xf32>
      %swap3A_136 = vector.shape_cast %broadcast_in_dim3A_131 : vector<16xf32> to vector<1x16xf32>
      tpu.vector_store %arg8[%swap3A_132, %swap3A_133], %swap3A_136 {strides = array<i32>} : memref<128x128xf32, #tpu.memory_space<vmem>>, vector<1x16xf32>,
      %broadcast_in_dim3A_137 = arith.constant 0.000000e+00 : f32
      %broadcast_in_dim3A_138 = vector.broadcast %broadcast_in_dim3A_137 : f32 to vector<16xf32>
      %swap3A_139 = arith.index_cast %scan3A_102 : i32 to index
      %swap3A_140 = arith.constant 80 : index
      %swap3A_141 = tpu.vector_load %arg8[%swap3A_139, %swap3A_140] {strides = array<i32>} : memref<128x128xf32, #tpu.memory_space<vmem>>, vector<1x16xf32>,
      %swap3A_142 = vector.shape_cast %swap3A_141 : vector<1x16xf32> to vector<16xf32>
      %swap3A_143 = vector.shape_cast %broadcast_in_dim3A_138 : vector<16xf32> to vector<1x16xf32>
      tpu.vector_store %arg8[%swap3A_139, %swap3A_140], %swap3A_143 {strides = array<i32>} : memref<128x128xf32, #tpu.memory_space<vmem>>, vector<1x16xf32>,
      %broadcast_in_dim3A_144 = arith.constant 0.000000e+00 : f32
      %broadcast_in_dim3A_145 = vector.broadcast %broadcast_in_dim3A_144 : f32 to vector<16xf32>
      %swap3A_146 = arith.index_cast %scan3A_102 : i32 to index
      %swap3A_147 = arith.constant 96 : index
      %swap3A_148 = tpu.vector_load %arg8[%swap3A_146, %swap3A_147] {strides = array<i32>} : memref<128x128xf32, #tpu.memory_space<vmem>>, vector<1x16xf32>,
      %swap3A_149 = vector.shape_cast %swap3A_148 : vector<1x16xf32> to vector<16xf32>
      %swap3A_150 = vector.shape_cast %broadcast_in_dim3A_145 : vector<16xf32> to vector<1x16xf32>
      tpu.vector_store %arg8[%swap3A_146, %swap3A_147], %swap3A_150 {strides = array<i32>} : memref<128x128xf32, #tpu.memory_space<vmem>>, vector<1x16xf32>,
      %broadcast_in_dim3A_151 = arith.constant 0.000000e+00 : f32
      %broadcast_in_dim3A_152 = vector.broadcast %broadcast_in_dim3A_151 : f32 to vector<16xf32>
      %swap3A_153 = arith.index_cast %scan3A_102 : i32 to index
      %swap3A_154 = arith.constant 112 : index
      %swap3A_155 = tpu.vector_load %arg8[%swap3A_153, %swap3A_154] {strides = array<i32>} : memref<128x128xf32, #tpu.memory_space<vmem>>, vector<1x16xf32>,
      %swap3A_156 = vector.shape_cast %swap3A_155 : vector<1x16xf32> to vector<16xf32>
      %swap3A_157 = vector.shape_cast %broadcast_in_dim3A_152 : vector<16xf32> to vector<1x16xf32>
      tpu.vector_store %arg8[%swap3A_153, %swap3A_154], %swap3A_157 {strides = array<i32>} : memref<128x128xf32, #tpu.memory_space<vmem>>, vector<1x16xf32>,
      %scan3A_158 = arith.constant 0 : i32
      scf.yield %scan3A_158 : i32
    }
    %scan3A_6 = arith.constant 128 : i32
    %mul3A_7 = arith.constant 625 : i32
    %mul3A_8 = arith.muli %arg1, %mul3A_7 : i32
    %add3A_9 = arith.constant 0 : i32
    %add3A_10 = arith.addi %mul3A_8, %add3A_9 : i32
    "tpu.region"() ({
      %run_scoped3A_102 = tpu.sem_alloc : memref<!tpu.dma_semaphore, #tpu.memory_space<semaphore_mem>>
      %dma_start3A_103 = arith.constant 0 : i32
      %dma_start3A_104 = tpu.memref_slice %arg9[%add3A_10, %dma_start3A_103] : memref<10008x128xf32, #tpu.memory_space<vmem_shared>> -> memref<128x128xf32, #tpu.memory_space<vmem_shared>>
      %dma_start3A_105 = arith.constant 0 : i32
      %dma_start3A_106 = tpu.memref_slice %arg9[%add3A_10, %dma_start3A_105] : memref<10008x128xf32, #tpu.memory_space<vmem_shared>> -> memref<128x128xf32, #tpu.memory_space<vmem_shared>>
      tpu.enqueue_dma source(%arg8 : memref<128x128xf32, #tpu.memory_space<vmem>>) target(%dma_start3A_106 : memref<128x128xf32, #tpu.memory_space<vmem_shared>>) target_semaphore(%run_scoped3A_102 : memref<!tpu.dma_semaphore, #tpu.memory_space<semaphore_mem>>)
      %dma_wait3A_107 = arith.constant 0 : i32
      %dma_wait3A_108 = tpu.memref_slice %arg9[%add3A_10, %dma_wait3A_107] : memref<10008x128xf32, #tpu.memory_space<vmem_shared>> -> memref<128x128xf32, #tpu.memory_space<vmem_shared>>
      %dma_wait3A_109 = arith.constant 0 : i32
      %dma_wait3A_110 = tpu.memref_slice %arg9[%add3A_10, %dma_wait3A_109] : memref<10008x128xf32, #tpu.memory_space<vmem_shared>> -> memref<128x128xf32, #tpu.memory_space<vmem_shared>>
      tpu.wait_dma2 semaphore(%run_scoped3A_102 : memref<!tpu.dma_semaphore, #tpu.memory_space<semaphore_mem>>) src(%arg8 : memref<128x128xf32, #tpu.memory_space<vmem>>) dst(%dma_wait3A_110 : memref<128x128xf32, #tpu.memory_space<vmem_shared>>)
      tpu.yield
    }) : () -> ()
    %mul3A_11 = arith.constant 625 : i32
    %mul3A_12 = arith.muli %arg1, %mul3A_11 : i32
    %add3A_13 = arith.constant 128 : i32
    %add3A_14 = arith.addi %mul3A_12, %add3A_13 : i32
    "tpu.region"() ({
      %run_scoped3A_102 = tpu.sem_alloc : memref<!tpu.dma_semaphore, #tpu.memory_space<semaphore_mem>>
      %dma_start3A_103 = arith.constant 0 : i32
      %dma_start3A_104 = tpu.memref_slice %arg9[%add3A_14, %dma_start3A_103] : memref<10008x128xf32, #tpu.memory_space<vmem_shared>> -> memref<128x128xf32, #tpu.memory_space<vmem_shared>>
      %dma_start3A_105 = arith.constant 0 : i32
      %dma_start3A_106 = tpu.memref_slice %arg9[%add3A_14, %dma_start3A_105] : memref<10008x128xf32, #tpu.memory_space<vmem_shared>> -> memref<128x128xf32, #tpu.memory_space<vmem_shared>>
      tpu.enqueue_dma source(%arg8 : memref<128x128xf32, #tpu.memory_space<vmem>>) target(%dma_start3A_106 : memref<128x128xf32, #tpu.memory_space<vmem_shared>>) target_semaphore(%run_scoped3A_102 : memref<!tpu.dma_semaphore, #tpu.memory_space<semaphore_mem>>)
      %dma_wait3A_107 = arith.constant 0 : i32
      %dma_wait3A_108 = tpu.memref_slice %arg9[%add3A_14, %dma_wait3A_107] : memref<10008x128xf32, #tpu.memory_space<vmem_shared>> -> memref<128x128xf32, #tpu.memory_space<vmem_shared>>
      %dma_wait3A_109 = arith.constant 0 : i32
      %dma_wait3A_110 = tpu.memref_slice %arg9[%add3A_14, %dma_wait3A_109] : memref<10008x128xf32, #tpu.memory_space<vmem_shared>> -> memref<128x128xf32, #tpu.memory_space<vmem_shared>>
      tpu.wait_dma2 semaphore(%run_scoped3A_102 : memref<!tpu.dma_semaphore, #tpu.memory_space<semaphore_mem>>) src(%arg8 : memref<128x128xf32, #tpu.memory_space<vmem>>) dst(%dma_wait3A_110 : memref<128x128xf32, #tpu.memory_space<vmem_shared>>)
      tpu.yield
    }) : () -> ()
    %mul3A_15 = arith.constant 625 : i32
    %mul3A_16 = arith.muli %arg1, %mul3A_15 : i32
    %add3A_17 = arith.constant 256 : i32
    %add3A_18 = arith.addi %mul3A_16, %add3A_17 : i32
    "tpu.region"() ({
      %run_scoped3A_102 = tpu.sem_alloc : memref<!tpu.dma_semaphore, #tpu.memory_space<semaphore_mem>>
      %dma_start3A_103 = arith.constant 0 : i32
      %dma_start3A_104 = tpu.memref_slice %arg9[%add3A_18, %dma_start3A_103] : memref<10008x128xf32, #tpu.memory_space<vmem_shared>> -> memref<128x128xf32, #tpu.memory_space<vmem_shared>>
      %dma_start3A_105 = arith.constant 0 : i32
      %dma_start3A_106 = tpu.memref_slice %arg9[%add3A_18, %dma_start3A_105] : memref<10008x128xf32, #tpu.memory_space<vmem_shared>> -> memref<128x128xf32, #tpu.memory_space<vmem_shared>>
      tpu.enqueue_dma source(%arg8 : memref<128x128xf32, #tpu.memory_space<vmem>>) target(%dma_start3A_106 : memref<128x128xf32, #tpu.memory_space<vmem_shared>>) target_semaphore(%run_scoped3A_102 : memref<!tpu.dma_semaphore, #tpu.memory_space<semaphore_mem>>)
      %dma_wait3A_107 = arith.constant 0 : i32
      %dma_wait3A_108 = tpu.memref_slice %arg9[%add3A_18, %dma_wait3A_107] : memref<10008x128xf32, #tpu.memory_space<vmem_shared>> -> memref<128x128xf32, #tpu.memory_space<vmem_shared>>
      %dma_wait3A_109 = arith.constant 0 : i32
      %dma_wait3A_110 = tpu.memref_slice %arg9[%add3A_18, %dma_wait3A_109] : memref<10008x128xf32, #tpu.memory_space<vmem_shared>> -> memref<128x128xf32, #tpu.memory_space<vmem_shared>>
      tpu.wait_dma2 semaphore(%run_scoped3A_102 : memref<!tpu.dma_semaphore, #tpu.memory_space<semaphore_mem>>) src(%arg8 : memref<128x128xf32, #tpu.memory_space<vmem>>) dst(%dma_wait3A_110 : memref<128x128xf32, #tpu.memory_space<vmem_shared>>)
      tpu.yield
    }) : () -> ()
    %mul3A_19 = arith.constant 625 : i32
    %mul3A_20 = arith.muli %arg1, %mul3A_19 : i32
    %add3A_21 = arith.constant 384 : i32
    %add3A_22 = arith.addi %mul3A_20, %add3A_21 : i32
    "tpu.region"() ({
      %run_scoped3A_102 = tpu.sem_alloc : memref<!tpu.dma_semaphore, #tpu.memory_space<semaphore_mem>>
      %dma_start3A_103 = arith.constant 0 : i32
      %dma_start3A_104 = tpu.memref_slice %arg9[%add3A_22, %dma_start3A_103] : memref<10008x128xf32, #tpu.memory_space<vmem_shared>> -> memref<128x128xf32, #tpu.memory_space<vmem_shared>>
      %dma_start3A_105 = arith.constant 0 : i32
      %dma_start3A_106 = tpu.memref_slice %arg9[%add3A_22, %dma_start3A_105] : memref<10008x128xf32, #tpu.memory_space<vmem_shared>> -> memref<128x128xf32, #tpu.memory_space<vmem_shared>>
      tpu.enqueue_dma source(%arg8 : memref<128x128xf32, #tpu.memory_space<vmem>>) target(%dma_start3A_106 : memref<128x128xf32, #tpu.memory_space<vmem_shared>>) target_semaphore(%run_scoped3A_102 : memref<!tpu.dma_semaphore, #tpu.memory_space<semaphore_mem>>)
      %dma_wait3A_107 = arith.constant 0 : i32
      %dma_wait3A_108 = tpu.memref_slice %arg9[%add3A_22, %dma_wait3A_107] : memref<10008x128xf32, #tpu.memory_space<vmem_shared>> -> memref<128x128xf32, #tpu.memory_space<vmem_shared>>
      %dma_wait3A_109 = arith.constant 0 : i32
      %dma_wait3A_110 = tpu.memref_slice %arg9[%add3A_22, %dma_wait3A_109] : memref<10008x128xf32, #tpu.memory_space<vmem_shared>> -> memref<128x128xf32, #tpu.memory_space<vmem_shared>>
      tpu.wait_dma2 semaphore(%run_scoped3A_102 : memref<!tpu.dma_semaphore, #tpu.memory_space<semaphore_mem>>) src(%arg8 : memref<128x128xf32, #tpu.memory_space<vmem>>) dst(%dma_wait3A_110 : memref<128x128xf32, #tpu.memory_space<vmem_shared>>)
      tpu.yield
    }) : () -> ()
    %mul3A_23 = arith.constant 625 : i32
    %mul3A_24 = arith.muli %arg1, %mul3A_23 : i32
    %add3A_25 = arith.constant 625 : i32
    %add3A_26 = arith.addi %mul3A_24, %add3A_25 : i32
    %sub3A = arith.constant 113 : i32
    %sub3A_27 = arith.subi %add3A_26, %sub3A : i32
    "tpu.region"() ({
      %run_scoped3A_102 = tpu.sem_alloc : memref<!tpu.dma_semaphore, #tpu.memory_space<semaphore_mem>>
      %dma_start3A_103 = arith.constant 0 : i32
      %dma_start3A_104 = arith.constant 0 : i32
      %dma_start3A_105 = tpu.memref_slice %arg8[%dma_start3A_103, %dma_start3A_104] : memref<128x128xf32, #tpu.memory_space<vmem>> -> memref<113x128xf32, #tpu.memory_space<vmem>>
      %dma_start3A_106 = arith.constant 0 : i32
      %dma_start3A_107 = tpu.memref_slice %arg9[%sub3A_27, %dma_start3A_106] : memref<10008x128xf32, #tpu.memory_space<vmem_shared>> -> memref<113x128xf32, #tpu.memory_space<vmem_shared>>
      %dma_start3A_108 = arith.constant 0 : i32
      %dma_start3A_109 = tpu.memref_slice %arg9[%sub3A_27, %dma_start3A_108] : memref<10008x128xf32, #tpu.memory_space<vmem_shared>> -> memref<113x128xf32, #tpu.memory_space<vmem_shared>>
      %dma_start3A_110 = arith.constant 0 : i32
      %dma_start3A_111 = arith.constant 0 : i32
      %dma_start3A_112 = tpu.memref_slice %arg8[%dma_start3A_110, %dma_start3A_111] : memref<128x128xf32, #tpu.memory_space<vmem>> -> memref<113x128xf32, #tpu.memory_space<vmem>>
      tpu.enqueue_dma source(%dma_start3A_112 : memref<113x128xf32, #tpu.memory_space<vmem>>) target(%dma_start3A_109 : memref<113x128xf32, #tpu.memory_space<vmem_shared>>) target_semaphore(%run_scoped3A_102 : memref<!tpu.dma_semaphore, #tpu.memory_space<semaphore_mem>>)
      %dma_wait3A_113 = arith.constant 0 : i32
      %dma_wait3A_114 = arith.constant 0 : i32
      %dma_wait3A_115 = tpu.memref_slice %arg8[%dma_wait3A_113, %dma_wait3A_114] : memref<128x128xf32, #tpu.memory_space<vmem>> -> memref<113x128xf32, #tpu.memory_space<vmem>>
      %dma_wait3A_116 = arith.constant 0 : i32
      %dma_wait3A_117 = tpu.memref_slice %arg9[%sub3A_27, %dma_wait3A_116] : memref<10008x128xf32, #tpu.memory_space<vmem_shared>> -> memref<113x128xf32, #tpu.memory_space<vmem_shared>>
      %dma_wait3A_118 = arith.constant 0 : i32
      %dma_wait3A_119 = tpu.memref_slice %arg9[%sub3A_27, %dma_wait3A_118] : memref<10008x128xf32, #tpu.memory_space<vmem_shared>> -> memref<113x128xf32, #tpu.memory_space<vmem_shared>>
      %dma_wait3A_120 = arith.constant 0 : i32
      %dma_wait3A_121 = arith.constant 0 : i32
      %dma_wait3A_122 = tpu.memref_slice %arg8[%dma_wait3A_120, %dma_wait3A_121] : memref<128x128xf32, #tpu.memory_space<vmem>> -> memref<113x128xf32, #tpu.memory_space<vmem>>
      tpu.wait_dma2 semaphore(%run_scoped3A_102 : memref<!tpu.dma_semaphore, #tpu.memory_space<semaphore_mem>>) src(%dma_wait3A_122 : memref<113x128xf32, #tpu.memory_space<vmem>>) dst(%dma_wait3A_119 : memref<113x128xf32, #tpu.memory_space<vmem_shared>>)
      tpu.yield
    }) : () -> ()
    %scan3A_28 = arith.constant 0 : i32
    %scan3A_29 = arith.constant 0 : i32
    %scan3A_30 = arith.constant 128 : i32
    %scan3A_31 = arith.addi %scan3A_29, %scan3A_30 : i32
    %scan3A_32 = arith.constant 1 : i32
    %scan3A_33 = scf.for %scan3A_102 = %scan3A_29 to %scan3A_31 step %scan3A_32 iter_args(%scan3A_103 = %scan3A_28) -> (i32)  : i32 {
      %broadcast_in_dim3A = arith.constant 1.000000e+00 : f32
      %broadcast_in_dim3A_104 = vector.broadcast %broadcast_in_dim3A : f32 to vector<16xf32>
      %swap3A = arith.index_cast %scan3A_102 : i32 to index
      %swap3A_105 = arith.constant 0 : index
      %swap3A_106 = tpu.vector_load %arg8[%swap3A, %swap3A_105] {strides = array<i32>} : memref<128x128xf32, #tpu.memory_space<vmem>>, vector<1x16xf32>,
      %swap3A_107 = vector.shape_cast %swap3A_106 : vector<1x16xf32> to vector<16xf32>
      %swap3A_108 = vector.shape_cast %broadcast_in_dim3A_104 : vector<16xf32> to vector<1x16xf32>
      tpu.vector_store %arg8[%swap3A, %swap3A_105], %swap3A_108 {strides = array<i32>} : memref<128x128xf32, #tpu.memory_space<vmem>>, vector<1x16xf32>,
      %broadcast_in_dim3A_109 = arith.constant 1.000000e+00 : f32
      %broadcast_in_dim3A_110 = vector.broadcast %broadcast_in_dim3A_109 : f32 to vector<16xf32>
      %swap3A_111 = arith.index_cast %scan3A_102 : i32 to index
      %swap3A_112 = arith.constant 16 : index
      %swap3A_113 = tpu.vector_load %arg8[%swap3A_111, %swap3A_112] {strides = array<i32>} : memref<128x128xf32, #tpu.memory_space<vmem>>, vector<1x16xf32>,
      %swap3A_114 = vector.shape_cast %swap3A_113 : vector<1x16xf32> to vector<16xf32>
      %swap3A_115 = vector.shape_cast %broadcast_in_dim3A_110 : vector<16xf32> to vector<1x16xf32>
      tpu.vector_store %arg8[%swap3A_111, %swap3A_112], %swap3A_115 {strides = array<i32>} : memref<128x128xf32, #tpu.memory_space<vmem>>, vector<1x16xf32>,
      %broadcast_in_dim3A_116 = arith.constant 1.000000e+00 : f32
      %broadcast_in_dim3A_117 = vector.broadcast %broadcast_in_dim3A_116 : f32 to vector<16xf32>
      %swap3A_118 = arith.index_cast %scan3A_102 : i32 to index
      %swap3A_119 = arith.constant 32 : index
      %swap3A_120 = tpu.vector_load %arg8[%swap3A_118, %swap3A_119] {strides = array<i32>} : memref<128x128xf32, #tpu.memory_space<vmem>>, vector<1x16xf32>,
      %swap3A_121 = vector.shape_cast %swap3A_120 : vector<1x16xf32> to vector<16xf32>
      %swap3A_122 = vector.shape_cast %broadcast_in_dim3A_117 : vector<16xf32> to vector<1x16xf32>
      tpu.vector_store %arg8[%swap3A_118, %swap3A_119], %swap3A_122 {strides = array<i32>} : memref<128x128xf32, #tpu.memory_space<vmem>>, vector<1x16xf32>,
      %broadcast_in_dim3A_123 = arith.constant 1.000000e+00 : f32
      %broadcast_in_dim3A_124 = vector.broadcast %broadcast_in_dim3A_123 : f32 to vector<16xf32>
      %swap3A_125 = arith.index_cast %scan3A_102 : i32 to index
      %swap3A_126 = arith.constant 48 : index
      %swap3A_127 = tpu.vector_load %arg8[%swap3A_125, %swap3A_126] {strides = array<i32>} : memref<128x128xf32, #tpu.memory_space<vmem>>, vector<1x16xf32>,
      %swap3A_128 = vector.shape_cast %swap3A_127 : vector<1x16xf32> to vector<16xf32>
      %swap3A_129 = vector.shape_cast %broadcast_in_dim3A_124 : vector<16xf32> to vector<1x16xf32>
      tpu.vector_store %arg8[%swap3A_125, %swap3A_126], %swap3A_129 {strides = array<i32>} : memref<128x128xf32, #tpu.memory_space<vmem>>, vector<1x16xf32>,
      %broadcast_in_dim3A_130 = arith.constant 1.000000e+00 : f32
      %broadcast_in_dim3A_131 = vector.broadcast %broadcast_in_dim3A_130 : f32 to vector<16xf32>
      %swap3A_132 = arith.index_cast %scan3A_102 : i32 to index
      %swap3A_133 = arith.constant 64 : index
      %swap3A_134 = tpu.vector_load %arg8[%swap3A_132, %swap3A_133] {strides = array<i32>} : memref<128x128xf32, #tpu.memory_space<vmem>>, vector<1x16xf32>,
      %swap3A_135 = vector.shape_cast %swap3A_134 : vector<1x16xf32> to vector<16xf32>
      %swap3A_136 = vector.shape_cast %broadcast_in_dim3A_131 : vector<16xf32> to vector<1x16xf32>
      tpu.vector_store %arg8[%swap3A_132, %swap3A_133], %swap3A_136 {strides = array<i32>} : memref<128x128xf32, #tpu.memory_space<vmem>>, vector<1x16xf32>,
      %broadcast_in_dim3A_137 = arith.constant 1.000000e+00 : f32
      %broadcast_in_dim3A_138 = vector.broadcast %broadcast_in_dim3A_137 : f32 to vector<16xf32>
      %swap3A_139 = arith.index_cast %scan3A_102 : i32 to index
      %swap3A_140 = arith.constant 80 : index
      %swap3A_141 = tpu.vector_load %arg8[%swap3A_139, %swap3A_140] {strides = array<i32>} : memref<128x128xf32, #tpu.memory_space<vmem>>, vector<1x16xf32>,
      %swap3A_142 = vector.shape_cast %swap3A_141 : vector<1x16xf32> to vector<16xf32>
      %swap3A_143 = vector.shape_cast %broadcast_in_dim3A_138 : vector<16xf32> to vector<1x16xf32>
      tpu.vector_store %arg8[%swap3A_139, %swap3A_140], %swap3A_143 {strides = array<i32>} : memref<128x128xf32, #tpu.memory_space<vmem>>, vector<1x16xf32>,
      %broadcast_in_dim3A_144 = arith.constant 1.000000e+00 : f32
      %broadcast_in_dim3A_145 = vector.broadcast %broadcast_in_dim3A_144 : f32 to vector<16xf32>
      %swap3A_146 = arith.index_cast %scan3A_102 : i32 to index
      %swap3A_147 = arith.constant 96 : index
      %swap3A_148 = tpu.vector_load %arg8[%swap3A_146, %swap3A_147] {strides = array<i32>} : memref<128x128xf32, #tpu.memory_space<vmem>>, vector<1x16xf32>,
      %swap3A_149 = vector.shape_cast %swap3A_148 : vector<1x16xf32> to vector<16xf32>
      %swap3A_150 = vector.shape_cast %broadcast_in_dim3A_145 : vector<16xf32> to vector<1x16xf32>
      tpu.vector_store %arg8[%swap3A_146, %swap3A_147], %swap3A_150 {strides = array<i32>} : memref<128x128xf32, #tpu.memory_space<vmem>>, vector<1x16xf32>,
      %broadcast_in_dim3A_151 = arith.constant 1.000000e+00 : f32
      %broadcast_in_dim3A_152 = vector.broadcast %broadcast_in_dim3A_151 : f32 to vector<16xf32>
      %swap3A_153 = arith.index_cast %scan3A_102 : i32 to index
      %swap3A_154 = arith.constant 112 : index
      %swap3A_155 = tpu.vector_load %arg8[%swap3A_153, %swap3A_154] {strides = array<i32>} : memref<128x128xf32, #tpu.memory_space<vmem>>, vector<1x16xf32>,
      %swap3A_156 = vector.shape_cast %swap3A_155 : vector<1x16xf32> to vector<16xf32>
      %swap3A_157 = vector.shape_cast %broadcast_in_dim3A_152 : vector<16xf32> to vector<1x16xf32>
      tpu.vector_store %arg8[%swap3A_153, %swap3A_154], %swap3A_157 {strides = array<i32>} : memref<128x128xf32, #tpu.memory_space<vmem>>, vector<1x16xf32>,
      %scan3A_158 = arith.constant 0 : i32
      scf.yield %scan3A_158 : i32
    }
    %scan3A_34 = arith.constant 128 : i32
    %barrier3A = arith.constant 0 : index
    tpu.barrier barrier_id(%barrier3A)
    %run_scoped3A = arith.constant 0 : i32
    "tpu.region"() ({
      %run_scoped3A_102 = tpu.sem_alloc : memref<!tpu.dma_semaphore, #tpu.memory_space<semaphore_mem>>
      %dma_start3A_103 = arith.constant 0 : i32
      %dma_start3A_104 = arith.constant 0 : i32
      %dma_start3A_105 = tpu.memref_slice %arg2[%add3A, %run_scoped3A, %dma_start3A_103, %dma_start3A_104] : memref<32x82x2x128xi32, #tpu.memory_space<hbm>> -> memref<1x1x2x128xi32, #tpu.memory_space<hbm>>
      %dma_start3A_106 = tpu.memref_squeeze %dma_start3A_105 : memref<1x1x2x128xi32, #tpu.memory_space<hbm>> -> memref<2x128xi32, #tpu.memory_space<hbm>>
      %dma_start3A_107 = arith.constant 0 : i32
      %dma_start3A_108 = arith.constant 0 : i32
      %dma_start3A_109 = tpu.memref_slice %arg2[%add3A, %run_scoped3A, %dma_start3A_107, %dma_start3A_108] : memref<32x82x2x128xi32, #tpu.memory_space<hbm>> -> memref<1x1x2x128xi32, #tpu.memory_space<hbm>>
      %dma_start3A_110 = tpu.memref_squeeze %dma_start3A_109 : memref<1x1x2x128xi32, #tpu.memory_space<hbm>> -> memref<2x128xi32, #tpu.memory_space<hbm>>
      tpu.enqueue_dma source(%dma_start3A_110 : memref<2x128xi32, #tpu.memory_space<hbm>>) target(%arg4 : memref<2x128xi32, #tpu.memory_space<vmem>>) target_semaphore(%run_scoped3A_102 : memref<!tpu.dma_semaphore, #tpu.memory_space<semaphore_mem>>)
      %dma_wait3A_111 = arith.constant 0 : i32
      %dma_wait3A_112 = arith.constant 0 : i32
      %dma_wait3A_113 = tpu.memref_slice %arg2[%add3A, %run_scoped3A, %dma_wait3A_111, %dma_wait3A_112] : memref<32x82x2x128xi32, #tpu.memory_space<hbm>> -> memref<1x1x2x128xi32, #tpu.memory_space<hbm>>
      %dma_wait3A_114 = tpu.memref_squeeze %dma_wait3A_113 : memref<1x1x2x128xi32, #tpu.memory_space<hbm>> -> memref<2x128xi32, #tpu.memory_space<hbm>>
      %dma_wait3A_115 = arith.constant 0 : i32
      %dma_wait3A_116 = arith.constant 0 : i32
      %dma_wait3A_117 = tpu.memref_slice %arg2[%add3A, %run_scoped3A, %dma_wait3A_115, %dma_wait3A_116] : memref<32x82x2x128xi32, #tpu.memory_space<hbm>> -> memref<1x1x2x128xi32, #tpu.memory_space<hbm>>
      %dma_wait3A_118 = tpu.memref_squeeze %dma_wait3A_117 : memref<1x1x2x128xi32, #tpu.memory_space<hbm>> -> memref<2x128xi32, #tpu.memory_space<hbm>>
      tpu.wait_dma2 semaphore(%run_scoped3A_102 : memref<!tpu.dma_semaphore, #tpu.memory_space<semaphore_mem>>) src(%dma_wait3A_118 : memref<2x128xi32, #tpu.memory_space<hbm>>) dst(%arg4 : memref<2x128xi32, #tpu.memory_space<vmem>>)
      tpu.yield
    }) : () -> ()
    %dma_start3A = arith.constant 1 : i32
    %dma_start3A_35 = arith.constant 0 : i32
    %dma_start3A_36 = tpu.memref_slice %arg4[%dma_start3A, %dma_start3A_35] : memref<2x128xi32, #tpu.memory_space<vmem>> -> memref<1x128xi32, #tpu.memory_space<vmem>>
    %dma_start3A_37 = tpu.memref_squeeze %dma_start3A_36 : memref<1x128xi32, #tpu.memory_space<vmem>> -> memref<128xi32, #tpu.memory_space<vmem>>
    %dma_start3A_38 = arith.constant 0 : i32
    %dma_start3A_39 = arith.constant 0 : i32
    %dma_start3A_40 = tpu.memref_slice %arg9[%dma_start3A_38, %dma_start3A_39] : memref<10008x128xf32, #tpu.memory_space<vmem_shared>> -> memref<10008x128xf32, #tpu.memory_space<vmem_shared>>
    tpu.enqueue_indirect_dma source(%arg8 : memref<128x128xf32, #tpu.memory_space<vmem>>) target(%dma_start3A_40 : memref<10008x128xf32, #tpu.memory_space<vmem_shared>>) offsets(%dma_start3A_37 : memref<128xi32, #tpu.memory_space<vmem>>) semaphore(%arg10 : memref<!tpu.dma_semaphore, #tpu.memory_space<semaphore_mem>>) {add = true}
    %run_scoped3A_41 = arith.constant 1 : i32
    "tpu.region"() ({
      %run_scoped3A_102 = tpu.sem_alloc : memref<!tpu.dma_semaphore, #tpu.memory_space<semaphore_mem>>
      %dma_start3A_103 = arith.constant 0 : i32
      %dma_start3A_104 = arith.constant 0 : i32
      %dma_start3A_105 = tpu.memref_slice %arg2[%add3A, %run_scoped3A_41, %dma_start3A_103, %dma_start3A_104] : memref<32x82x2x128xi32, #tpu.memory_space<hbm>> -> memref<1x1x2x128xi32, #tpu.memory_space<hbm>>
      %dma_start3A_106 = tpu.memref_squeeze %dma_start3A_105 : memref<1x1x2x128xi32, #tpu.memory_space<hbm>> -> memref<2x128xi32, #tpu.memory_space<hbm>>
      %dma_start3A_107 = arith.constant 0 : i32
      %dma_start3A_108 = arith.constant 0 : i32
      %dma_start3A_109 = tpu.memref_slice %arg2[%add3A, %run_scoped3A_41, %dma_start3A_107, %dma_start3A_108] : memref<32x82x2x128xi32, #tpu.memory_space<hbm>> -> memref<1x1x2x128xi32, #tpu.memory_space<hbm>>
      %dma_start3A_110 = tpu.memref_squeeze %dma_start3A_109 : memref<1x1x2x128xi32, #tpu.memory_space<hbm>> -> memref<2x128xi32, #tpu.memory_space<hbm>>
      tpu.enqueue_dma source(%dma_start3A_110 : memref<2x128xi32, #tpu.memory_space<hbm>>) target(%arg5 : memref<2x128xi32, #tpu.memory_space<vmem>>) target_semaphore(%run_scoped3A_102 : memref<!tpu.dma_semaphore, #tpu.memory_space<semaphore_mem>>)
      %dma_wait3A_111 = arith.constant 0 : i32
      %dma_wait3A_112 = arith.constant 0 : i32
      %dma_wait3A_113 = tpu.memref_slice %arg2[%add3A, %run_scoped3A_41, %dma_wait3A_111, %dma_wait3A_112] : memref<32x82x2x128xi32, #tpu.memory_space<hbm>> -> memref<1x1x2x128xi32, #tpu.memory_space<hbm>>
      %dma_wait3A_114 = tpu.memref_squeeze %dma_wait3A_113 : memref<1x1x2x128xi32, #tpu.memory_space<hbm>> -> memref<2x128xi32, #tpu.memory_space<hbm>>
      %dma_wait3A_115 = arith.constant 0 : i32
      %dma_wait3A_116 = arith.constant 0 : i32
      %dma_wait3A_117 = tpu.memref_slice %arg2[%add3A, %run_scoped3A_41, %dma_wait3A_115, %dma_wait3A_116] : memref<32x82x2x128xi32, #tpu.memory_space<hbm>> -> memref<1x1x2x128xi32, #tpu.memory_space<hbm>>
      %dma_wait3A_118 = tpu.memref_squeeze %dma_wait3A_117 : memref<1x1x2x128xi32, #tpu.memory_space<hbm>> -> memref<2x128xi32, #tpu.memory_space<hbm>>
      tpu.wait_dma2 semaphore(%run_scoped3A_102 : memref<!tpu.dma_semaphore, #tpu.memory_space<semaphore_mem>>) src(%dma_wait3A_118 : memref<2x128xi32, #tpu.memory_space<hbm>>) dst(%arg5 : memref<2x128xi32, #tpu.memory_space<vmem>>)
      tpu.yield
    }) : () -> ()
    %dma_start3A_42 = arith.constant 1 : i32
    %dma_start3A_43 = arith.constant 0 : i32
    %dma_start3A_44 = tpu.memref_slice %arg5[%dma_start3A_42, %dma_start3A_43] : memref<2x128xi32, #tpu.memory_space<vmem>> -> memref<1x128xi32, #tpu.memory_space<vmem>>
    %dma_start3A_45 = tpu.memref_squeeze %dma_start3A_44 : memref<1x128xi32, #tpu.memory_space<vmem>> -> memref<128xi32, #tpu.memory_space<vmem>>
    %dma_start3A_46 = arith.constant 0 : i32
    %dma_start3A_47 = arith.constant 0 : i32
    %dma_start3A_48 = tpu.memref_slice %arg9[%dma_start3A_46, %dma_start3A_47] : memref<10008x128xf32, #tpu.memory_space<vmem_shared>> -> memref<10008x128xf32, #tpu.memory_space<vmem_shared>>
    tpu.enqueue_indirect_dma source(%arg8 : memref<128x128xf32, #tpu.memory_space<vmem>>) target(%dma_start3A_48 : memref<10008x128xf32, #tpu.memory_space<vmem_shared>>) offsets(%dma_start3A_45 : memref<128xi32, #tpu.memory_space<vmem>>) semaphore(%arg11 : memref<!tpu.dma_semaphore, #tpu.memory_space<semaphore_mem>>) {add = true}
    %run_scoped3A_49 = arith.constant 2 : i32
    "tpu.region"() ({
      %run_scoped3A_102 = tpu.sem_alloc : memref<!tpu.dma_semaphore, #tpu.memory_space<semaphore_mem>>
      %dma_start3A_103 = arith.constant 0 : i32
      %dma_start3A_104 = arith.constant 0 : i32
      %dma_start3A_105 = tpu.memref_slice %arg2[%add3A, %run_scoped3A_49, %dma_start3A_103, %dma_start3A_104] : memref<32x82x2x128xi32, #tpu.memory_space<hbm>> -> memref<1x1x2x128xi32, #tpu.memory_space<hbm>>
      %dma_start3A_106 = tpu.memref_squeeze %dma_start3A_105 : memref<1x1x2x128xi32, #tpu.memory_space<hbm>> -> memref<2x128xi32, #tpu.memory_space<hbm>>
      %dma_start3A_107 = arith.constant 0 : i32
      %dma_start3A_108 = arith.constant 0 : i32
      %dma_start3A_109 = tpu.memref_slice %arg2[%add3A, %run_scoped3A_49, %dma_start3A_107, %dma_start3A_108] : memref<32x82x2x128xi32, #tpu.memory_space<hbm>> -> memref<1x1x2x128xi32, #tpu.memory_space<hbm>>
      %dma_start3A_110 = tpu.memref_squeeze %dma_start3A_109 : memref<1x1x2x128xi32, #tpu.memory_space<hbm>> -> memref<2x128xi32, #tpu.memory_space<hbm>>
      tpu.enqueue_dma source(%dma_start3A_110 : memref<2x128xi32, #tpu.memory_space<hbm>>) target(%arg6 : memref<2x128xi32, #tpu.memory_space<vmem>>) target_semaphore(%run_scoped3A_102 : memref<!tpu.dma_semaphore, #tpu.memory_space<semaphore_mem>>)
      %dma_wait3A_111 = arith.constant 0 : i32
      %dma_wait3A_112 = arith.constant 0 : i32
      %dma_wait3A_113 = tpu.memref_slice %arg2[%add3A, %run_scoped3A_49, %dma_wait3A_111, %dma_wait3A_112] : memref<32x82x2x128xi32, #tpu.memory_space<hbm>> -> memref<1x1x2x128xi32, #tpu.memory_space<hbm>>
      %dma_wait3A_114 = tpu.memref_squeeze %dma_wait3A_113 : memref<1x1x2x128xi32, #tpu.memory_space<hbm>> -> memref<2x128xi32, #tpu.memory_space<hbm>>
      %dma_wait3A_115 = arith.constant 0 : i32
      %dma_wait3A_116 = arith.constant 0 : i32
      %dma_wait3A_117 = tpu.memref_slice %arg2[%add3A, %run_scoped3A_49, %dma_wait3A_115, %dma_wait3A_116] : memref<32x82x2x128xi32, #tpu.memory_space<hbm>> -> memref<1x1x2x128xi32, #tpu.memory_space<hbm>>
      %dma_wait3A_118 = tpu.memref_squeeze %dma_wait3A_117 : memref<1x1x2x128xi32, #tpu.memory_space<hbm>> -> memref<2x128xi32, #tpu.memory_space<hbm>>
      tpu.wait_dma2 semaphore(%run_scoped3A_102 : memref<!tpu.dma_semaphore, #tpu.memory_space<semaphore_mem>>) src(%dma_wait3A_118 : memref<2x128xi32, #tpu.memory_space<hbm>>) dst(%arg6 : memref<2x128xi32, #tpu.memory_space<vmem>>)
      tpu.yield
    }) : () -> ()
    %dma_start3A_50 = arith.constant 1 : i32
    %dma_start3A_51 = arith.constant 0 : i32
    %dma_start3A_52 = tpu.memref_slice %arg6[%dma_start3A_50, %dma_start3A_51] : memref<2x128xi32, #tpu.memory_space<vmem>> -> memref<1x128xi32, #tpu.memory_space<vmem>>
    %dma_start3A_53 = tpu.memref_squeeze %dma_start3A_52 : memref<1x128xi32, #tpu.memory_space<vmem>> -> memref<128xi32, #tpu.memory_space<vmem>>
    %dma_start3A_54 = arith.constant 0 : i32
    %dma_start3A_55 = arith.constant 0 : i32
    %dma_start3A_56 = tpu.memref_slice %arg9[%dma_start3A_54, %dma_start3A_55] : memref<10008x128xf32, #tpu.memory_space<vmem_shared>> -> memref<10008x128xf32, #tpu.memory_space<vmem_shared>>
    tpu.enqueue_indirect_dma source(%arg8 : memref<128x128xf32, #tpu.memory_space<vmem>>) target(%dma_start3A_56 : memref<10008x128xf32, #tpu.memory_space<vmem_shared>>) offsets(%dma_start3A_53 : memref<128xi32, #tpu.memory_space<vmem>>) semaphore(%arg12 : memref<!tpu.dma_semaphore, #tpu.memory_space<semaphore_mem>>) {add = true}
    %run_scoped3A_57 = arith.constant 3 : i32
    "tpu.region"() ({
      %run_scoped3A_102 = tpu.sem_alloc : memref<!tpu.dma_semaphore, #tpu.memory_space<semaphore_mem>>
      %dma_start3A_103 = arith.constant 0 : i32
      %dma_start3A_104 = arith.constant 0 : i32
      %dma_start3A_105 = tpu.memref_slice %arg2[%add3A, %run_scoped3A_57, %dma_start3A_103, %dma_start3A_104] : memref<32x82x2x128xi32, #tpu.memory_space<hbm>> -> memref<1x1x2x128xi32, #tpu.memory_space<hbm>>
      %dma_start3A_106 = tpu.memref_squeeze %dma_start3A_105 : memref<1x1x2x128xi32, #tpu.memory_space<hbm>> -> memref<2x128xi32, #tpu.memory_space<hbm>>
      %dma_start3A_107 = arith.constant 0 : i32
      %dma_start3A_108 = arith.constant 0 : i32
      %dma_start3A_109 = tpu.memref_slice %arg2[%add3A, %run_scoped3A_57, %dma_start3A_107, %dma_start3A_108] : memref<32x82x2x128xi32, #tpu.memory_space<hbm>> -> memref<1x1x2x128xi32, #tpu.memory_space<hbm>>
      %dma_start3A_110 = tpu.memref_squeeze %dma_start3A_109 : memref<1x1x2x128xi32, #tpu.memory_space<hbm>> -> memref<2x128xi32, #tpu.memory_space<hbm>>
      tpu.enqueue_dma source(%dma_start3A_110 : memref<2x128xi32, #tpu.memory_space<hbm>>) target(%arg7 : memref<2x128xi32, #tpu.memory_space<vmem>>) target_semaphore(%run_scoped3A_102 : memref<!tpu.dma_semaphore, #tpu.memory_space<semaphore_mem>>)
      %dma_wait3A_111 = arith.constant 0 : i32
      %dma_wait3A_112 = arith.constant 0 : i32
      %dma_wait3A_113 = tpu.memref_slice %arg2[%add3A, %run_scoped3A_57, %dma_wait3A_111, %dma_wait3A_112] : memref<32x82x2x128xi32, #tpu.memory_space<hbm>> -> memref<1x1x2x128xi32, #tpu.memory_space<hbm>>
      %dma_wait3A_114 = tpu.memref_squeeze %dma_wait3A_113 : memref<1x1x2x128xi32, #tpu.memory_space<hbm>> -> memref<2x128xi32, #tpu.memory_space<hbm>>
      %dma_wait3A_115 = arith.constant 0 : i32
      %dma_wait3A_116 = arith.constant 0 : i32
      %dma_wait3A_117 = tpu.memref_slice %arg2[%add3A, %run_scoped3A_57, %dma_wait3A_115, %dma_wait3A_116] : memref<32x82x2x128xi32, #tpu.memory_space<hbm>> -> memref<1x1x2x128xi32, #tpu.memory_space<hbm>>
      %dma_wait3A_118 = tpu.memref_squeeze %dma_wait3A_117 : memref<1x1x2x128xi32, #tpu.memory_space<hbm>> -> memref<2x128xi32, #tpu.memory_space<hbm>>
      tpu.wait_dma2 semaphore(%run_scoped3A_102 : memref<!tpu.dma_semaphore, #tpu.memory_space<semaphore_mem>>) src(%dma_wait3A_118 : memref<2x128xi32, #tpu.memory_space<hbm>>) dst(%arg7 : memref<2x128xi32, #tpu.memory_space<vmem>>)
      tpu.yield
    }) : () -> ()
    %dma_start3A_58 = arith.constant 1 : i32
    %dma_start3A_59 = arith.constant 0 : i32
    %dma_start3A_60 = tpu.memref_slice %arg7[%dma_start3A_58, %dma_start3A_59] : memref<2x128xi32, #tpu.memory_space<vmem>> -> memref<1x128xi32, #tpu.memory_space<vmem>>
    %dma_start3A_61 = tpu.memref_squeeze %dma_start3A_60 : memref<1x128xi32, #tpu.memory_space<vmem>> -> memref<128xi32, #tpu.memory_space<vmem>>
    %dma_start3A_62 = arith.constant 0 : i32
    %dma_start3A_63 = arith.constant 0 : i32
    %dma_start3A_64 = tpu.memref_slice %arg9[%dma_start3A_62, %dma_start3A_63] : memref<10008x128xf32, #tpu.memory_space<vmem_shared>> -> memref<10008x128xf32, #tpu.memory_space<vmem_shared>>
    tpu.enqueue_indirect_dma source(%arg8 : memref<128x128xf32, #tpu.memory_space<vmem>>) target(%dma_start3A_64 : memref<10008x128xf32, #tpu.memory_space<vmem_shared>>) offsets(%dma_start3A_61 : memref<128xi32, #tpu.memory_space<vmem>>) semaphore(%arg13 : memref<!tpu.dma_semaphore, #tpu.memory_space<semaphore_mem>>) {add = true}
    %scan3A_65 = arith.constant 0 : i32
    %scan3A_66 = arith.constant 1 : i32
    %scan3A_67 = arith.constant 19 : i32
    %scan3A_68 = arith.addi %scan3A_66, %scan3A_67 : i32
    %scan3A_69 = arith.constant 1 : i32
    %scan3A_70 = scf.for %scan3A_102 = %scan3A_66 to %scan3A_68 step %scan3A_69 iter_args(%scan3A_103 = %scan3A_65) -> (i32)  : i32 {
      %mul3A_104 = arith.constant 4 : i32
      %mul3A_105 = arith.muli %mul3A_104, %scan3A_102 : i32
      %dma_wait3A_106 = arith.constant 1 : i32
      %dma_wait3A_107 = arith.constant 0 : i32
      %dma_wait3A_108 = tpu.memref_slice %arg4[%dma_wait3A_106, %dma_wait3A_107] : memref<2x128xi32, #tpu.memory_space<vmem>> -> memref<1x128xi32, #tpu.memory_space<vmem>>
      %dma_wait3A_109 = tpu.memref_squeeze %dma_wait3A_108 : memref<1x128xi32, #tpu.memory_space<vmem>> -> memref<128xi32, #tpu.memory_space<vmem>>
      %dma_wait3A_110 = arith.constant 0 : i32
      %dma_wait3A_111 = arith.constant 0 : i32
      %dma_wait3A_112 = tpu.memref_slice %arg9[%dma_wait3A_110, %dma_wait3A_111] : memref<10008x128xf32, #tpu.memory_space<vmem_shared>> -> memref<10008x128xf32, #tpu.memory_space<vmem_shared>>
      tpu.wait_indirect_dma semaphore(%arg10 : memref<!tpu.dma_semaphore, #tpu.memory_space<semaphore_mem>>) src(%arg8 : memref<128x128xf32, #tpu.memory_space<vmem>>) dst(%dma_wait3A_112 : memref<10008x128xf32, #tpu.memory_space<vmem_shared>>)
      %add3A_113 = arith.constant 0 : i32
      %add3A_114 = arith.addi %mul3A_105, %add3A_113 : i32
      "tpu.region"() ({
        %run_scoped3A_171 = tpu.sem_alloc : memref<!tpu.dma_semaphore, #tpu.memory_space<semaphore_mem>>
        %dma_start3A_172 = arith.constant 0 : i32
        %dma_start3A_173 = arith.constant 0 : i32
        %dma_start3A_174 = tpu.memref_slice %arg2[%add3A, %add3A_114, %dma_start3A_172, %dma_start3A_173] : memref<32x82x2x128xi32, #tpu.memory_space<hbm>> -> memref<1x1x2x128xi32, #tpu.memory_space<hbm>>
        %dma_start3A_175 = tpu.memref_squeeze %dma_start3A_174 : memref<1x1x2x128xi32, #tpu.memory_space<hbm>> -> memref<2x128xi32, #tpu.memory_space<hbm>>
        %dma_start3A_176 = arith.constant 0 : i32
        %dma_start3A_177 = arith.constant 0 : i32
        %dma_start3A_178 = tpu.memref_slice %arg2[%add3A, %add3A_114, %dma_start3A_176, %dma_start3A_177] : memref<32x82x2x128xi32, #tpu.memory_space<hbm>> -> memref<1x1x2x128xi32, #tpu.memory_space<hbm>>
        %dma_start3A_179 = tpu.memref_squeeze %dma_start3A_178 : memref<1x1x2x128xi32, #tpu.memory_space<hbm>> -> memref<2x128xi32, #tpu.memory_space<hbm>>
        tpu.enqueue_dma source(%dma_start3A_179 : memref<2x128xi32, #tpu.memory_space<hbm>>) target(%arg4 : memref<2x128xi32, #tpu.memory_space<vmem>>) target_semaphore(%run_scoped3A_171 : memref<!tpu.dma_semaphore, #tpu.memory_space<semaphore_mem>>)
        %dma_wait3A_180 = arith.constant 0 : i32
        %dma_wait3A_181 = arith.constant 0 : i32
        %dma_wait3A_182 = tpu.memref_slice %arg2[%add3A, %add3A_114, %dma_wait3A_180, %dma_wait3A_181] : memref<32x82x2x128xi32, #tpu.memory_space<hbm>> -> memref<1x1x2x128xi32, #tpu.memory_space<hbm>>
        %dma_wait3A_183 = tpu.memref_squeeze %dma_wait3A_182 : memref<1x1x2x128xi32, #tpu.memory_space<hbm>> -> memref<2x128xi32, #tpu.memory_space<hbm>>
        %dma_wait3A_184 = arith.constant 0 : i32
        %dma_wait3A_185 = arith.constant 0 : i32
        %dma_wait3A_186 = tpu.memref_slice %arg2[%add3A, %add3A_114, %dma_wait3A_184, %dma_wait3A_185] : memref<32x82x2x128xi32, #tpu.memory_space<hbm>> -> memref<1x1x2x128xi32, #tpu.memory_space<hbm>>
        %dma_wait3A_187 = tpu.memref_squeeze %dma_wait3A_186 : memref<1x1x2x128xi32, #tpu.memory_space<hbm>> -> memref<2x128xi32, #tpu.memory_space<hbm>>
        tpu.wait_dma2 semaphore(%run_scoped3A_171 : memref<!tpu.dma_semaphore, #tpu.memory_space<semaphore_mem>>) src(%dma_wait3A_187 : memref<2x128xi32, #tpu.memory_space<hbm>>) dst(%arg4 : memref<2x128xi32, #tpu.memory_space<vmem>>)
        tpu.yield
      }) : () -> ()
      %dma_start3A_115 = arith.constant 1 : i32
      %dma_start3A_116 = arith.constant 0 : i32
      %dma_start3A_117 = tpu.memref_slice %arg4[%dma_start3A_115, %dma_start3A_116] : memref<2x128xi32, #tpu.memory_space<vmem>> -> memref<1x128xi32, #tpu.memory_space<vmem>>
      %dma_start3A_118 = tpu.memref_squeeze %dma_start3A_117 : memref<1x128xi32, #tpu.memory_space<vmem>> -> memref<128xi32, #tpu.memory_space<vmem>>
      %dma_start3A_119 = arith.constant 0 : i32
      %dma_start3A_120 = arith.constant 0 : i32
      %dma_start3A_121 = tpu.memref_slice %arg9[%dma_start3A_119, %dma_start3A_120] : memref<10008x128xf32, #tpu.memory_space<vmem_shared>> -> memref<10008x128xf32, #tpu.memory_space<vmem_shared>>
      tpu.enqueue_indirect_dma source(%arg8 : memref<128x128xf32, #tpu.memory_space<vmem>>) target(%dma_start3A_121 : memref<10008x128xf32, #tpu.memory_space<vmem_shared>>) offsets(%dma_start3A_118 : memref<128xi32, #tpu.memory_space<vmem>>) semaphore(%arg10 : memref<!tpu.dma_semaphore, #tpu.memory_space<semaphore_mem>>) {add = true}
      %dma_wait3A_122 = arith.constant 1 : i32
      %dma_wait3A_123 = arith.constant 0 : i32
      %dma_wait3A_124 = tpu.memref_slice %arg5[%dma_wait3A_122, %dma_wait3A_123] : memref<2x128xi32, #tpu.memory_space<vmem>> -> memref<1x128xi32, #tpu.memory_space<vmem>>
      %dma_wait3A_125 = tpu.memref_squeeze %dma_wait3A_124 : memref<1x128xi32, #tpu.memory_space<vmem>> -> memref<128xi32, #tpu.memory_space<vmem>>
      %dma_wait3A_126 = arith.constant 0 : i32
      %dma_wait3A_127 = arith.constant 0 : i32
      %dma_wait3A_128 = tpu.memref_slice %arg9[%dma_wait3A_126, %dma_wait3A_127] : memref<10008x128xf32, #tpu.memory_space<vmem_shared>> -> memref<10008x128xf32, #tpu.memory_space<vmem_shared>>
      tpu.wait_indirect_dma semaphore(%arg11 : memref<!tpu.dma_semaphore, #tpu.memory_space<semaphore_mem>>) src(%arg8 : memref<128x128xf32, #tpu.memory_space<vmem>>) dst(%dma_wait3A_128 : memref<10008x128xf32, #tpu.memory_space<vmem_shared>>)
      %add3A_129 = arith.constant 1 : i32
      %add3A_130 = arith.addi %mul3A_105, %add3A_129 : i32
      "tpu.region"() ({
        %run_scoped3A_171 = tpu.sem_alloc : memref<!tpu.dma_semaphore, #tpu.memory_space<semaphore_mem>>
        %dma_start3A_172 = arith.constant 0 : i32
        %dma_start3A_173 = arith.constant 0 : i32
        %dma_start3A_174 = tpu.memref_slice %arg2[%add3A, %add3A_130, %dma_start3A_172, %dma_start3A_173] : memref<32x82x2x128xi32, #tpu.memory_space<hbm>> -> memref<1x1x2x128xi32, #tpu.memory_space<hbm>>
        %dma_start3A_175 = tpu.memref_squeeze %dma_start3A_174 : memref<1x1x2x128xi32, #tpu.memory_space<hbm>> -> memref<2x128xi32, #tpu.memory_space<hbm>>
        %dma_start3A_176 = arith.constant 0 : i32
        %dma_start3A_177 = arith.constant 0 : i32
        %dma_start3A_178 = tpu.memref_slice %arg2[%add3A, %add3A_130, %dma_start3A_176, %dma_start3A_177] : memref<32x82x2x128xi32, #tpu.memory_space<hbm>> -> memref<1x1x2x128xi32, #tpu.memory_space<hbm>>
        %dma_start3A_179 = tpu.memref_squeeze %dma_start3A_178 : memref<1x1x2x128xi32, #tpu.memory_space<hbm>> -> memref<2x128xi32, #tpu.memory_space<hbm>>
        tpu.enqueue_dma source(%dma_start3A_179 : memref<2x128xi32, #tpu.memory_space<hbm>>) target(%arg5 : memref<2x128xi32, #tpu.memory_space<vmem>>) target_semaphore(%run_scoped3A_171 : memref<!tpu.dma_semaphore, #tpu.memory_space<semaphore_mem>>)
        %dma_wait3A_180 = arith.constant 0 : i32
        %dma_wait3A_181 = arith.constant 0 : i32
        %dma_wait3A_182 = tpu.memref_slice %arg2[%add3A, %add3A_130, %dma_wait3A_180, %dma_wait3A_181] : memref<32x82x2x128xi32, #tpu.memory_space<hbm>> -> memref<1x1x2x128xi32, #tpu.memory_space<hbm>>
        %dma_wait3A_183 = tpu.memref_squeeze %dma_wait3A_182 : memref<1x1x2x128xi32, #tpu.memory_space<hbm>> -> memref<2x128xi32, #tpu.memory_space<hbm>>
        %dma_wait3A_184 = arith.constant 0 : i32
        %dma_wait3A_185 = arith.constant 0 : i32
        %dma_wait3A_186 = tpu.memref_slice %arg2[%add3A, %add3A_130, %dma_wait3A_184, %dma_wait3A_185] : memref<32x82x2x128xi32, #tpu.memory_space<hbm>> -> memref<1x1x2x128xi32, #tpu.memory_space<hbm>>
        %dma_wait3A_187 = tpu.memref_squeeze %dma_wait3A_186 : memref<1x1x2x128xi32, #tpu.memory_space<hbm>> -> memref<2x128xi32, #tpu.memory_space<hbm>>
        tpu.wait_dma2 semaphore(%run_scoped3A_171 : memref<!tpu.dma_semaphore, #tpu.memory_space<semaphore_mem>>) src(%dma_wait3A_187 : memref<2x128xi32, #tpu.memory_space<hbm>>) dst(%arg5 : memref<2x128xi32, #tpu.memory_space<vmem>>)
        tpu.yield
      }) : () -> ()
      %dma_start3A_131 = arith.constant 1 : i32
      %dma_start3A_132 = arith.constant 0 : i32
      %dma_start3A_133 = tpu.memref_slice %arg5[%dma_start3A_131, %dma_start3A_132] : memref<2x128xi32, #tpu.memory_space<vmem>> -> memref<1x128xi32, #tpu.memory_space<vmem>>
      %dma_start3A_134 = tpu.memref_squeeze %dma_start3A_133 : memref<1x128xi32, #tpu.memory_space<vmem>> -> memref<128xi32, #tpu.memory_space<vmem>>
      %dma_start3A_135 = arith.constant 0 : i32
      %dma_start3A_136 = arith.constant 0 : i32
      %dma_start3A_137 = tpu.memref_slice %arg9[%dma_start3A_135, %dma_start3A_136] : memref<10008x128xf32, #tpu.memory_space<vmem_shared>> -> memref<10008x128xf32, #tpu.memory_space<vmem_shared>>
      tpu.enqueue_indirect_dma source(%arg8 : memref<128x128xf32, #tpu.memory_space<vmem>>) target(%dma_start3A_137 : memref<10008x128xf32, #tpu.memory_space<vmem_shared>>) offsets(%dma_start3A_134 : memref<128xi32, #tpu.memory_space<vmem>>) semaphore(%arg11 : memref<!tpu.dma_semaphore, #tpu.memory_space<semaphore_mem>>) {add = true}
      %dma_wait3A_138 = arith.constant 1 : i32
      %dma_wait3A_139 = arith.constant 0 : i32
      %dma_wait3A_140 = tpu.memref_slice %arg6[%dma_wait3A_138, %dma_wait3A_139] : memref<2x128xi32, #tpu.memory_space<vmem>> -> memref<1x128xi32, #tpu.memory_space<vmem>>
      %dma_wait3A_141 = tpu.memref_squeeze %dma_wait3A_140 : memref<1x128xi32, #tpu.memory_space<vmem>> -> memref<128xi32, #tpu.memory_space<vmem>>
      %dma_wait3A_142 = arith.constant 0 : i32
      %dma_wait3A_143 = arith.constant 0 : i32
      %dma_wait3A_144 = tpu.memref_slice %arg9[%dma_wait3A_142, %dma_wait3A_143] : memref<10008x128xf32, #tpu.memory_space<vmem_shared>> -> memref<10008x128xf32, #tpu.memory_space<vmem_shared>>
      tpu.wait_indirect_dma semaphore(%arg12 : memref<!tpu.dma_semaphore, #tpu.memory_space<semaphore_mem>>) src(%arg8 : memref<128x128xf32, #tpu.memory_space<vmem>>) dst(%dma_wait3A_144 : memref<10008x128xf32, #tpu.memory_space<vmem_shared>>)
      %add3A_145 = arith.constant 2 : i32
      %add3A_146 = arith.addi %mul3A_105, %add3A_145 : i32
      "tpu.region"() ({
        %run_scoped3A_171 = tpu.sem_alloc : memref<!tpu.dma_semaphore, #tpu.memory_space<semaphore_mem>>
        %dma_start3A_172 = arith.constant 0 : i32
        %dma_start3A_173 = arith.constant 0 : i32
        %dma_start3A_174 = tpu.memref_slice %arg2[%add3A, %add3A_146, %dma_start3A_172, %dma_start3A_173] : memref<32x82x2x128xi32, #tpu.memory_space<hbm>> -> memref<1x1x2x128xi32, #tpu.memory_space<hbm>>
        %dma_start3A_175 = tpu.memref_squeeze %dma_start3A_174 : memref<1x1x2x128xi32, #tpu.memory_space<hbm>> -> memref<2x128xi32, #tpu.memory_space<hbm>>
        %dma_start3A_176 = arith.constant 0 : i32
        %dma_start3A_177 = arith.constant 0 : i32
        %dma_start3A_178 = tpu.memref_slice %arg2[%add3A, %add3A_146, %dma_start3A_176, %dma_start3A_177] : memref<32x82x2x128xi32, #tpu.memory_space<hbm>> -> memref<1x1x2x128xi32, #tpu.memory_space<hbm>>
        %dma_start3A_179 = tpu.memref_squeeze %dma_start3A_178 : memref<1x1x2x128xi32, #tpu.memory_space<hbm>> -> memref<2x128xi32, #tpu.memory_space<hbm>>
        tpu.enqueue_dma source(%dma_start3A_179 : memref<2x128xi32, #tpu.memory_space<hbm>>) target(%arg6 : memref<2x128xi32, #tpu.memory_space<vmem>>) target_semaphore(%run_scoped3A_171 : memref<!tpu.dma_semaphore, #tpu.memory_space<semaphore_mem>>)
        %dma_wait3A_180 = arith.constant 0 : i32
        %dma_wait3A_181 = arith.constant 0 : i32
        %dma_wait3A_182 = tpu.memref_slice %arg2[%add3A, %add3A_146, %dma_wait3A_180, %dma_wait3A_181] : memref<32x82x2x128xi32, #tpu.memory_space<hbm>> -> memref<1x1x2x128xi32, #tpu.memory_space<hbm>>
        %dma_wait3A_183 = tpu.memref_squeeze %dma_wait3A_182 : memref<1x1x2x128xi32, #tpu.memory_space<hbm>> -> memref<2x128xi32, #tpu.memory_space<hbm>>
        %dma_wait3A_184 = arith.constant 0 : i32
        %dma_wait3A_185 = arith.constant 0 : i32
        %dma_wait3A_186 = tpu.memref_slice %arg2[%add3A, %add3A_146, %dma_wait3A_184, %dma_wait3A_185] : memref<32x82x2x128xi32, #tpu.memory_space<hbm>> -> memref<1x1x2x128xi32, #tpu.memory_space<hbm>>
        %dma_wait3A_187 = tpu.memref_squeeze %dma_wait3A_186 : memref<1x1x2x128xi32, #tpu.memory_space<hbm>> -> memref<2x128xi32, #tpu.memory_space<hbm>>
        tpu.wait_dma2 semaphore(%run_scoped3A_171 : memref<!tpu.dma_semaphore, #tpu.memory_space<semaphore_mem>>) src(%dma_wait3A_187 : memref<2x128xi32, #tpu.memory_space<hbm>>) dst(%arg6 : memref<2x128xi32, #tpu.memory_space<vmem>>)
        tpu.yield
      }) : () -> ()
      %dma_start3A_147 = arith.constant 1 : i32
      %dma_start3A_148 = arith.constant 0 : i32
      %dma_start3A_149 = tpu.memref_slice %arg6[%dma_start3A_147, %dma_start3A_148] : memref<2x128xi32, #tpu.memory_space<vmem>> -> memref<1x128xi32, #tpu.memory_space<vmem>>
      %dma_start3A_150 = tpu.memref_squeeze %dma_start3A_149 : memref<1x128xi32, #tpu.memory_space<vmem>> -> memref<128xi32, #tpu.memory_space<vmem>>
      %dma_start3A_151 = arith.constant 0 : i32
      %dma_start3A_152 = arith.constant 0 : i32
      %dma_start3A_153 = tpu.memref_slice %arg9[%dma_start3A_151, %dma_start3A_152] : memref<10008x128xf32, #tpu.memory_space<vmem_shared>> -> memref<10008x128xf32, #tpu.memory_space<vmem_shared>>
      tpu.enqueue_indirect_dma source(%arg8 : memref<128x128xf32, #tpu.memory_space<vmem>>) target(%dma_start3A_153 : memref<10008x128xf32, #tpu.memory_space<vmem_shared>>) offsets(%dma_start3A_150 : memref<128xi32, #tpu.memory_space<vmem>>) semaphore(%arg12 : memref<!tpu.dma_semaphore, #tpu.memory_space<semaphore_mem>>) {add = true}
      %dma_wait3A_154 = arith.constant 1 : i32
      %dma_wait3A_155 = arith.constant 0 : i32
      %dma_wait3A_156 = tpu.memref_slice %arg7[%dma_wait3A_154, %dma_wait3A_155] : memref<2x128xi32, #tpu.memory_space<vmem>> -> memref<1x128xi32, #tpu.memory_space<vmem>>
      %dma_wait3A_157 = tpu.memref_squeeze %dma_wait3A_156 : memref<1x128xi32, #tpu.memory_space<vmem>> -> memref<128xi32, #tpu.memory_space<vmem>>
      %dma_wait3A_158 = arith.constant 0 : i32
      %dma_wait3A_159 = arith.constant 0 : i32
      %dma_wait3A_160 = tpu.memref_slice %arg9[%dma_wait3A_158, %dma_wait3A_159] : memref<10008x128xf32, #tpu.memory_space<vmem_shared>> -> memref<10008x128xf32, #tpu.memory_space<vmem_shared>>
      tpu.wait_indirect_dma semaphore(%arg13 : memref<!tpu.dma_semaphore, #tpu.memory_space<semaphore_mem>>) src(%arg8 : memref<128x128xf32, #tpu.memory_space<vmem>>) dst(%dma_wait3A_160 : memref<10008x128xf32, #tpu.memory_space<vmem_shared>>)
      %add3A_161 = arith.constant 3 : i32
      %add3A_162 = arith.addi %mul3A_105, %add3A_161 : i32
      "tpu.region"() ({
        %run_scoped3A_171 = tpu.sem_alloc : memref<!tpu.dma_semaphore, #tpu.memory_space<semaphore_mem>>
        %dma_start3A_172 = arith.constant 0 : i32
        %dma_start3A_173 = arith.constant 0 : i32
        %dma_start3A_174 = tpu.memref_slice %arg2[%add3A, %add3A_162, %dma_start3A_172, %dma_start3A_173] : memref<32x82x2x128xi32, #tpu.memory_space<hbm>> -> memref<1x1x2x128xi32, #tpu.memory_space<hbm>>
        %dma_start3A_175 = tpu.memref_squeeze %dma_start3A_174 : memref<1x1x2x128xi32, #tpu.memory_space<hbm>> -> memref<2x128xi32, #tpu.memory_space<hbm>>
        %dma_start3A_176 = arith.constant 0 : i32
        %dma_start3A_177 = arith.constant 0 : i32
        %dma_start3A_178 = tpu.memref_slice %arg2[%add3A, %add3A_162, %dma_start3A_176, %dma_start3A_177] : memref<32x82x2x128xi32, #tpu.memory_space<hbm>> -> memref<1x1x2x128xi32, #tpu.memory_space<hbm>>
        %dma_start3A_179 = tpu.memref_squeeze %dma_start3A_178 : memref<1x1x2x128xi32, #tpu.memory_space<hbm>> -> memref<2x128xi32, #tpu.memory_space<hbm>>
        tpu.enqueue_dma source(%dma_start3A_179 : memref<2x128xi32, #tpu.memory_space<hbm>>) target(%arg7 : memref<2x128xi32, #tpu.memory_space<vmem>>) target_semaphore(%run_scoped3A_171 : memref<!tpu.dma_semaphore, #tpu.memory_space<semaphore_mem>>)
        %dma_wait3A_180 = arith.constant 0 : i32
        %dma_wait3A_181 = arith.constant 0 : i32
        %dma_wait3A_182 = tpu.memref_slice %arg2[%add3A, %add3A_162, %dma_wait3A_180, %dma_wait3A_181] : memref<32x82x2x128xi32, #tpu.memory_space<hbm>> -> memref<1x1x2x128xi32, #tpu.memory_space<hbm>>
        %dma_wait3A_183 = tpu.memref_squeeze %dma_wait3A_182 : memref<1x1x2x128xi32, #tpu.memory_space<hbm>> -> memref<2x128xi32, #tpu.memory_space<hbm>>
        %dma_wait3A_184 = arith.constant 0 : i32
        %dma_wait3A_185 = arith.constant 0 : i32
        %dma_wait3A_186 = tpu.memref_slice %arg2[%add3A, %add3A_162, %dma_wait3A_184, %dma_wait3A_185] : memref<32x82x2x128xi32, #tpu.memory_space<hbm>> -> memref<1x1x2x128xi32, #tpu.memory_space<hbm>>
        %dma_wait3A_187 = tpu.memref_squeeze %dma_wait3A_186 : memref<1x1x2x128xi32, #tpu.memory_space<hbm>> -> memref<2x128xi32, #tpu.memory_space<hbm>>
        tpu.wait_dma2 semaphore(%run_scoped3A_171 : memref<!tpu.dma_semaphore, #tpu.memory_space<semaphore_mem>>) src(%dma_wait3A_187 : memref<2x128xi32, #tpu.memory_space<hbm>>) dst(%arg7 : memref<2x128xi32, #tpu.memory_space<vmem>>)
        tpu.yield
      }) : () -> ()
      %dma_start3A_163 = arith.constant 1 : i32
      %dma_start3A_164 = arith.constant 0 : i32
      %dma_start3A_165 = tpu.memref_slice %arg7[%dma_start3A_163, %dma_start3A_164] : memref<2x128xi32, #tpu.memory_space<vmem>> -> memref<1x128xi32, #tpu.memory_space<vmem>>
      %dma_start3A_166 = tpu.memref_squeeze %dma_start3A_165 : memref<1x128xi32, #tpu.memory_space<vmem>> -> memref<128xi32, #tpu.memory_space<vmem>>
      %dma_start3A_167 = arith.constant 0 : i32
      %dma_start3A_168 = arith.constant 0 : i32
      %dma_start3A_169 = tpu.memref_slice %arg9[%dma_start3A_167, %dma_start3A_168] : memref<10008x128xf32, #tpu.memory_space<vmem_shared>> -> memref<10008x128xf32, #tpu.memory_space<vmem_shared>>
      tpu.enqueue_indirect_dma source(%arg8 : memref<128x128xf32, #tpu.memory_space<vmem>>) target(%dma_start3A_169 : memref<10008x128xf32, #tpu.memory_space<vmem_shared>>) offsets(%dma_start3A_166 : memref<128xi32, #tpu.memory_space<vmem>>) semaphore(%arg13 : memref<!tpu.dma_semaphore, #tpu.memory_space<semaphore_mem>>) {add = true}
      %scan3A_170 = arith.constant 0 : i32
      scf.yield %scan3A_170 : i32
    }
    %scan3A_71 = arith.constant 19 : i32
    %dma_wait3A = arith.constant 1 : i32
    %dma_wait3A_72 = arith.constant 0 : i32
    %dma_wait3A_73 = tpu.memref_slice %arg4[%dma_wait3A, %dma_wait3A_72] : memref<2x128xi32, #tpu.memory_space<vmem>> -> memref<1x128xi32, #tpu.memory_space<vmem>>
    %dma_wait3A_74 = tpu.memref_squeeze %dma_wait3A_73 : memref<1x128xi32, #tpu.memory_space<vmem>> -> memref<128xi32, #tpu.memory_space<vmem>>
    %dma_wait3A_75 = arith.constant 0 : i32
    %dma_wait3A_76 = arith.constant 0 : i32
    %dma_wait3A_77 = tpu.memref_slice %arg9[%dma_wait3A_75, %dma_wait3A_76] : memref<10008x128xf32, #tpu.memory_space<vmem_shared>> -> memref<10008x128xf32, #tpu.memory_space<vmem_shared>>
    tpu.wait_indirect_dma semaphore(%arg10 : memref<!tpu.dma_semaphore, #tpu.memory_space<semaphore_mem>>) src(%arg8 : memref<128x128xf32, #tpu.memory_space<vmem>>) dst(%dma_wait3A_77 : memref<10008x128xf32, #tpu.memory_space<vmem_shared>>)
    %dma_wait3A_78 = arith.constant 1 : i32
    %dma_wait3A_79 = arith.constant 0 : i32
    %dma_wait3A_80 = tpu.memref_slice %arg5[%dma_wait3A_78, %dma_wait3A_79] : memref<2x128xi32, #tpu.memory_space<vmem>> -> memref<1x128xi32, #tpu.memory_space<vmem>>
    %dma_wait3A_81 = tpu.memref_squeeze %dma_wait3A_80 : memref<1x128xi32, #tpu.memory_space<vmem>> -> memref<128xi32, #tpu.memory_space<vmem>>
    %dma_wait3A_82 = arith.constant 0 : i32
    %dma_wait3A_83 = arith.constant 0 : i32
    %dma_wait3A_84 = tpu.memref_slice %arg9[%dma_wait3A_82, %dma_wait3A_83] : memref<10008x128xf32, #tpu.memory_space<vmem_shared>> -> memref<10008x128xf32, #tpu.memory_space<vmem_shared>>
    tpu.wait_indirect_dma semaphore(%arg11 : memref<!tpu.dma_semaphore, #tpu.memory_space<semaphore_mem>>) src(%arg8 : memref<128x128xf32, #tpu.memory_space<vmem>>) dst(%dma_wait3A_84 : memref<10008x128xf32, #tpu.memory_space<vmem_shared>>)
    %dma_wait3A_85 = arith.constant 1 : i32
    %dma_wait3A_86 = arith.constant 0 : i32
    %dma_wait3A_87 = tpu.memref_slice %arg6[%dma_wait3A_85, %dma_wait3A_86] : memref<2x128xi32, #tpu.memory_space<vmem>> -> memref<1x128xi32, #tpu.memory_space<vmem>>
    %dma_wait3A_88 = tpu.memref_squeeze %dma_wait3A_87 : memref<1x128xi32, #tpu.memory_space<vmem>> -> memref<128xi32, #tpu.memory_space<vmem>>
    %dma_wait3A_89 = arith.constant 0 : i32
    %dma_wait3A_90 = arith.constant 0 : i32
    %dma_wait3A_91 = tpu.memref_slice %arg9[%dma_wait3A_89, %dma_wait3A_90] : memref<10008x128xf32, #tpu.memory_space<vmem_shared>> -> memref<10008x128xf32, #tpu.memory_space<vmem_shared>>
    tpu.wait_indirect_dma semaphore(%arg12 : memref<!tpu.dma_semaphore, #tpu.memory_space<semaphore_mem>>) src(%arg8 : memref<128x128xf32, #tpu.memory_space<vmem>>) dst(%dma_wait3A_91 : memref<10008x128xf32, #tpu.memory_space<vmem_shared>>)
    %dma_wait3A_92 = arith.constant 1 : i32
    %dma_wait3A_93 = arith.constant 0 : i32
    %dma_wait3A_94 = tpu.memref_slice %arg7[%dma_wait3A_92, %dma_wait3A_93] : memref<2x128xi32, #tpu.memory_space<vmem>> -> memref<1x128xi32, #tpu.memory_space<vmem>>
    %dma_wait3A_95 = tpu.memref_squeeze %dma_wait3A_94 : memref<1x128xi32, #tpu.memory_space<vmem>> -> memref<128xi32, #tpu.memory_space<vmem>>
    %dma_wait3A_96 = arith.constant 0 : i32
    %dma_wait3A_97 = arith.constant 0 : i32
    %dma_wait3A_98 = tpu.memref_slice %arg9[%dma_wait3A_96, %dma_wait3A_97] : memref<10008x128xf32, #tpu.memory_space<vmem_shared>> -> memref<10008x128xf32, #tpu.memory_space<vmem_shared>>
    tpu.wait_indirect_dma semaphore(%arg13 : memref<!tpu.dma_semaphore, #tpu.memory_space<semaphore_mem>>) src(%arg8 : memref<128x128xf32, #tpu.memory_space<vmem>>) dst(%dma_wait3A_98 : memref<10008x128xf32, #tpu.memory_space<vmem_shared>>)
    %barrier3A_99 = arith.constant 0 : index
    tpu.barrier barrier_id(%barrier3A_99)
    %mul3A_100 = arith.constant 625 : i32
    %mul3A_101 = arith.muli %arg1, %mul3A_100 : i32
    "tpu.region"() ({
      %run_scoped3A_102 = tpu.sem_alloc : memref<!tpu.dma_semaphore, #tpu.memory_space<semaphore_mem>>
      %dma_start3A_103 = arith.constant 0 : i32
      %dma_start3A_104 = arith.constant 0 : i32
      %dma_start3A_105 = tpu.memref_slice %arg3[%arg0, %arg1, %dma_start3A_103, %dma_start3A_104] : memref<2x16x625x128xf32, #tpu.memory_space<hbm>> -> memref<1x1x625x128xf32, #tpu.memory_space<hbm>>
      %dma_start3A_106 = tpu.memref_squeeze %dma_start3A_105 : memref<1x1x625x128xf32, #tpu.memory_space<hbm>> -> memref<625x128xf32, #tpu.memory_space<hbm>>
      %dma_start3A_107 = arith.constant 0 : i32
      %dma_start3A_108 = tpu.memref_slice %arg9[%mul3A_101, %dma_start3A_107] : memref<10008x128xf32, #tpu.memory_space<vmem_shared>> -> memref<625x128xf32, #tpu.memory_space<vmem_shared>>
      tpu.enqueue_dma source(%dma_start3A_108 : memref<625x128xf32, #tpu.memory_space<vmem_shared>>) target(%dma_start3A_106 : memref<625x128xf32, #tpu.memory_space<hbm>>) target_semaphore(%run_scoped3A_102 : memref<!tpu.dma_semaphore, #tpu.memory_space<semaphore_mem>>)
      %dma_wait3A_109 = arith.constant 0 : i32
      %dma_wait3A_110 = arith.constant 0 : i32
      %dma_wait3A_111 = tpu.memref_slice %arg3[%arg0, %arg1, %dma_wait3A_109, %dma_wait3A_110] : memref<2x16x625x128xf32, #tpu.memory_space<hbm>> -> memref<1x1x625x128xf32, #tpu.memory_space<hbm>>
      %dma_wait3A_112 = tpu.memref_squeeze %dma_wait3A_111 : memref<1x1x625x128xf32, #tpu.memory_space<hbm>> -> memref<625x128xf32, #tpu.memory_space<hbm>>
      %dma_wait3A_113 = arith.constant 0 : i32
      %dma_wait3A_114 = tpu.memref_slice %arg9[%mul3A_101, %dma_wait3A_113] : memref<10008x128xf32, #tpu.memory_space<vmem_shared>> -> memref<625x128xf32, #tpu.memory_space<vmem_shared>>
      tpu.wait_dma2 semaphore(%run_scoped3A_102 : memref<!tpu.dma_semaphore, #tpu.memory_space<semaphore_mem>>) src(%dma_wait3A_114 : memref<625x128xf32, #tpu.memory_space<vmem_shared>>) dst(%dma_wait3A_112 : memref<625x128xf32, #tpu.memory_space<hbm>>)
      tpu.yield
    }) : () -> ()
    return
  }
}

#map = affine_map<(d0, d1) -> (0, 0)>
#map1 = affine_map<(d0, d1) -> (0, 0, 0, 0)>
module attributes {stable_mosaic.version = 14 : i64} {
  func.func @_sc_aggregate(%arg0: i32, %arg1: i32, %arg2: memref<10000x128xf32, #tpu.memory_space<hbm>>, %arg3: memref<32x82x2x128xi32, #tpu.memory_space<hbm>>, %arg4: memref<2x16x625x128xf32, #tpu.memory_space<hbm>>, %arg5: memref<2x128xi32, #tpu.memory_space<vmem>>, %arg6: memref<2x128xi32, #tpu.memory_space<vmem>>, %arg7: memref<2x128xi32, #tpu.memory_space<vmem>>, %arg8: memref<128x128xf32, #tpu.memory_space<vmem>>, %arg9: memref<128x128xf32, #tpu.memory_space<vmem>>, %arg10: memref<128x128xf32, #tpu.memory_space<vmem>>, %arg11: memref<10008x128xf32, #tpu.memory_space<vmem_shared>>, %arg12: memref<!tpu.dma_semaphore, #tpu.memory_space<semaphore_mem>>, %arg13: memref<!tpu.dma_semaphore, #tpu.memory_space<semaphore_mem>>, %arg14: memref<!tpu.dma_semaphore, #tpu.memory_space<semaphore_mem>>) attributes {dimension_semantics = [#tpu.dimension_semantics<core_parallel>, #tpu.dimension_semantics<subcore_parallel>], iteration_bounds = array<i64: 2, 16>, scalar_prefetch = 0 : i64, scratch_operands = 10 : i64, tpu.core_type = #tpu.core_type<sc_vector_subcore>, window_params = [{transform_indices = #map}, {transform_indices = #map1}, {transform_indices = #map1}]} {
    %mul3A = arith.constant 16 : i32
    %mul3A_0 = arith.muli %arg0, %mul3A : i32
    %add3A = arith.addi %mul3A_0, %arg1 : i32
    %scan3A = arith.constant 0 : i32
    %scan3A_1 = arith.constant 0 : i32
    %scan3A_2 = arith.constant 128 : i32
    %scan3A_3 = arith.addi %scan3A_1, %scan3A_2 : i32
    %scan3A_4 = arith.constant 1 : i32
    %scan3A_5 = scf.for %scan3A_83 = %scan3A_1 to %scan3A_3 step %scan3A_4 iter_args(%scan3A_84 = %scan3A) -> (i32)  : i32 {
      %broadcast_in_dim3A = arith.constant 0.000000e+00 : f32
      %broadcast_in_dim3A_85 = vector.broadcast %broadcast_in_dim3A : f32 to vector<16xf32>
      %swap3A = arith.index_cast %scan3A_83 : i32 to index
      %swap3A_86 = arith.constant 0 : index
      %swap3A_87 = tpu.vector_load %arg8[%swap3A, %swap3A_86] {strides = array<i32>} : memref<128x128xf32, #tpu.memory_space<vmem>>, vector<1x16xf32>,
      %swap3A_88 = vector.shape_cast %swap3A_87 : vector<1x16xf32> to vector<16xf32>
      %swap3A_89 = vector.shape_cast %broadcast_in_dim3A_85 : vector<16xf32> to vector<1x16xf32>
      tpu.vector_store %arg8[%swap3A, %swap3A_86], %swap3A_89 {strides = array<i32>} : memref<128x128xf32, #tpu.memory_space<vmem>>, vector<1x16xf32>,
      %broadcast_in_dim3A_90 = arith.constant 0.000000e+00 : f32
      %broadcast_in_dim3A_91 = vector.broadcast %broadcast_in_dim3A_90 : f32 to vector<16xf32>
      %swap3A_92 = arith.index_cast %scan3A_83 : i32 to index
      %swap3A_93 = arith.constant 16 : index
      %swap3A_94 = tpu.vector_load %arg8[%swap3A_92, %swap3A_93] {strides = array<i32>} : memref<128x128xf32, #tpu.memory_space<vmem>>, vector<1x16xf32>,
      %swap3A_95 = vector.shape_cast %swap3A_94 : vector<1x16xf32> to vector<16xf32>
      %swap3A_96 = vector.shape_cast %broadcast_in_dim3A_91 : vector<16xf32> to vector<1x16xf32>
      tpu.vector_store %arg8[%swap3A_92, %swap3A_93], %swap3A_96 {strides = array<i32>} : memref<128x128xf32, #tpu.memory_space<vmem>>, vector<1x16xf32>,
      %broadcast_in_dim3A_97 = arith.constant 0.000000e+00 : f32
      %broadcast_in_dim3A_98 = vector.broadcast %broadcast_in_dim3A_97 : f32 to vector<16xf32>
      %swap3A_99 = arith.index_cast %scan3A_83 : i32 to index
      %swap3A_100 = arith.constant 32 : index
      %swap3A_101 = tpu.vector_load %arg8[%swap3A_99, %swap3A_100] {strides = array<i32>} : memref<128x128xf32, #tpu.memory_space<vmem>>, vector<1x16xf32>,
      %swap3A_102 = vector.shape_cast %swap3A_101 : vector<1x16xf32> to vector<16xf32>
      %swap3A_103 = vector.shape_cast %broadcast_in_dim3A_98 : vector<16xf32> to vector<1x16xf32>
      tpu.vector_store %arg8[%swap3A_99, %swap3A_100], %swap3A_103 {strides = array<i32>} : memref<128x128xf32, #tpu.memory_space<vmem>>, vector<1x16xf32>,
      %broadcast_in_dim3A_104 = arith.constant 0.000000e+00 : f32
      %broadcast_in_dim3A_105 = vector.broadcast %broadcast_in_dim3A_104 : f32 to vector<16xf32>
      %swap3A_106 = arith.index_cast %scan3A_83 : i32 to index
      %swap3A_107 = arith.constant 48 : index
      %swap3A_108 = tpu.vector_load %arg8[%swap3A_106, %swap3A_107] {strides = array<i32>} : memref<128x128xf32, #tpu.memory_space<vmem>>, vector<1x16xf32>,
      %swap3A_109 = vector.shape_cast %swap3A_108 : vector<1x16xf32> to vector<16xf32>
      %swap3A_110 = vector.shape_cast %broadcast_in_dim3A_105 : vector<16xf32> to vector<1x16xf32>
      tpu.vector_store %arg8[%swap3A_106, %swap3A_107], %swap3A_110 {strides = array<i32>} : memref<128x128xf32, #tpu.memory_space<vmem>>, vector<1x16xf32>,
      %broadcast_in_dim3A_111 = arith.constant 0.000000e+00 : f32
      %broadcast_in_dim3A_112 = vector.broadcast %broadcast_in_dim3A_111 : f32 to vector<16xf32>
      %swap3A_113 = arith.index_cast %scan3A_83 : i32 to index
      %swap3A_114 = arith.constant 64 : index
      %swap3A_115 = tpu.vector_load %arg8[%swap3A_113, %swap3A_114] {strides = array<i32>} : memref<128x128xf32, #tpu.memory_space<vmem>>, vector<1x16xf32>,
      %swap3A_116 = vector.shape_cast %swap3A_115 : vector<1x16xf32> to vector<16xf32>
      %swap3A_117 = vector.shape_cast %broadcast_in_dim3A_112 : vector<16xf32> to vector<1x16xf32>
      tpu.vector_store %arg8[%swap3A_113, %swap3A_114], %swap3A_117 {strides = array<i32>} : memref<128x128xf32, #tpu.memory_space<vmem>>, vector<1x16xf32>,
      %broadcast_in_dim3A_118 = arith.constant 0.000000e+00 : f32
      %broadcast_in_dim3A_119 = vector.broadcast %broadcast_in_dim3A_118 : f32 to vector<16xf32>
      %swap3A_120 = arith.index_cast %scan3A_83 : i32 to index
      %swap3A_121 = arith.constant 80 : index
      %swap3A_122 = tpu.vector_load %arg8[%swap3A_120, %swap3A_121] {strides = array<i32>} : memref<128x128xf32, #tpu.memory_space<vmem>>, vector<1x16xf32>,
      %swap3A_123 = vector.shape_cast %swap3A_122 : vector<1x16xf32> to vector<16xf32>
      %swap3A_124 = vector.shape_cast %broadcast_in_dim3A_119 : vector<16xf32> to vector<1x16xf32>
      tpu.vector_store %arg8[%swap3A_120, %swap3A_121], %swap3A_124 {strides = array<i32>} : memref<128x128xf32, #tpu.memory_space<vmem>>, vector<1x16xf32>,
      %broadcast_in_dim3A_125 = arith.constant 0.000000e+00 : f32
      %broadcast_in_dim3A_126 = vector.broadcast %broadcast_in_dim3A_125 : f32 to vector<16xf32>
      %swap3A_127 = arith.index_cast %scan3A_83 : i32 to index
      %swap3A_128 = arith.constant 96 : index
      %swap3A_129 = tpu.vector_load %arg8[%swap3A_127, %swap3A_128] {strides = array<i32>} : memref<128x128xf32, #tpu.memory_space<vmem>>, vector<1x16xf32>,
      %swap3A_130 = vector.shape_cast %swap3A_129 : vector<1x16xf32> to vector<16xf32>
      %swap3A_131 = vector.shape_cast %broadcast_in_dim3A_126 : vector<16xf32> to vector<1x16xf32>
      tpu.vector_store %arg8[%swap3A_127, %swap3A_128], %swap3A_131 {strides = array<i32>} : memref<128x128xf32, #tpu.memory_space<vmem>>, vector<1x16xf32>,
      %broadcast_in_dim3A_132 = arith.constant 0.000000e+00 : f32
      %broadcast_in_dim3A_133 = vector.broadcast %broadcast_in_dim3A_132 : f32 to vector<16xf32>
      %swap3A_134 = arith.index_cast %scan3A_83 : i32 to index
      %swap3A_135 = arith.constant 112 : index
      %swap3A_136 = tpu.vector_load %arg8[%swap3A_134, %swap3A_135] {strides = array<i32>} : memref<128x128xf32, #tpu.memory_space<vmem>>, vector<1x16xf32>,
      %swap3A_137 = vector.shape_cast %swap3A_136 : vector<1x16xf32> to vector<16xf32>
      %swap3A_138 = vector.shape_cast %broadcast_in_dim3A_133 : vector<16xf32> to vector<1x16xf32>
      tpu.vector_store %arg8[%swap3A_134, %swap3A_135], %swap3A_138 {strides = array<i32>} : memref<128x128xf32, #tpu.memory_space<vmem>>, vector<1x16xf32>,
      %scan3A_139 = arith.constant 0 : i32
      scf.yield %scan3A_139 : i32
    }
    %scan3A_6 = arith.constant 128 : i32
    %mul3A_7 = arith.constant 625 : i32
    %mul3A_8 = arith.muli %arg1, %mul3A_7 : i32
    %add3A_9 = arith.constant 0 : i32
    %add3A_10 = arith.addi %mul3A_8, %add3A_9 : i32
    "tpu.region"() ({
      %run_scoped3A_83 = tpu.sem_alloc : memref<!tpu.dma_semaphore, #tpu.memory_space<semaphore_mem>>
      %dma_start3A_84 = arith.constant 0 : i32
      %dma_start3A_85 = tpu.memref_slice %arg11[%add3A_10, %dma_start3A_84] : memref<10008x128xf32, #tpu.memory_space<vmem_shared>> -> memref<128x128xf32, #tpu.memory_space<vmem_shared>>
      %dma_start3A_86 = arith.constant 0 : i32
      %dma_start3A_87 = tpu.memref_slice %arg11[%add3A_10, %dma_start3A_86] : memref<10008x128xf32, #tpu.memory_space<vmem_shared>> -> memref<128x128xf32, #tpu.memory_space<vmem_shared>>
      tpu.enqueue_dma source(%arg8 : memref<128x128xf32, #tpu.memory_space<vmem>>) target(%dma_start3A_87 : memref<128x128xf32, #tpu.memory_space<vmem_shared>>) target_semaphore(%run_scoped3A_83 : memref<!tpu.dma_semaphore, #tpu.memory_space<semaphore_mem>>)
      %dma_wait3A_88 = arith.constant 0 : i32
      %dma_wait3A_89 = tpu.memref_slice %arg11[%add3A_10, %dma_wait3A_88] : memref<10008x128xf32, #tpu.memory_space<vmem_shared>> -> memref<128x128xf32, #tpu.memory_space<vmem_shared>>
      %dma_wait3A_90 = arith.constant 0 : i32
      %dma_wait3A_91 = tpu.memref_slice %arg11[%add3A_10, %dma_wait3A_90] : memref<10008x128xf32, #tpu.memory_space<vmem_shared>> -> memref<128x128xf32, #tpu.memory_space<vmem_shared>>
      tpu.wait_dma2 semaphore(%run_scoped3A_83 : memref<!tpu.dma_semaphore, #tpu.memory_space<semaphore_mem>>) src(%arg8 : memref<128x128xf32, #tpu.memory_space<vmem>>) dst(%dma_wait3A_91 : memref<128x128xf32, #tpu.memory_space<vmem_shared>>)
      tpu.yield
    }) : () -> ()
    %mul3A_11 = arith.constant 625 : i32
    %mul3A_12 = arith.muli %arg1, %mul3A_11 : i32
    %add3A_13 = arith.constant 128 : i32
    %add3A_14 = arith.addi %mul3A_12, %add3A_13 : i32
    "tpu.region"() ({
      %run_scoped3A_83 = tpu.sem_alloc : memref<!tpu.dma_semaphore, #tpu.memory_space<semaphore_mem>>
      %dma_start3A_84 = arith.constant 0 : i32
      %dma_start3A_85 = tpu.memref_slice %arg11[%add3A_14, %dma_start3A_84] : memref<10008x128xf32, #tpu.memory_space<vmem_shared>> -> memref<128x128xf32, #tpu.memory_space<vmem_shared>>
      %dma_start3A_86 = arith.constant 0 : i32
      %dma_start3A_87 = tpu.memref_slice %arg11[%add3A_14, %dma_start3A_86] : memref<10008x128xf32, #tpu.memory_space<vmem_shared>> -> memref<128x128xf32, #tpu.memory_space<vmem_shared>>
      tpu.enqueue_dma source(%arg8 : memref<128x128xf32, #tpu.memory_space<vmem>>) target(%dma_start3A_87 : memref<128x128xf32, #tpu.memory_space<vmem_shared>>) target_semaphore(%run_scoped3A_83 : memref<!tpu.dma_semaphore, #tpu.memory_space<semaphore_mem>>)
      %dma_wait3A_88 = arith.constant 0 : i32
      %dma_wait3A_89 = tpu.memref_slice %arg11[%add3A_14, %dma_wait3A_88] : memref<10008x128xf32, #tpu.memory_space<vmem_shared>> -> memref<128x128xf32, #tpu.memory_space<vmem_shared>>
      %dma_wait3A_90 = arith.constant 0 : i32
      %dma_wait3A_91 = tpu.memref_slice %arg11[%add3A_14, %dma_wait3A_90] : memref<10008x128xf32, #tpu.memory_space<vmem_shared>> -> memref<128x128xf32, #tpu.memory_space<vmem_shared>>
      tpu.wait_dma2 semaphore(%run_scoped3A_83 : memref<!tpu.dma_semaphore, #tpu.memory_space<semaphore_mem>>) src(%arg8 : memref<128x128xf32, #tpu.memory_space<vmem>>) dst(%dma_wait3A_91 : memref<128x128xf32, #tpu.memory_space<vmem_shared>>)
      tpu.yield
    }) : () -> ()
    %mul3A_15 = arith.constant 625 : i32
    %mul3A_16 = arith.muli %arg1, %mul3A_15 : i32
    %add3A_17 = arith.constant 256 : i32
    %add3A_18 = arith.addi %mul3A_16, %add3A_17 : i32
    "tpu.region"() ({
      %run_scoped3A_83 = tpu.sem_alloc : memref<!tpu.dma_semaphore, #tpu.memory_space<semaphore_mem>>
      %dma_start3A_84 = arith.constant 0 : i32
      %dma_start3A_85 = tpu.memref_slice %arg11[%add3A_18, %dma_start3A_84] : memref<10008x128xf32, #tpu.memory_space<vmem_shared>> -> memref<128x128xf32, #tpu.memory_space<vmem_shared>>
      %dma_start3A_86 = arith.constant 0 : i32
      %dma_start3A_87 = tpu.memref_slice %arg11[%add3A_18, %dma_start3A_86] : memref<10008x128xf32, #tpu.memory_space<vmem_shared>> -> memref<128x128xf32, #tpu.memory_space<vmem_shared>>
      tpu.enqueue_dma source(%arg8 : memref<128x128xf32, #tpu.memory_space<vmem>>) target(%dma_start3A_87 : memref<128x128xf32, #tpu.memory_space<vmem_shared>>) target_semaphore(%run_scoped3A_83 : memref<!tpu.dma_semaphore, #tpu.memory_space<semaphore_mem>>)
      %dma_wait3A_88 = arith.constant 0 : i32
      %dma_wait3A_89 = tpu.memref_slice %arg11[%add3A_18, %dma_wait3A_88] : memref<10008x128xf32, #tpu.memory_space<vmem_shared>> -> memref<128x128xf32, #tpu.memory_space<vmem_shared>>
      %dma_wait3A_90 = arith.constant 0 : i32
      %dma_wait3A_91 = tpu.memref_slice %arg11[%add3A_18, %dma_wait3A_90] : memref<10008x128xf32, #tpu.memory_space<vmem_shared>> -> memref<128x128xf32, #tpu.memory_space<vmem_shared>>
      tpu.wait_dma2 semaphore(%run_scoped3A_83 : memref<!tpu.dma_semaphore, #tpu.memory_space<semaphore_mem>>) src(%arg8 : memref<128x128xf32, #tpu.memory_space<vmem>>) dst(%dma_wait3A_91 : memref<128x128xf32, #tpu.memory_space<vmem_shared>>)
      tpu.yield
    }) : () -> ()
    %mul3A_19 = arith.constant 625 : i32
    %mul3A_20 = arith.muli %arg1, %mul3A_19 : i32
    %add3A_21 = arith.constant 384 : i32
    %add3A_22 = arith.addi %mul3A_20, %add3A_21 : i32
    "tpu.region"() ({
      %run_scoped3A_83 = tpu.sem_alloc : memref<!tpu.dma_semaphore, #tpu.memory_space<semaphore_mem>>
      %dma_start3A_84 = arith.constant 0 : i32
      %dma_start3A_85 = tpu.memref_slice %arg11[%add3A_22, %dma_start3A_84] : memref<10008x128xf32, #tpu.memory_space<vmem_shared>> -> memref<128x128xf32, #tpu.memory_space<vmem_shared>>
      %dma_start3A_86 = arith.constant 0 : i32
      %dma_start3A_87 = tpu.memref_slice %arg11[%add3A_22, %dma_start3A_86] : memref<10008x128xf32, #tpu.memory_space<vmem_shared>> -> memref<128x128xf32, #tpu.memory_space<vmem_shared>>
      tpu.enqueue_dma source(%arg8 : memref<128x128xf32, #tpu.memory_space<vmem>>) target(%dma_start3A_87 : memref<128x128xf32, #tpu.memory_space<vmem_shared>>) target_semaphore(%run_scoped3A_83 : memref<!tpu.dma_semaphore, #tpu.memory_space<semaphore_mem>>)
      %dma_wait3A_88 = arith.constant 0 : i32
      %dma_wait3A_89 = tpu.memref_slice %arg11[%add3A_22, %dma_wait3A_88] : memref<10008x128xf32, #tpu.memory_space<vmem_shared>> -> memref<128x128xf32, #tpu.memory_space<vmem_shared>>
      %dma_wait3A_90 = arith.constant 0 : i32
      %dma_wait3A_91 = tpu.memref_slice %arg11[%add3A_22, %dma_wait3A_90] : memref<10008x128xf32, #tpu.memory_space<vmem_shared>> -> memref<128x128xf32, #tpu.memory_space<vmem_shared>>
      tpu.wait_dma2 semaphore(%run_scoped3A_83 : memref<!tpu.dma_semaphore, #tpu.memory_space<semaphore_mem>>) src(%arg8 : memref<128x128xf32, #tpu.memory_space<vmem>>) dst(%dma_wait3A_91 : memref<128x128xf32, #tpu.memory_space<vmem_shared>>)
      tpu.yield
    }) : () -> ()
    %mul3A_23 = arith.constant 625 : i32
    %mul3A_24 = arith.muli %arg1, %mul3A_23 : i32
    %add3A_25 = arith.constant 625 : i32
    %add3A_26 = arith.addi %mul3A_24, %add3A_25 : i32
    %sub3A = arith.constant 113 : i32
    %sub3A_27 = arith.subi %add3A_26, %sub3A : i32
    "tpu.region"() ({
      %run_scoped3A_83 = tpu.sem_alloc : memref<!tpu.dma_semaphore, #tpu.memory_space<semaphore_mem>>
      %dma_start3A_84 = arith.constant 0 : i32
      %dma_start3A_85 = arith.constant 0 : i32
      %dma_start3A_86 = tpu.memref_slice %arg8[%dma_start3A_84, %dma_start3A_85] : memref<128x128xf32, #tpu.memory_space<vmem>> -> memref<113x128xf32, #tpu.memory_space<vmem>>
      %dma_start3A_87 = arith.constant 0 : i32
      %dma_start3A_88 = tpu.memref_slice %arg11[%sub3A_27, %dma_start3A_87] : memref<10008x128xf32, #tpu.memory_space<vmem_shared>> -> memref<113x128xf32, #tpu.memory_space<vmem_shared>>
      %dma_start3A_89 = arith.constant 0 : i32
      %dma_start3A_90 = tpu.memref_slice %arg11[%sub3A_27, %dma_start3A_89] : memref<10008x128xf32, #tpu.memory_space<vmem_shared>> -> memref<113x128xf32, #tpu.memory_space<vmem_shared>>
      %dma_start3A_91 = arith.constant 0 : i32
      %dma_start3A_92 = arith.constant 0 : i32
      %dma_start3A_93 = tpu.memref_slice %arg8[%dma_start3A_91, %dma_start3A_92] : memref<128x128xf32, #tpu.memory_space<vmem>> -> memref<113x128xf32, #tpu.memory_space<vmem>>
      tpu.enqueue_dma source(%dma_start3A_93 : memref<113x128xf32, #tpu.memory_space<vmem>>) target(%dma_start3A_90 : memref<113x128xf32, #tpu.memory_space<vmem_shared>>) target_semaphore(%run_scoped3A_83 : memref<!tpu.dma_semaphore, #tpu.memory_space<semaphore_mem>>)
      %dma_wait3A_94 = arith.constant 0 : i32
      %dma_wait3A_95 = arith.constant 0 : i32
      %dma_wait3A_96 = tpu.memref_slice %arg8[%dma_wait3A_94, %dma_wait3A_95] : memref<128x128xf32, #tpu.memory_space<vmem>> -> memref<113x128xf32, #tpu.memory_space<vmem>>
      %dma_wait3A_97 = arith.constant 0 : i32
      %dma_wait3A_98 = tpu.memref_slice %arg11[%sub3A_27, %dma_wait3A_97] : memref<10008x128xf32, #tpu.memory_space<vmem_shared>> -> memref<113x128xf32, #tpu.memory_space<vmem_shared>>
      %dma_wait3A_99 = arith.constant 0 : i32
      %dma_wait3A_100 = tpu.memref_slice %arg11[%sub3A_27, %dma_wait3A_99] : memref<10008x128xf32, #tpu.memory_space<vmem_shared>> -> memref<113x128xf32, #tpu.memory_space<vmem_shared>>
      %dma_wait3A_101 = arith.constant 0 : i32
      %dma_wait3A_102 = arith.constant 0 : i32
      %dma_wait3A_103 = tpu.memref_slice %arg8[%dma_wait3A_101, %dma_wait3A_102] : memref<128x128xf32, #tpu.memory_space<vmem>> -> memref<113x128xf32, #tpu.memory_space<vmem>>
      tpu.wait_dma2 semaphore(%run_scoped3A_83 : memref<!tpu.dma_semaphore, #tpu.memory_space<semaphore_mem>>) src(%dma_wait3A_103 : memref<113x128xf32, #tpu.memory_space<vmem>>) dst(%dma_wait3A_100 : memref<113x128xf32, #tpu.memory_space<vmem_shared>>)
      tpu.yield
    }) : () -> ()
    %barrier3A = arith.constant 0 : index
    tpu.barrier barrier_id(%barrier3A)
    %run_scoped3A = arith.constant 0 : i32
    "tpu.region"() ({
      %run_scoped3A_83 = tpu.sem_alloc : memref<!tpu.dma_semaphore, #tpu.memory_space<semaphore_mem>>
      %dma_start3A_84 = arith.constant 0 : i32
      %dma_start3A_85 = arith.constant 0 : i32
      %dma_start3A_86 = tpu.memref_slice %arg3[%add3A, %run_scoped3A, %dma_start3A_84, %dma_start3A_85] : memref<32x82x2x128xi32, #tpu.memory_space<hbm>> -> memref<1x1x2x128xi32, #tpu.memory_space<hbm>>
      %dma_start3A_87 = tpu.memref_squeeze %dma_start3A_86 : memref<1x1x2x128xi32, #tpu.memory_space<hbm>> -> memref<2x128xi32, #tpu.memory_space<hbm>>
      %dma_start3A_88 = arith.constant 0 : i32
      %dma_start3A_89 = arith.constant 0 : i32
      %dma_start3A_90 = tpu.memref_slice %arg3[%add3A, %run_scoped3A, %dma_start3A_88, %dma_start3A_89] : memref<32x82x2x128xi32, #tpu.memory_space<hbm>> -> memref<1x1x2x128xi32, #tpu.memory_space<hbm>>
      %dma_start3A_91 = tpu.memref_squeeze %dma_start3A_90 : memref<1x1x2x128xi32, #tpu.memory_space<hbm>> -> memref<2x128xi32, #tpu.memory_space<hbm>>
      tpu.enqueue_dma source(%dma_start3A_91 : memref<2x128xi32, #tpu.memory_space<hbm>>) target(%arg5 : memref<2x128xi32, #tpu.memory_space<vmem>>) target_semaphore(%run_scoped3A_83 : memref<!tpu.dma_semaphore, #tpu.memory_space<semaphore_mem>>)
      %dma_wait3A_92 = arith.constant 0 : i32
      %dma_wait3A_93 = arith.constant 0 : i32
      %dma_wait3A_94 = tpu.memref_slice %arg3[%add3A, %run_scoped3A, %dma_wait3A_92, %dma_wait3A_93] : memref<32x82x2x128xi32, #tpu.memory_space<hbm>> -> memref<1x1x2x128xi32, #tpu.memory_space<hbm>>
      %dma_wait3A_95 = tpu.memref_squeeze %dma_wait3A_94 : memref<1x1x2x128xi32, #tpu.memory_space<hbm>> -> memref<2x128xi32, #tpu.memory_space<hbm>>
      %dma_wait3A_96 = arith.constant 0 : i32
      %dma_wait3A_97 = arith.constant 0 : i32
      %dma_wait3A_98 = tpu.memref_slice %arg3[%add3A, %run_scoped3A, %dma_wait3A_96, %dma_wait3A_97] : memref<32x82x2x128xi32, #tpu.memory_space<hbm>> -> memref<1x1x2x128xi32, #tpu.memory_space<hbm>>
      %dma_wait3A_99 = tpu.memref_squeeze %dma_wait3A_98 : memref<1x1x2x128xi32, #tpu.memory_space<hbm>> -> memref<2x128xi32, #tpu.memory_space<hbm>>
      tpu.wait_dma2 semaphore(%run_scoped3A_83 : memref<!tpu.dma_semaphore, #tpu.memory_space<semaphore_mem>>) src(%dma_wait3A_99 : memref<2x128xi32, #tpu.memory_space<hbm>>) dst(%arg5 : memref<2x128xi32, #tpu.memory_space<vmem>>)
      tpu.yield
    }) : () -> ()
    %dma_start3A = arith.constant 0 : i32
    %dma_start3A_28 = arith.constant 0 : i32
    %dma_start3A_29 = tpu.memref_slice %arg5[%dma_start3A, %dma_start3A_28] : memref<2x128xi32, #tpu.memory_space<vmem>> -> memref<1x128xi32, #tpu.memory_space<vmem>>
    %dma_start3A_30 = tpu.memref_squeeze %dma_start3A_29 : memref<1x128xi32, #tpu.memory_space<vmem>> -> memref<128xi32, #tpu.memory_space<vmem>>
    %dma_start3A_31 = arith.constant 0 : i32
    %dma_start3A_32 = arith.constant 0 : i32
    %dma_start3A_33 = tpu.memref_slice %arg2[%dma_start3A_31, %dma_start3A_32] : memref<10000x128xf32, #tpu.memory_space<hbm>> -> memref<10000x128xf32, #tpu.memory_space<hbm>>
    tpu.enqueue_indirect_dma source(%dma_start3A_33 : memref<10000x128xf32, #tpu.memory_space<hbm>>) target(%arg8 : memref<128x128xf32, #tpu.memory_space<vmem>>) offsets(%dma_start3A_30 : memref<128xi32, #tpu.memory_space<vmem>>) semaphore(%arg12 : memref<!tpu.dma_semaphore, #tpu.memory_space<semaphore_mem>>)
    %run_scoped3A_34 = arith.constant 1 : i32
    "tpu.region"() ({
      %run_scoped3A_83 = tpu.sem_alloc : memref<!tpu.dma_semaphore, #tpu.memory_space<semaphore_mem>>
      %dma_start3A_84 = arith.constant 0 : i32
      %dma_start3A_85 = arith.constant 0 : i32
      %dma_start3A_86 = tpu.memref_slice %arg3[%add3A, %run_scoped3A_34, %dma_start3A_84, %dma_start3A_85] : memref<32x82x2x128xi32, #tpu.memory_space<hbm>> -> memref<1x1x2x128xi32, #tpu.memory_space<hbm>>
      %dma_start3A_87 = tpu.memref_squeeze %dma_start3A_86 : memref<1x1x2x128xi32, #tpu.memory_space<hbm>> -> memref<2x128xi32, #tpu.memory_space<hbm>>
      %dma_start3A_88 = arith.constant 0 : i32
      %dma_start3A_89 = arith.constant 0 : i32
      %dma_start3A_90 = tpu.memref_slice %arg3[%add3A, %run_scoped3A_34, %dma_start3A_88, %dma_start3A_89] : memref<32x82x2x128xi32, #tpu.memory_space<hbm>> -> memref<1x1x2x128xi32, #tpu.memory_space<hbm>>
      %dma_start3A_91 = tpu.memref_squeeze %dma_start3A_90 : memref<1x1x2x128xi32, #tpu.memory_space<hbm>> -> memref<2x128xi32, #tpu.memory_space<hbm>>
      tpu.enqueue_dma source(%dma_start3A_91 : memref<2x128xi32, #tpu.memory_space<hbm>>) target(%arg6 : memref<2x128xi32, #tpu.memory_space<vmem>>) target_semaphore(%run_scoped3A_83 : memref<!tpu.dma_semaphore, #tpu.memory_space<semaphore_mem>>)
      %dma_wait3A_92 = arith.constant 0 : i32
      %dma_wait3A_93 = arith.constant 0 : i32
      %dma_wait3A_94 = tpu.memref_slice %arg3[%add3A, %run_scoped3A_34, %dma_wait3A_92, %dma_wait3A_93] : memref<32x82x2x128xi32, #tpu.memory_space<hbm>> -> memref<1x1x2x128xi32, #tpu.memory_space<hbm>>
      %dma_wait3A_95 = tpu.memref_squeeze %dma_wait3A_94 : memref<1x1x2x128xi32, #tpu.memory_space<hbm>> -> memref<2x128xi32, #tpu.memory_space<hbm>>
      %dma_wait3A_96 = arith.constant 0 : i32
      %dma_wait3A_97 = arith.constant 0 : i32
      %dma_wait3A_98 = tpu.memref_slice %arg3[%add3A, %run_scoped3A_34, %dma_wait3A_96, %dma_wait3A_97] : memref<32x82x2x128xi32, #tpu.memory_space<hbm>> -> memref<1x1x2x128xi32, #tpu.memory_space<hbm>>
      %dma_wait3A_99 = tpu.memref_squeeze %dma_wait3A_98 : memref<1x1x2x128xi32, #tpu.memory_space<hbm>> -> memref<2x128xi32, #tpu.memory_space<hbm>>
      tpu.wait_dma2 semaphore(%run_scoped3A_83 : memref<!tpu.dma_semaphore, #tpu.memory_space<semaphore_mem>>) src(%dma_wait3A_99 : memref<2x128xi32, #tpu.memory_space<hbm>>) dst(%arg6 : memref<2x128xi32, #tpu.memory_space<vmem>>)
      tpu.yield
    }) : () -> ()
    %dma_start3A_35 = arith.constant 0 : i32
    %dma_start3A_36 = arith.constant 0 : i32
    %dma_start3A_37 = tpu.memref_slice %arg6[%dma_start3A_35, %dma_start3A_36] : memref<2x128xi32, #tpu.memory_space<vmem>> -> memref<1x128xi32, #tpu.memory_space<vmem>>
    %dma_start3A_38 = tpu.memref_squeeze %dma_start3A_37 : memref<1x128xi32, #tpu.memory_space<vmem>> -> memref<128xi32, #tpu.memory_space<vmem>>
    %dma_start3A_39 = arith.constant 0 : i32
    %dma_start3A_40 = arith.constant 0 : i32
    %dma_start3A_41 = tpu.memref_slice %arg2[%dma_start3A_39, %dma_start3A_40] : memref<10000x128xf32, #tpu.memory_space<hbm>> -> memref<10000x128xf32, #tpu.memory_space<hbm>>
    tpu.enqueue_indirect_dma source(%dma_start3A_41 : memref<10000x128xf32, #tpu.memory_space<hbm>>) target(%arg9 : memref<128x128xf32, #tpu.memory_space<vmem>>) offsets(%dma_start3A_38 : memref<128xi32, #tpu.memory_space<vmem>>) semaphore(%arg13 : memref<!tpu.dma_semaphore, #tpu.memory_space<semaphore_mem>>)
    %run_scoped3A_42 = arith.constant 2 : i32
    "tpu.region"() ({
      %run_scoped3A_83 = tpu.sem_alloc : memref<!tpu.dma_semaphore, #tpu.memory_space<semaphore_mem>>
      %dma_start3A_84 = arith.constant 0 : i32
      %dma_start3A_85 = arith.constant 0 : i32
      %dma_start3A_86 = tpu.memref_slice %arg3[%add3A, %run_scoped3A_42, %dma_start3A_84, %dma_start3A_85] : memref<32x82x2x128xi32, #tpu.memory_space<hbm>> -> memref<1x1x2x128xi32, #tpu.memory_space<hbm>>
      %dma_start3A_87 = tpu.memref_squeeze %dma_start3A_86 : memref<1x1x2x128xi32, #tpu.memory_space<hbm>> -> memref<2x128xi32, #tpu.memory_space<hbm>>
      %dma_start3A_88 = arith.constant 0 : i32
      %dma_start3A_89 = arith.constant 0 : i32
      %dma_start3A_90 = tpu.memref_slice %arg3[%add3A, %run_scoped3A_42, %dma_start3A_88, %dma_start3A_89] : memref<32x82x2x128xi32, #tpu.memory_space<hbm>> -> memref<1x1x2x128xi32, #tpu.memory_space<hbm>>
      %dma_start3A_91 = tpu.memref_squeeze %dma_start3A_90 : memref<1x1x2x128xi32, #tpu.memory_space<hbm>> -> memref<2x128xi32, #tpu.memory_space<hbm>>
      tpu.enqueue_dma source(%dma_start3A_91 : memref<2x128xi32, #tpu.memory_space<hbm>>) target(%arg7 : memref<2x128xi32, #tpu.memory_space<vmem>>) target_semaphore(%run_scoped3A_83 : memref<!tpu.dma_semaphore, #tpu.memory_space<semaphore_mem>>)
      %dma_wait3A_92 = arith.constant 0 : i32
      %dma_wait3A_93 = arith.constant 0 : i32
      %dma_wait3A_94 = tpu.memref_slice %arg3[%add3A, %run_scoped3A_42, %dma_wait3A_92, %dma_wait3A_93] : memref<32x82x2x128xi32, #tpu.memory_space<hbm>> -> memref<1x1x2x128xi32, #tpu.memory_space<hbm>>
      %dma_wait3A_95 = tpu.memref_squeeze %dma_wait3A_94 : memref<1x1x2x128xi32, #tpu.memory_space<hbm>> -> memref<2x128xi32, #tpu.memory_space<hbm>>
      %dma_wait3A_96 = arith.constant 0 : i32
      %dma_wait3A_97 = arith.constant 0 : i32
      %dma_wait3A_98 = tpu.memref_slice %arg3[%add3A, %run_scoped3A_42, %dma_wait3A_96, %dma_wait3A_97] : memref<32x82x2x128xi32, #tpu.memory_space<hbm>> -> memref<1x1x2x128xi32, #tpu.memory_space<hbm>>
      %dma_wait3A_99 = tpu.memref_squeeze %dma_wait3A_98 : memref<1x1x2x128xi32, #tpu.memory_space<hbm>> -> memref<2x128xi32, #tpu.memory_space<hbm>>
      tpu.wait_dma2 semaphore(%run_scoped3A_83 : memref<!tpu.dma_semaphore, #tpu.memory_space<semaphore_mem>>) src(%dma_wait3A_99 : memref<2x128xi32, #tpu.memory_space<hbm>>) dst(%arg7 : memref<2x128xi32, #tpu.memory_space<vmem>>)
      tpu.yield
    }) : () -> ()
    %dma_start3A_43 = arith.constant 0 : i32
    %dma_start3A_44 = arith.constant 0 : i32
    %dma_start3A_45 = tpu.memref_slice %arg7[%dma_start3A_43, %dma_start3A_44] : memref<2x128xi32, #tpu.memory_space<vmem>> -> memref<1x128xi32, #tpu.memory_space<vmem>>
    %dma_start3A_46 = tpu.memref_squeeze %dma_start3A_45 : memref<1x128xi32, #tpu.memory_space<vmem>> -> memref<128xi32, #tpu.memory_space<vmem>>
    %dma_start3A_47 = arith.constant 0 : i32
    %dma_start3A_48 = arith.constant 0 : i32
    %dma_start3A_49 = tpu.memref_slice %arg2[%dma_start3A_47, %dma_start3A_48] : memref<10000x128xf32, #tpu.memory_space<hbm>> -> memref<10000x128xf32, #tpu.memory_space<hbm>>
    tpu.enqueue_indirect_dma source(%dma_start3A_49 : memref<10000x128xf32, #tpu.memory_space<hbm>>) target(%arg10 : memref<128x128xf32, #tpu.memory_space<vmem>>) offsets(%dma_start3A_46 : memref<128xi32, #tpu.memory_space<vmem>>) semaphore(%arg14 : memref<!tpu.dma_semaphore, #tpu.memory_space<semaphore_mem>>)
    %scan3A_50 = arith.constant 0 : i32
    %scan3A_51 = arith.constant 0 : i32
    %scan3A_52 = arith.constant 26 : i32
    %scan3A_53 = arith.addi %scan3A_51, %scan3A_52 : i32
    %scan3A_54 = arith.constant 1 : i32
    %scan3A_55 = scf.for %scan3A_83 = %scan3A_51 to %scan3A_53 step %scan3A_54 iter_args(%scan3A_84 = %scan3A_50) -> (i32)  : i32 {
      %mul3A_85 = arith.constant 3 : i32
      %mul3A_86 = arith.muli %mul3A_85, %scan3A_83 : i32
      %add3A_87 = arith.constant 3 : i32
      %add3A_88 = arith.addi %mul3A_86, %add3A_87 : i32
      %dma_wait3A_89 = arith.constant 0 : i32
      %dma_wait3A_90 = arith.constant 0 : i32
      %dma_wait3A_91 = tpu.memref_slice %arg5[%dma_wait3A_89, %dma_wait3A_90] : memref<2x128xi32, #tpu.memory_space<vmem>> -> memref<1x128xi32, #tpu.memory_space<vmem>>
      %dma_wait3A_92 = tpu.memref_squeeze %dma_wait3A_91 : memref<1x128xi32, #tpu.memory_space<vmem>> -> memref<128xi32, #tpu.memory_space<vmem>>
      %dma_wait3A_93 = arith.constant 0 : i32
      %dma_wait3A_94 = arith.constant 0 : i32
      %dma_wait3A_95 = tpu.memref_slice %arg2[%dma_wait3A_93, %dma_wait3A_94] : memref<10000x128xf32, #tpu.memory_space<hbm>> -> memref<10000x128xf32, #tpu.memory_space<hbm>>
      tpu.wait_indirect_dma semaphore(%arg12 : memref<!tpu.dma_semaphore, #tpu.memory_space<semaphore_mem>>) src(%dma_wait3A_95 : memref<10000x128xf32, #tpu.memory_space<hbm>>) dst(%arg8 : memref<128x128xf32, #tpu.memory_space<vmem>>)
      %run_scoped3A_96 = arith.constant 1 : i32
      "tpu.region"() ({
        %run_scoped3A_141 = tpu.sem_alloc : memref<!tpu.dma_semaphore, #tpu.memory_space<semaphore_mem>>
        %dma_start3A_142 = arith.constant 0 : i32
        %dma_start3A_143 = tpu.memref_slice %arg5[%run_scoped3A_96, %dma_start3A_142] : memref<2x128xi32, #tpu.memory_space<vmem>> -> memref<1x128xi32, #tpu.memory_space<vmem>>
        %dma_start3A_144 = tpu.memref_squeeze %dma_start3A_143 : memref<1x128xi32, #tpu.memory_space<vmem>> -> memref<128xi32, #tpu.memory_space<vmem>>
        %dma_start3A_145 = arith.constant 0 : i32
        %dma_start3A_146 = arith.constant 0 : i32
        %dma_start3A_147 = tpu.memref_slice %arg11[%dma_start3A_145, %dma_start3A_146] : memref<10008x128xf32, #tpu.memory_space<vmem_shared>> -> memref<10008x128xf32, #tpu.memory_space<vmem_shared>>
        tpu.enqueue_indirect_dma source(%arg8 : memref<128x128xf32, #tpu.memory_space<vmem>>) target(%dma_start3A_147 : memref<10008x128xf32, #tpu.memory_space<vmem_shared>>) offsets(%dma_start3A_144 : memref<128xi32, #tpu.memory_space<vmem>>) semaphore(%run_scoped3A_141 : memref<!tpu.dma_semaphore, #tpu.memory_space<semaphore_mem>>) {add = true}
        %dma_wait3A_148 = arith.constant 0 : i32
        %dma_wait3A_149 = tpu.memref_slice %arg5[%run_scoped3A_96, %dma_wait3A_148] : memref<2x128xi32, #tpu.memory_space<vmem>> -> memref<1x128xi32, #tpu.memory_space<vmem>>
        %dma_wait3A_150 = tpu.memref_squeeze %dma_wait3A_149 : memref<1x128xi32, #tpu.memory_space<vmem>> -> memref<128xi32, #tpu.memory_space<vmem>>
        %dma_wait3A_151 = arith.constant 0 : i32
        %dma_wait3A_152 = arith.constant 0 : i32
        %dma_wait3A_153 = tpu.memref_slice %arg11[%dma_wait3A_151, %dma_wait3A_152] : memref<10008x128xf32, #tpu.memory_space<vmem_shared>> -> memref<10008x128xf32, #tpu.memory_space<vmem_shared>>
        tpu.wait_indirect_dma semaphore(%run_scoped3A_141 : memref<!tpu.dma_semaphore, #tpu.memory_space<semaphore_mem>>) src(%arg8 : memref<128x128xf32, #tpu.memory_space<vmem>>) dst(%dma_wait3A_153 : memref<10008x128xf32, #tpu.memory_space<vmem_shared>>)
        tpu.yield
      }) : () -> ()
      %add3A_97 = arith.constant 0 : i32
      %add3A_98 = arith.addi %add3A_88, %add3A_97 : i32
      "tpu.region"() ({
        %run_scoped3A_141 = tpu.sem_alloc : memref<!tpu.dma_semaphore, #tpu.memory_space<semaphore_mem>>
        %dma_start3A_142 = arith.constant 0 : i32
        %dma_start3A_143 = arith.constant 0 : i32
        %dma_start3A_144 = tpu.memref_slice %arg3[%add3A, %add3A_98, %dma_start3A_142, %dma_start3A_143] : memref<32x82x2x128xi32, #tpu.memory_space<hbm>> -> memref<1x1x2x128xi32, #tpu.memory_space<hbm>>
        %dma_start3A_145 = tpu.memref_squeeze %dma_start3A_144 : memref<1x1x2x128xi32, #tpu.memory_space<hbm>> -> memref<2x128xi32, #tpu.memory_space<hbm>>
        %dma_start3A_146 = arith.constant 0 : i32
        %dma_start3A_147 = arith.constant 0 : i32
        %dma_start3A_148 = tpu.memref_slice %arg3[%add3A, %add3A_98, %dma_start3A_146, %dma_start3A_147] : memref<32x82x2x128xi32, #tpu.memory_space<hbm>> -> memref<1x1x2x128xi32, #tpu.memory_space<hbm>>
        %dma_start3A_149 = tpu.memref_squeeze %dma_start3A_148 : memref<1x1x2x128xi32, #tpu.memory_space<hbm>> -> memref<2x128xi32, #tpu.memory_space<hbm>>
        tpu.enqueue_dma source(%dma_start3A_149 : memref<2x128xi32, #tpu.memory_space<hbm>>) target(%arg5 : memref<2x128xi32, #tpu.memory_space<vmem>>) target_semaphore(%run_scoped3A_141 : memref<!tpu.dma_semaphore, #tpu.memory_space<semaphore_mem>>)
        %dma_wait3A_150 = arith.constant 0 : i32
        %dma_wait3A_151 = arith.constant 0 : i32
        %dma_wait3A_152 = tpu.memref_slice %arg3[%add3A, %add3A_98, %dma_wait3A_150, %dma_wait3A_151] : memref<32x82x2x128xi32, #tpu.memory_space<hbm>> -> memref<1x1x2x128xi32, #tpu.memory_space<hbm>>
        %dma_wait3A_153 = tpu.memref_squeeze %dma_wait3A_152 : memref<1x1x2x128xi32, #tpu.memory_space<hbm>> -> memref<2x128xi32, #tpu.memory_space<hbm>>
        %dma_wait3A_154 = arith.constant 0 : i32
        %dma_wait3A_155 = arith.constant 0 : i32
        %dma_wait3A_156 = tpu.memref_slice %arg3[%add3A, %add3A_98, %dma_wait3A_154, %dma_wait3A_155] : memref<32x82x2x128xi32, #tpu.memory_space<hbm>> -> memref<1x1x2x128xi32, #tpu.memory_space<hbm>>
        %dma_wait3A_157 = tpu.memref_squeeze %dma_wait3A_156 : memref<1x1x2x128xi32, #tpu.memory_space<hbm>> -> memref<2x128xi32, #tpu.memory_space<hbm>>
        tpu.wait_dma2 semaphore(%run_scoped3A_141 : memref<!tpu.dma_semaphore, #tpu.memory_space<semaphore_mem>>) src(%dma_wait3A_157 : memref<2x128xi32, #tpu.memory_space<hbm>>) dst(%arg5 : memref<2x128xi32, #tpu.memory_space<vmem>>)
        tpu.yield
      }) : () -> ()
      %dma_start3A_99 = arith.constant 0 : i32
      %dma_start3A_100 = arith.constant 0 : i32
      %dma_start3A_101 = tpu.memref_slice %arg5[%dma_start3A_99, %dma_start3A_100] : memref<2x128xi32, #tpu.memory_space<vmem>> -> memref<1x128xi32, #tpu.memory_space<vmem>>
      %dma_start3A_102 = tpu.memref_squeeze %dma_start3A_101 : memref<1x128xi32, #tpu.memory_space<vmem>> -> memref<128xi32, #tpu.memory_space<vmem>>
      %dma_start3A_103 = arith.constant 0 : i32
      %dma_start3A_104 = arith.constant 0 : i32
      %dma_start3A_105 = tpu.memref_slice %arg2[%dma_start3A_103, %dma_start3A_104] : memref<10000x128xf32, #tpu.memory_space<hbm>> -> memref<10000x128xf32, #tpu.memory_space<hbm>>
      tpu.enqueue_indirect_dma source(%dma_start3A_105 : memref<10000x128xf32, #tpu.memory_space<hbm>>) target(%arg8 : memref<128x128xf32, #tpu.memory_space<vmem>>) offsets(%dma_start3A_102 : memref<128xi32, #tpu.memory_space<vmem>>) semaphore(%arg12 : memref<!tpu.dma_semaphore, #tpu.memory_space<semaphore_mem>>)
      %dma_wait3A_106 = arith.constant 0 : i32
      %dma_wait3A_107 = arith.constant 0 : i32
      %dma_wait3A_108 = tpu.memref_slice %arg6[%dma_wait3A_106, %dma_wait3A_107] : memref<2x128xi32, #tpu.memory_space<vmem>> -> memref<1x128xi32, #tpu.memory_space<vmem>>
      %dma_wait3A_109 = tpu.memref_squeeze %dma_wait3A_108 : memref<1x128xi32, #tpu.memory_space<vmem>> -> memref<128xi32, #tpu.memory_space<vmem>>
      %dma_wait3A_110 = arith.constant 0 : i32
      %dma_wait3A_111 = arith.constant 0 : i32
      %dma_wait3A_112 = tpu.memref_slice %arg2[%dma_wait3A_110, %dma_wait3A_111] : memref<10000x128xf32, #tpu.memory_space<hbm>> -> memref<10000x128xf32, #tpu.memory_space<hbm>>
      tpu.wait_indirect_dma semaphore(%arg13 : memref<!tpu.dma_semaphore, #tpu.memory_space<semaphore_mem>>) src(%dma_wait3A_112 : memref<10000x128xf32, #tpu.memory_space<hbm>>) dst(%arg9 : memref<128x128xf32, #tpu.memory_space<vmem>>)
      %run_scoped3A_113 = arith.constant 1 : i32
      "tpu.region"() ({
        %run_scoped3A_141 = tpu.sem_alloc : memref<!tpu.dma_semaphore, #tpu.memory_space<semaphore_mem>>
        %dma_start3A_142 = arith.constant 0 : i32
        %dma_start3A_143 = tpu.memref_slice %arg6[%run_scoped3A_113, %dma_start3A_142] : memref<2x128xi32, #tpu.memory_space<vmem>> -> memref<1x128xi32, #tpu.memory_space<vmem>>
        %dma_start3A_144 = tpu.memref_squeeze %dma_start3A_143 : memref<1x128xi32, #tpu.memory_space<vmem>> -> memref<128xi32, #tpu.memory_space<vmem>>
        %dma_start3A_145 = arith.constant 0 : i32
        %dma_start3A_146 = arith.constant 0 : i32
        %dma_start3A_147 = tpu.memref_slice %arg11[%dma_start3A_145, %dma_start3A_146] : memref<10008x128xf32, #tpu.memory_space<vmem_shared>> -> memref<10008x128xf32, #tpu.memory_space<vmem_shared>>
        tpu.enqueue_indirect_dma source(%arg9 : memref<128x128xf32, #tpu.memory_space<vmem>>) target(%dma_start3A_147 : memref<10008x128xf32, #tpu.memory_space<vmem_shared>>) offsets(%dma_start3A_144 : memref<128xi32, #tpu.memory_space<vmem>>) semaphore(%run_scoped3A_141 : memref<!tpu.dma_semaphore, #tpu.memory_space<semaphore_mem>>) {add = true}
        %dma_wait3A_148 = arith.constant 0 : i32
        %dma_wait3A_149 = tpu.memref_slice %arg6[%run_scoped3A_113, %dma_wait3A_148] : memref<2x128xi32, #tpu.memory_space<vmem>> -> memref<1x128xi32, #tpu.memory_space<vmem>>
        %dma_wait3A_150 = tpu.memref_squeeze %dma_wait3A_149 : memref<1x128xi32, #tpu.memory_space<vmem>> -> memref<128xi32, #tpu.memory_space<vmem>>
        %dma_wait3A_151 = arith.constant 0 : i32
        %dma_wait3A_152 = arith.constant 0 : i32
        %dma_wait3A_153 = tpu.memref_slice %arg11[%dma_wait3A_151, %dma_wait3A_152] : memref<10008x128xf32, #tpu.memory_space<vmem_shared>> -> memref<10008x128xf32, #tpu.memory_space<vmem_shared>>
        tpu.wait_indirect_dma semaphore(%run_scoped3A_141 : memref<!tpu.dma_semaphore, #tpu.memory_space<semaphore_mem>>) src(%arg9 : memref<128x128xf32, #tpu.memory_space<vmem>>) dst(%dma_wait3A_153 : memref<10008x128xf32, #tpu.memory_space<vmem_shared>>)
        tpu.yield
      }) : () -> ()
      %add3A_114 = arith.constant 1 : i32
      %add3A_115 = arith.addi %add3A_88, %add3A_114 : i32
      "tpu.region"() ({
        %run_scoped3A_141 = tpu.sem_alloc : memref<!tpu.dma_semaphore, #tpu.memory_space<semaphore_mem>>
        %dma_start3A_142 = arith.constant 0 : i32
        %dma_start3A_143 = arith.constant 0 : i32
        %dma_start3A_144 = tpu.memref_slice %arg3[%add3A, %add3A_115, %dma_start3A_142, %dma_start3A_143] : memref<32x82x2x128xi32, #tpu.memory_space<hbm>> -> memref<1x1x2x128xi32, #tpu.memory_space<hbm>>
        %dma_start3A_145 = tpu.memref_squeeze %dma_start3A_144 : memref<1x1x2x128xi32, #tpu.memory_space<hbm>> -> memref<2x128xi32, #tpu.memory_space<hbm>>
        %dma_start3A_146 = arith.constant 0 : i32
        %dma_start3A_147 = arith.constant 0 : i32
        %dma_start3A_148 = tpu.memref_slice %arg3[%add3A, %add3A_115, %dma_start3A_146, %dma_start3A_147] : memref<32x82x2x128xi32, #tpu.memory_space<hbm>> -> memref<1x1x2x128xi32, #tpu.memory_space<hbm>>
        %dma_start3A_149 = tpu.memref_squeeze %dma_start3A_148 : memref<1x1x2x128xi32, #tpu.memory_space<hbm>> -> memref<2x128xi32, #tpu.memory_space<hbm>>
        tpu.enqueue_dma source(%dma_start3A_149 : memref<2x128xi32, #tpu.memory_space<hbm>>) target(%arg6 : memref<2x128xi32, #tpu.memory_space<vmem>>) target_semaphore(%run_scoped3A_141 : memref<!tpu.dma_semaphore, #tpu.memory_space<semaphore_mem>>)
        %dma_wait3A_150 = arith.constant 0 : i32
        %dma_wait3A_151 = arith.constant 0 : i32
        %dma_wait3A_152 = tpu.memref_slice %arg3[%add3A, %add3A_115, %dma_wait3A_150, %dma_wait3A_151] : memref<32x82x2x128xi32, #tpu.memory_space<hbm>> -> memref<1x1x2x128xi32, #tpu.memory_space<hbm>>
        %dma_wait3A_153 = tpu.memref_squeeze %dma_wait3A_152 : memref<1x1x2x128xi32, #tpu.memory_space<hbm>> -> memref<2x128xi32, #tpu.memory_space<hbm>>
        %dma_wait3A_154 = arith.constant 0 : i32
        %dma_wait3A_155 = arith.constant 0 : i32
        %dma_wait3A_156 = tpu.memref_slice %arg3[%add3A, %add3A_115, %dma_wait3A_154, %dma_wait3A_155] : memref<32x82x2x128xi32, #tpu.memory_space<hbm>> -> memref<1x1x2x128xi32, #tpu.memory_space<hbm>>
        %dma_wait3A_157 = tpu.memref_squeeze %dma_wait3A_156 : memref<1x1x2x128xi32, #tpu.memory_space<hbm>> -> memref<2x128xi32, #tpu.memory_space<hbm>>
        tpu.wait_dma2 semaphore(%run_scoped3A_141 : memref<!tpu.dma_semaphore, #tpu.memory_space<semaphore_mem>>) src(%dma_wait3A_157 : memref<2x128xi32, #tpu.memory_space<hbm>>) dst(%arg6 : memref<2x128xi32, #tpu.memory_space<vmem>>)
        tpu.yield
      }) : () -> ()
      %dma_start3A_116 = arith.constant 0 : i32
      %dma_start3A_117 = arith.constant 0 : i32
      %dma_start3A_118 = tpu.memref_slice %arg6[%dma_start3A_116, %dma_start3A_117] : memref<2x128xi32, #tpu.memory_space<vmem>> -> memref<1x128xi32, #tpu.memory_space<vmem>>
      %dma_start3A_119 = tpu.memref_squeeze %dma_start3A_118 : memref<1x128xi32, #tpu.memory_space<vmem>> -> memref<128xi32, #tpu.memory_space<vmem>>
      %dma_start3A_120 = arith.constant 0 : i32
      %dma_start3A_121 = arith.constant 0 : i32
      %dma_start3A_122 = tpu.memref_slice %arg2[%dma_start3A_120, %dma_start3A_121] : memref<10000x128xf32, #tpu.memory_space<hbm>> -> memref<10000x128xf32, #tpu.memory_space<hbm>>
      tpu.enqueue_indirect_dma source(%dma_start3A_122 : memref<10000x128xf32, #tpu.memory_space<hbm>>) target(%arg9 : memref<128x128xf32, #tpu.memory_space<vmem>>) offsets(%dma_start3A_119 : memref<128xi32, #tpu.memory_space<vmem>>) semaphore(%arg13 : memref<!tpu.dma_semaphore, #tpu.memory_space<semaphore_mem>>)
      %dma_wait3A_123 = arith.constant 0 : i32
      %dma_wait3A_124 = arith.constant 0 : i32
      %dma_wait3A_125 = tpu.memref_slice %arg7[%dma_wait3A_123, %dma_wait3A_124] : memref<2x128xi32, #tpu.memory_space<vmem>> -> memref<1x128xi32, #tpu.memory_space<vmem>>
      %dma_wait3A_126 = tpu.memref_squeeze %dma_wait3A_125 : memref<1x128xi32, #tpu.memory_space<vmem>> -> memref<128xi32, #tpu.memory_space<vmem>>
      %dma_wait3A_127 = arith.constant 0 : i32
      %dma_wait3A_128 = arith.constant 0 : i32
      %dma_wait3A_129 = tpu.memref_slice %arg2[%dma_wait3A_127, %dma_wait3A_128] : memref<10000x128xf32, #tpu.memory_space<hbm>> -> memref<10000x128xf32, #tpu.memory_space<hbm>>
      tpu.wait_indirect_dma semaphore(%arg14 : memref<!tpu.dma_semaphore, #tpu.memory_space<semaphore_mem>>) src(%dma_wait3A_129 : memref<10000x128xf32, #tpu.memory_space<hbm>>) dst(%arg10 : memref<128x128xf32, #tpu.memory_space<vmem>>)
      %run_scoped3A_130 = arith.constant 1 : i32
      "tpu.region"() ({
        %run_scoped3A_141 = tpu.sem_alloc : memref<!tpu.dma_semaphore, #tpu.memory_space<semaphore_mem>>
        %dma_start3A_142 = arith.constant 0 : i32
        %dma_start3A_143 = tpu.memref_slice %arg7[%run_scoped3A_130, %dma_start3A_142] : memref<2x128xi32, #tpu.memory_space<vmem>> -> memref<1x128xi32, #tpu.memory_space<vmem>>
        %dma_start3A_144 = tpu.memref_squeeze %dma_start3A_143 : memref<1x128xi32, #tpu.memory_space<vmem>> -> memref<128xi32, #tpu.memory_space<vmem>>
        %dma_start3A_145 = arith.constant 0 : i32
        %dma_start3A_146 = arith.constant 0 : i32
        %dma_start3A_147 = tpu.memref_slice %arg11[%dma_start3A_145, %dma_start3A_146] : memref<10008x128xf32, #tpu.memory_space<vmem_shared>> -> memref<10008x128xf32, #tpu.memory_space<vmem_shared>>
        tpu.enqueue_indirect_dma source(%arg10 : memref<128x128xf32, #tpu.memory_space<vmem>>) target(%dma_start3A_147 : memref<10008x128xf32, #tpu.memory_space<vmem_shared>>) offsets(%dma_start3A_144 : memref<128xi32, #tpu.memory_space<vmem>>) semaphore(%run_scoped3A_141 : memref<!tpu.dma_semaphore, #tpu.memory_space<semaphore_mem>>) {add = true}
        %dma_wait3A_148 = arith.constant 0 : i32
        %dma_wait3A_149 = tpu.memref_slice %arg7[%run_scoped3A_130, %dma_wait3A_148] : memref<2x128xi32, #tpu.memory_space<vmem>> -> memref<1x128xi32, #tpu.memory_space<vmem>>
        %dma_wait3A_150 = tpu.memref_squeeze %dma_wait3A_149 : memref<1x128xi32, #tpu.memory_space<vmem>> -> memref<128xi32, #tpu.memory_space<vmem>>
        %dma_wait3A_151 = arith.constant 0 : i32
        %dma_wait3A_152 = arith.constant 0 : i32
        %dma_wait3A_153 = tpu.memref_slice %arg11[%dma_wait3A_151, %dma_wait3A_152] : memref<10008x128xf32, #tpu.memory_space<vmem_shared>> -> memref<10008x128xf32, #tpu.memory_space<vmem_shared>>
        tpu.wait_indirect_dma semaphore(%run_scoped3A_141 : memref<!tpu.dma_semaphore, #tpu.memory_space<semaphore_mem>>) src(%arg10 : memref<128x128xf32, #tpu.memory_space<vmem>>) dst(%dma_wait3A_153 : memref<10008x128xf32, #tpu.memory_space<vmem_shared>>)
        tpu.yield
      }) : () -> ()
      %add3A_131 = arith.constant 2 : i32
      %add3A_132 = arith.addi %add3A_88, %add3A_131 : i32
      "tpu.region"() ({
        %run_scoped3A_141 = tpu.sem_alloc : memref<!tpu.dma_semaphore, #tpu.memory_space<semaphore_mem>>
        %dma_start3A_142 = arith.constant 0 : i32
        %dma_start3A_143 = arith.constant 0 : i32
        %dma_start3A_144 = tpu.memref_slice %arg3[%add3A, %add3A_132, %dma_start3A_142, %dma_start3A_143] : memref<32x82x2x128xi32, #tpu.memory_space<hbm>> -> memref<1x1x2x128xi32, #tpu.memory_space<hbm>>
        %dma_start3A_145 = tpu.memref_squeeze %dma_start3A_144 : memref<1x1x2x128xi32, #tpu.memory_space<hbm>> -> memref<2x128xi32, #tpu.memory_space<hbm>>
        %dma_start3A_146 = arith.constant 0 : i32
        %dma_start3A_147 = arith.constant 0 : i32
        %dma_start3A_148 = tpu.memref_slice %arg3[%add3A, %add3A_132, %dma_start3A_146, %dma_start3A_147] : memref<32x82x2x128xi32, #tpu.memory_space<hbm>> -> memref<1x1x2x128xi32, #tpu.memory_space<hbm>>
        %dma_start3A_149 = tpu.memref_squeeze %dma_start3A_148 : memref<1x1x2x128xi32, #tpu.memory_space<hbm>> -> memref<2x128xi32, #tpu.memory_space<hbm>>
        tpu.enqueue_dma source(%dma_start3A_149 : memref<2x128xi32, #tpu.memory_space<hbm>>) target(%arg7 : memref<2x128xi32, #tpu.memory_space<vmem>>) target_semaphore(%run_scoped3A_141 : memref<!tpu.dma_semaphore, #tpu.memory_space<semaphore_mem>>)
        %dma_wait3A_150 = arith.constant 0 : i32
        %dma_wait3A_151 = arith.constant 0 : i32
        %dma_wait3A_152 = tpu.memref_slice %arg3[%add3A, %add3A_132, %dma_wait3A_150, %dma_wait3A_151] : memref<32x82x2x128xi32, #tpu.memory_space<hbm>> -> memref<1x1x2x128xi32, #tpu.memory_space<hbm>>
        %dma_wait3A_153 = tpu.memref_squeeze %dma_wait3A_152 : memref<1x1x2x128xi32, #tpu.memory_space<hbm>> -> memref<2x128xi32, #tpu.memory_space<hbm>>
        %dma_wait3A_154 = arith.constant 0 : i32
        %dma_wait3A_155 = arith.constant 0 : i32
        %dma_wait3A_156 = tpu.memref_slice %arg3[%add3A, %add3A_132, %dma_wait3A_154, %dma_wait3A_155] : memref<32x82x2x128xi32, #tpu.memory_space<hbm>> -> memref<1x1x2x128xi32, #tpu.memory_space<hbm>>
        %dma_wait3A_157 = tpu.memref_squeeze %dma_wait3A_156 : memref<1x1x2x128xi32, #tpu.memory_space<hbm>> -> memref<2x128xi32, #tpu.memory_space<hbm>>
        tpu.wait_dma2 semaphore(%run_scoped3A_141 : memref<!tpu.dma_semaphore, #tpu.memory_space<semaphore_mem>>) src(%dma_wait3A_157 : memref<2x128xi32, #tpu.memory_space<hbm>>) dst(%arg7 : memref<2x128xi32, #tpu.memory_space<vmem>>)
        tpu.yield
      }) : () -> ()
      %dma_start3A_133 = arith.constant 0 : i32
      %dma_start3A_134 = arith.constant 0 : i32
      %dma_start3A_135 = tpu.memref_slice %arg7[%dma_start3A_133, %dma_start3A_134] : memref<2x128xi32, #tpu.memory_space<vmem>> -> memref<1x128xi32, #tpu.memory_space<vmem>>
      %dma_start3A_136 = tpu.memref_squeeze %dma_start3A_135 : memref<1x128xi32, #tpu.memory_space<vmem>> -> memref<128xi32, #tpu.memory_space<vmem>>
      %dma_start3A_137 = arith.constant 0 : i32
      %dma_start3A_138 = arith.constant 0 : i32
      %dma_start3A_139 = tpu.memref_slice %arg2[%dma_start3A_137, %dma_start3A_138] : memref<10000x128xf32, #tpu.memory_space<hbm>> -> memref<10000x128xf32, #tpu.memory_space<hbm>>
      tpu.enqueue_indirect_dma source(%dma_start3A_139 : memref<10000x128xf32, #tpu.memory_space<hbm>>) target(%arg10 : memref<128x128xf32, #tpu.memory_space<vmem>>) offsets(%dma_start3A_136 : memref<128xi32, #tpu.memory_space<vmem>>) semaphore(%arg14 : memref<!tpu.dma_semaphore, #tpu.memory_space<semaphore_mem>>)
      %scan3A_140 = arith.constant 0 : i32
      scf.yield %scan3A_140 : i32
    }
    %scan3A_56 = arith.constant 26 : i32
    %dma_wait3A = arith.constant 0 : i32
    %dma_wait3A_57 = arith.constant 0 : i32
    %dma_wait3A_58 = tpu.memref_slice %arg5[%dma_wait3A, %dma_wait3A_57] : memref<2x128xi32, #tpu.memory_space<vmem>> -> memref<1x128xi32, #tpu.memory_space<vmem>>
    %dma_wait3A_59 = tpu.memref_squeeze %dma_wait3A_58 : memref<1x128xi32, #tpu.memory_space<vmem>> -> memref<128xi32, #tpu.memory_space<vmem>>
    %dma_wait3A_60 = arith.constant 0 : i32
    %dma_wait3A_61 = arith.constant 0 : i32
    %dma_wait3A_62 = tpu.memref_slice %arg2[%dma_wait3A_60, %dma_wait3A_61] : memref<10000x128xf32, #tpu.memory_space<hbm>> -> memref<10000x128xf32, #tpu.memory_space<hbm>>
    tpu.wait_indirect_dma semaphore(%arg12 : memref<!tpu.dma_semaphore, #tpu.memory_space<semaphore_mem>>) src(%dma_wait3A_62 : memref<10000x128xf32, #tpu.memory_space<hbm>>) dst(%arg8 : memref<128x128xf32, #tpu.memory_space<vmem>>)
    %run_scoped3A_63 = arith.constant 1 : i32
    "tpu.region"() ({
      %run_scoped3A_83 = tpu.sem_alloc : memref<!tpu.dma_semaphore, #tpu.memory_space<semaphore_mem>>
      %dma_start3A_84 = arith.constant 0 : i32
      %dma_start3A_85 = tpu.memref_slice %arg5[%run_scoped3A_63, %dma_start3A_84] : memref<2x128xi32, #tpu.memory_space<vmem>> -> memref<1x128xi32, #tpu.memory_space<vmem>>
      %dma_start3A_86 = tpu.memref_squeeze %dma_start3A_85 : memref<1x128xi32, #tpu.memory_space<vmem>> -> memref<128xi32, #tpu.memory_space<vmem>>
      %dma_start3A_87 = arith.constant 0 : i32
      %dma_start3A_88 = arith.constant 0 : i32
      %dma_start3A_89 = tpu.memref_slice %arg11[%dma_start3A_87, %dma_start3A_88] : memref<10008x128xf32, #tpu.memory_space<vmem_shared>> -> memref<10008x128xf32, #tpu.memory_space<vmem_shared>>
      tpu.enqueue_indirect_dma source(%arg8 : memref<128x128xf32, #tpu.memory_space<vmem>>) target(%dma_start3A_89 : memref<10008x128xf32, #tpu.memory_space<vmem_shared>>) offsets(%dma_start3A_86 : memref<128xi32, #tpu.memory_space<vmem>>) semaphore(%run_scoped3A_83 : memref<!tpu.dma_semaphore, #tpu.memory_space<semaphore_mem>>) {add = true}
      %dma_wait3A_90 = arith.constant 0 : i32
      %dma_wait3A_91 = tpu.memref_slice %arg5[%run_scoped3A_63, %dma_wait3A_90] : memref<2x128xi32, #tpu.memory_space<vmem>> -> memref<1x128xi32, #tpu.memory_space<vmem>>
      %dma_wait3A_92 = tpu.memref_squeeze %dma_wait3A_91 : memref<1x128xi32, #tpu.memory_space<vmem>> -> memref<128xi32, #tpu.memory_space<vmem>>
      %dma_wait3A_93 = arith.constant 0 : i32
      %dma_wait3A_94 = arith.constant 0 : i32
      %dma_wait3A_95 = tpu.memref_slice %arg11[%dma_wait3A_93, %dma_wait3A_94] : memref<10008x128xf32, #tpu.memory_space<vmem_shared>> -> memref<10008x128xf32, #tpu.memory_space<vmem_shared>>
      tpu.wait_indirect_dma semaphore(%run_scoped3A_83 : memref<!tpu.dma_semaphore, #tpu.memory_space<semaphore_mem>>) src(%arg8 : memref<128x128xf32, #tpu.memory_space<vmem>>) dst(%dma_wait3A_95 : memref<10008x128xf32, #tpu.memory_space<vmem_shared>>)
      tpu.yield
    }) : () -> ()
    %dma_wait3A_64 = arith.constant 0 : i32
    %dma_wait3A_65 = arith.constant 0 : i32
    %dma_wait3A_66 = tpu.memref_slice %arg6[%dma_wait3A_64, %dma_wait3A_65] : memref<2x128xi32, #tpu.memory_space<vmem>> -> memref<1x128xi32, #tpu.memory_space<vmem>>
    %dma_wait3A_67 = tpu.memref_squeeze %dma_wait3A_66 : memref<1x128xi32, #tpu.memory_space<vmem>> -> memref<128xi32, #tpu.memory_space<vmem>>
    %dma_wait3A_68 = arith.constant 0 : i32
    %dma_wait3A_69 = arith.constant 0 : i32
    %dma_wait3A_70 = tpu.memref_slice %arg2[%dma_wait3A_68, %dma_wait3A_69] : memref<10000x128xf32, #tpu.memory_space<hbm>> -> memref<10000x128xf32, #tpu.memory_space<hbm>>
    tpu.wait_indirect_dma semaphore(%arg13 : memref<!tpu.dma_semaphore, #tpu.memory_space<semaphore_mem>>) src(%dma_wait3A_70 : memref<10000x128xf32, #tpu.memory_space<hbm>>) dst(%arg9 : memref<128x128xf32, #tpu.memory_space<vmem>>)
    %run_scoped3A_71 = arith.constant 1 : i32
    "tpu.region"() ({
      %run_scoped3A_83 = tpu.sem_alloc : memref<!tpu.dma_semaphore, #tpu.memory_space<semaphore_mem>>
      %dma_start3A_84 = arith.constant 0 : i32
      %dma_start3A_85 = tpu.memref_slice %arg6[%run_scoped3A_71, %dma_start3A_84] : memref<2x128xi32, #tpu.memory_space<vmem>> -> memref<1x128xi32, #tpu.memory_space<vmem>>
      %dma_start3A_86 = tpu.memref_squeeze %dma_start3A_85 : memref<1x128xi32, #tpu.memory_space<vmem>> -> memref<128xi32, #tpu.memory_space<vmem>>
      %dma_start3A_87 = arith.constant 0 : i32
      %dma_start3A_88 = arith.constant 0 : i32
      %dma_start3A_89 = tpu.memref_slice %arg11[%dma_start3A_87, %dma_start3A_88] : memref<10008x128xf32, #tpu.memory_space<vmem_shared>> -> memref<10008x128xf32, #tpu.memory_space<vmem_shared>>
      tpu.enqueue_indirect_dma source(%arg9 : memref<128x128xf32, #tpu.memory_space<vmem>>) target(%dma_start3A_89 : memref<10008x128xf32, #tpu.memory_space<vmem_shared>>) offsets(%dma_start3A_86 : memref<128xi32, #tpu.memory_space<vmem>>) semaphore(%run_scoped3A_83 : memref<!tpu.dma_semaphore, #tpu.memory_space<semaphore_mem>>) {add = true}
      %dma_wait3A_90 = arith.constant 0 : i32
      %dma_wait3A_91 = tpu.memref_slice %arg6[%run_scoped3A_71, %dma_wait3A_90] : memref<2x128xi32, #tpu.memory_space<vmem>> -> memref<1x128xi32, #tpu.memory_space<vmem>>
      %dma_wait3A_92 = tpu.memref_squeeze %dma_wait3A_91 : memref<1x128xi32, #tpu.memory_space<vmem>> -> memref<128xi32, #tpu.memory_space<vmem>>
      %dma_wait3A_93 = arith.constant 0 : i32
      %dma_wait3A_94 = arith.constant 0 : i32
      %dma_wait3A_95 = tpu.memref_slice %arg11[%dma_wait3A_93, %dma_wait3A_94] : memref<10008x128xf32, #tpu.memory_space<vmem_shared>> -> memref<10008x128xf32, #tpu.memory_space<vmem_shared>>
      tpu.wait_indirect_dma semaphore(%run_scoped3A_83 : memref<!tpu.dma_semaphore, #tpu.memory_space<semaphore_mem>>) src(%arg9 : memref<128x128xf32, #tpu.memory_space<vmem>>) dst(%dma_wait3A_95 : memref<10008x128xf32, #tpu.memory_space<vmem_shared>>)
      tpu.yield
    }) : () -> ()
    %dma_wait3A_72 = arith.constant 0 : i32
    %dma_wait3A_73 = arith.constant 0 : i32
    %dma_wait3A_74 = tpu.memref_slice %arg7[%dma_wait3A_72, %dma_wait3A_73] : memref<2x128xi32, #tpu.memory_space<vmem>> -> memref<1x128xi32, #tpu.memory_space<vmem>>
    %dma_wait3A_75 = tpu.memref_squeeze %dma_wait3A_74 : memref<1x128xi32, #tpu.memory_space<vmem>> -> memref<128xi32, #tpu.memory_space<vmem>>
    %dma_wait3A_76 = arith.constant 0 : i32
    %dma_wait3A_77 = arith.constant 0 : i32
    %dma_wait3A_78 = tpu.memref_slice %arg2[%dma_wait3A_76, %dma_wait3A_77] : memref<10000x128xf32, #tpu.memory_space<hbm>> -> memref<10000x128xf32, #tpu.memory_space<hbm>>
    tpu.wait_indirect_dma semaphore(%arg14 : memref<!tpu.dma_semaphore, #tpu.memory_space<semaphore_mem>>) src(%dma_wait3A_78 : memref<10000x128xf32, #tpu.memory_space<hbm>>) dst(%arg10 : memref<128x128xf32, #tpu.memory_space<vmem>>)
    %run_scoped3A_79 = arith.constant 1 : i32
    "tpu.region"() ({
      %run_scoped3A_83 = tpu.sem_alloc : memref<!tpu.dma_semaphore, #tpu.memory_space<semaphore_mem>>
      %dma_start3A_84 = arith.constant 0 : i32
      %dma_start3A_85 = tpu.memref_slice %arg7[%run_scoped3A_79, %dma_start3A_84] : memref<2x128xi32, #tpu.memory_space<vmem>> -> memref<1x128xi32, #tpu.memory_space<vmem>>
      %dma_start3A_86 = tpu.memref_squeeze %dma_start3A_85 : memref<1x128xi32, #tpu.memory_space<vmem>> -> memref<128xi32, #tpu.memory_space<vmem>>
      %dma_start3A_87 = arith.constant 0 : i32
      %dma_start3A_88 = arith.constant 0 : i32
      %dma_start3A_89 = tpu.memref_slice %arg11[%dma_start3A_87, %dma_start3A_88] : memref<10008x128xf32, #tpu.memory_space<vmem_shared>> -> memref<10008x128xf32, #tpu.memory_space<vmem_shared>>
      tpu.enqueue_indirect_dma source(%arg10 : memref<128x128xf32, #tpu.memory_space<vmem>>) target(%dma_start3A_89 : memref<10008x128xf32, #tpu.memory_space<vmem_shared>>) offsets(%dma_start3A_86 : memref<128xi32, #tpu.memory_space<vmem>>) semaphore(%run_scoped3A_83 : memref<!tpu.dma_semaphore, #tpu.memory_space<semaphore_mem>>) {add = true}
      %dma_wait3A_90 = arith.constant 0 : i32
      %dma_wait3A_91 = tpu.memref_slice %arg7[%run_scoped3A_79, %dma_wait3A_90] : memref<2x128xi32, #tpu.memory_space<vmem>> -> memref<1x128xi32, #tpu.memory_space<vmem>>
      %dma_wait3A_92 = tpu.memref_squeeze %dma_wait3A_91 : memref<1x128xi32, #tpu.memory_space<vmem>> -> memref<128xi32, #tpu.memory_space<vmem>>
      %dma_wait3A_93 = arith.constant 0 : i32
      %dma_wait3A_94 = arith.constant 0 : i32
      %dma_wait3A_95 = tpu.memref_slice %arg11[%dma_wait3A_93, %dma_wait3A_94] : memref<10008x128xf32, #tpu.memory_space<vmem_shared>> -> memref<10008x128xf32, #tpu.memory_space<vmem_shared>>
      tpu.wait_indirect_dma semaphore(%run_scoped3A_83 : memref<!tpu.dma_semaphore, #tpu.memory_space<semaphore_mem>>) src(%arg10 : memref<128x128xf32, #tpu.memory_space<vmem>>) dst(%dma_wait3A_95 : memref<10008x128xf32, #tpu.memory_space<vmem_shared>>)
      tpu.yield
    }) : () -> ()
    %barrier3A_80 = arith.constant 0 : index
    tpu.barrier barrier_id(%barrier3A_80)
    %mul3A_81 = arith.constant 625 : i32
    %mul3A_82 = arith.muli %arg1, %mul3A_81 : i32
    "tpu.region"() ({
      %run_scoped3A_83 = tpu.sem_alloc : memref<!tpu.dma_semaphore, #tpu.memory_space<semaphore_mem>>
      %dma_start3A_84 = arith.constant 0 : i32
      %dma_start3A_85 = arith.constant 0 : i32
      %dma_start3A_86 = tpu.memref_slice %arg4[%arg0, %arg1, %dma_start3A_84, %dma_start3A_85] : memref<2x16x625x128xf32, #tpu.memory_space<hbm>> -> memref<1x1x625x128xf32, #tpu.memory_space<hbm>>
      %dma_start3A_87 = tpu.memref_squeeze %dma_start3A_86 : memref<1x1x625x128xf32, #tpu.memory_space<hbm>> -> memref<625x128xf32, #tpu.memory_space<hbm>>
      %dma_start3A_88 = arith.constant 0 : i32
      %dma_start3A_89 = tpu.memref_slice %arg11[%mul3A_82, %dma_start3A_88] : memref<10008x128xf32, #tpu.memory_space<vmem_shared>> -> memref<625x128xf32, #tpu.memory_space<vmem_shared>>
      tpu.enqueue_dma source(%dma_start3A_89 : memref<625x128xf32, #tpu.memory_space<vmem_shared>>) target(%dma_start3A_87 : memref<625x128xf32, #tpu.memory_space<hbm>>) target_semaphore(%run_scoped3A_83 : memref<!tpu.dma_semaphore, #tpu.memory_space<semaphore_mem>>)
      %dma_wait3A_90 = arith.constant 0 : i32
      %dma_wait3A_91 = arith.constant 0 : i32
      %dma_wait3A_92 = tpu.memref_slice %arg4[%arg0, %arg1, %dma_wait3A_90, %dma_wait3A_91] : memref<2x16x625x128xf32, #tpu.memory_space<hbm>> -> memref<1x1x625x128xf32, #tpu.memory_space<hbm>>
      %dma_wait3A_93 = tpu.memref_squeeze %dma_wait3A_92 : memref<1x1x625x128xf32, #tpu.memory_space<hbm>> -> memref<625x128xf32, #tpu.memory_space<hbm>>
      %dma_wait3A_94 = arith.constant 0 : i32
      %dma_wait3A_95 = tpu.memref_slice %arg11[%mul3A_82, %dma_wait3A_94] : memref<10008x128xf32, #tpu.memory_space<vmem_shared>> -> memref<625x128xf32, #tpu.memory_space<vmem_shared>>
      tpu.wait_dma2 semaphore(%run_scoped3A_83 : memref<!tpu.dma_semaphore, #tpu.memory_space<semaphore_mem>>) src(%dma_wait3A_95 : memref<625x128xf32, #tpu.memory_space<vmem_shared>>) dst(%dma_wait3A_93 : memref<625x128xf32, #tpu.memory_space<hbm>>)
      tpu.yield
    }) : () -> ()
    return
  }
}

module attributes {stable_mosaic.version = 14 : i64} {
  func.func @_tc_matmul(%arg0: memref<10000x128xf32, #tpu.memory_space<vmem>>, %arg1: memref<128x128xf32, #tpu.memory_space<vmem>>, %arg2: memref<10000x128xf32, #tpu.memory_space<vmem>>) attributes {dimension_semantics = [], scalar_prefetch = 0 : i64, scratch_operands = 0 : i64, tpu.core_type = #tpu.core_type<tc>} {
    %get3A = arith.constant 0 : index
    %get3A_0 = arith.constant 0 : index
    %get3A_1 = vector.load %arg0[%get3A, %get3A_0] : memref<10000x128xf32, #tpu.memory_space<vmem>>, vector<10000x128xf32>
    %get3A_2 = arith.constant 0 : index
    %get3A_3 = arith.constant 0 : index
    %get3A_4 = vector.load %arg1[%get3A_2, %get3A_3] : memref<128x128xf32, #tpu.memory_space<vmem>>, vector<128x128xf32>
    %dot_general3A = arith.constant dense<0.000000e+00> : vector<10000x128xf32>
    %dot_general3A_5 = tpu.matmul %get3A_1, %get3A_4, %dot_general3A {dimension_numbers = #tpu.dot_dimension_numbers<[1], [0], [0], [1], [0, 0, 1, 1], [], []>, transpose_lhs_hint = false} : vector<10000x128xf32>, vector<128x128xf32>, vector<10000x128xf32> -> vector<10000x128xf32>
    %swap3A = arith.constant 0 : index
    %swap3A_6 = arith.constant 0 : index
    %swap3A_7 = vector.load %arg2[%swap3A, %swap3A_6] : memref<10000x128xf32, #tpu.memory_space<vmem>>, vector<10000x128xf32>
    tpu.vector_store %arg2[%swap3A, %swap3A_6], %dot_general3A_5 {strides = array<i32>} : memref<10000x128xf32, #tpu.memory_space<vmem>>, vector<10000x128xf32>,
    return
  }
}

module attributes {stable_mosaic.version = 14 : i64} {
  func.func @_tc_scale(%arg0: memref<2x10000x1xf32, #tpu.memory_space<vmem>>, %arg1: memref<10000x128xf32, #tpu.memory_space<vmem>>, %arg2: memref<10000x128xf32, #tpu.memory_space<vmem>>) attributes {dimension_semantics = [], scalar_prefetch = 0 : i64, scratch_operands = 0 : i64, tpu.core_type = #tpu.core_type<tc>} {
    %get3A = arith.constant 0 : index
    %get3A_0 = arith.constant 0 : index
    %get3A_1 = arith.constant 0 : index
    %get3A_2 = vector.load %arg0[%get3A, %get3A_0, %get3A_1] : memref<2x10000x1xf32, #tpu.memory_space<vmem>>, vector<1x10000x1xf32>
    %get3A_3 = vector.shape_cast %get3A_2 : vector<1x10000x1xf32> to vector<10000x1xf32>
    %add3A = arith.constant 1.000000e+00 : f32
    %add3A_4 = vector.broadcast %add3A : f32 to vector<10000x1xf32>
    %add3A_5 = arith.addf %add3A_4, %get3A_3 : vector<10000x1xf32>
    %get3A_6 = arith.constant 1 : index
    %get3A_7 = arith.constant 0 : index
    %get3A_8 = arith.constant 0 : index
    %get3A_9 = vector.load %arg0[%get3A_6, %get3A_7, %get3A_8] : memref<2x10000x1xf32, #tpu.memory_space<vmem>>, vector<1x10000x1xf32>
    %get3A_10 = vector.shape_cast %get3A_9 : vector<1x10000x1xf32> to vector<10000x1xf32>
    %add3A_11 = arith.addf %add3A_5, %get3A_10 : vector<10000x1xf32>
    %rsqrt3A = math.rsqrt %add3A_11 : vector<10000x1xf32>
    %get3A_12 = arith.constant 0 : index
    %get3A_13 = arith.constant 0 : index
    %get3A_14 = vector.load %arg1[%get3A_12, %get3A_13] : memref<10000x128xf32, #tpu.memory_space<vmem>>, vector<10000x128xf32>
    %mul3A = vector.broadcast %rsqrt3A : vector<10000x1xf32> to vector<10000x128xf32>
    %mul3A_15 = arith.mulf %mul3A, %get3A_14 : vector<10000x128xf32>
    %swap3A = arith.constant 0 : index
    %swap3A_16 = arith.constant 0 : index
    %swap3A_17 = vector.load %arg2[%swap3A, %swap3A_16] : memref<10000x128xf32, #tpu.memory_space<vmem>>, vector<10000x128xf32>
    tpu.vector_store %arg2[%swap3A, %swap3A_16], %mul3A_15 {strides = array<i32>} : memref<10000x128xf32, #tpu.memory_space<vmem>>, vector<10000x128xf32>,
    return
  }
}

module attributes {stable_mosaic.version = 14 : i64} {
  func.func @_tc_mid(%arg0: memref<2x10000x1xf32, #tpu.memory_space<vmem>>, %arg1: memref<2x10000x128xf32, #tpu.memory_space<vmem>>, %arg2: memref<10000x128xf32, #tpu.memory_space<vmem>>, %arg3: memref<1x128xf32, #tpu.memory_space<vmem>>, %arg4: memref<128x128xf32, #tpu.memory_space<vmem>>, %arg5: memref<10000x128xf32, #tpu.memory_space<vmem>>) attributes {dimension_semantics = [], scalar_prefetch = 0 : i64, scratch_operands = 0 : i64, tpu.core_type = #tpu.core_type<tc>} {
    %get3A = arith.constant 0 : index
    %get3A_0 = arith.constant 0 : index
    %get3A_1 = arith.constant 0 : index
    %get3A_2 = vector.load %arg0[%get3A, %get3A_0, %get3A_1] : memref<2x10000x1xf32, #tpu.memory_space<vmem>>, vector<1x10000x1xf32>
    %get3A_3 = vector.shape_cast %get3A_2 : vector<1x10000x1xf32> to vector<10000x1xf32>
    %add3A = arith.constant 1.000000e+00 : f32
    %add3A_4 = vector.broadcast %add3A : f32 to vector<10000x1xf32>
    %add3A_5 = arith.addf %add3A_4, %get3A_3 : vector<10000x1xf32>
    %get3A_6 = arith.constant 1 : index
    %get3A_7 = arith.constant 0 : index
    %get3A_8 = arith.constant 0 : index
    %get3A_9 = vector.load %arg0[%get3A_6, %get3A_7, %get3A_8] : memref<2x10000x1xf32, #tpu.memory_space<vmem>>, vector<1x10000x1xf32>
    %get3A_10 = vector.shape_cast %get3A_9 : vector<1x10000x1xf32> to vector<10000x1xf32>
    %add3A_11 = arith.addf %add3A_5, %get3A_10 : vector<10000x1xf32>
    %rsqrt3A = math.rsqrt %add3A_11 : vector<10000x1xf32>
    %get3A_12 = arith.constant 0 : index
    %get3A_13 = arith.constant 0 : index
    %get3A_14 = arith.constant 0 : index
    %get3A_15 = vector.load %arg1[%get3A_12, %get3A_13, %get3A_14] : memref<2x10000x128xf32, #tpu.memory_space<vmem>>, vector<1x10000x128xf32>
    %get3A_16 = vector.shape_cast %get3A_15 : vector<1x10000x128xf32> to vector<10000x128xf32>
    %get3A_17 = arith.constant 1 : index
    %get3A_18 = arith.constant 0 : index
    %get3A_19 = arith.constant 0 : index
    %get3A_20 = vector.load %arg1[%get3A_17, %get3A_18, %get3A_19] : memref<2x10000x128xf32, #tpu.memory_space<vmem>>, vector<1x10000x128xf32>
    %get3A_21 = vector.shape_cast %get3A_20 : vector<1x10000x128xf32> to vector<10000x128xf32>
    %add3A_22 = arith.addf %get3A_16, %get3A_21 : vector<10000x128xf32>
    %get3A_23 = arith.constant 0 : index
    %get3A_24 = arith.constant 0 : index
    %get3A_25 = vector.load %arg2[%get3A_23, %get3A_24] : memref<10000x128xf32, #tpu.memory_space<vmem>>, vector<10000x128xf32>
    %add3A_26 = arith.addf %add3A_22, %get3A_25 : vector<10000x128xf32>
    %mul3A = vector.broadcast %rsqrt3A : vector<10000x1xf32> to vector<10000x128xf32>
    %mul3A_27 = arith.mulf %mul3A, %add3A_26 : vector<10000x128xf32>
    %get3A_28 = arith.constant 0 : index
    %get3A_29 = arith.constant 0 : index
    %get3A_30 = vector.load %arg3[%get3A_28, %get3A_29] : memref<1x128xf32, #tpu.memory_space<vmem>>, vector<1x128xf32>
    %add3A_31 = vector.broadcast %get3A_30 : vector<1x128xf32> to vector<10000x128xf32>
    %add3A_32 = arith.addf %mul3A_27, %add3A_31 : vector<10000x128xf32>
    %max3A = arith.constant 0.000000e+00 : f32
    %max3A_33 = vector.broadcast %max3A : f32 to vector<10000x128xf32>
    %max3A_34 = arith.maximumf %add3A_32, %max3A_33 : vector<10000x128xf32>
    %get3A_35 = arith.constant 0 : index
    %get3A_36 = arith.constant 0 : index
    %get3A_37 = vector.load %arg4[%get3A_35, %get3A_36] : memref<128x128xf32, #tpu.memory_space<vmem>>, vector<128x128xf32>
    %dot_general3A = arith.constant dense<0.000000e+00> : vector<10000x128xf32>
    %dot_general3A_38 = tpu.matmul %max3A_34, %get3A_37, %dot_general3A {dimension_numbers = #tpu.dot_dimension_numbers<[1], [0], [0], [1], [0, 0, 1, 1], [], []>, transpose_lhs_hint = false} : vector<10000x128xf32>, vector<128x128xf32>, vector<10000x128xf32> -> vector<10000x128xf32>
    %mul3A_39 = vector.broadcast %rsqrt3A : vector<10000x1xf32> to vector<10000x128xf32>
    %mul3A_40 = arith.mulf %mul3A_39, %dot_general3A_38 : vector<10000x128xf32>
    %swap3A = arith.constant 0 : index
    %swap3A_41 = arith.constant 0 : index
    %swap3A_42 = vector.load %arg5[%swap3A, %swap3A_41] : memref<10000x128xf32, #tpu.memory_space<vmem>>, vector<10000x128xf32>
    tpu.vector_store %arg5[%swap3A, %swap3A_41], %mul3A_40 {strides = array<i32>} : memref<10000x128xf32, #tpu.memory_space<vmem>>, vector<10000x128xf32>,
    return
  }
}

module attributes {stable_mosaic.version = 14 : i64} {
  func.func @_tc_final(%arg0: memref<2x10000x1xf32, #tpu.memory_space<vmem>>, %arg1: memref<2x10000x128xf32, #tpu.memory_space<vmem>>, %arg2: memref<10000x128xf32, #tpu.memory_space<vmem>>, %arg3: memref<1x128xf32, #tpu.memory_space<vmem>>, %arg4: memref<10000x128xf32, #tpu.memory_space<vmem>>) attributes {dimension_semantics = [], scalar_prefetch = 0 : i64, scratch_operands = 0 : i64, tpu.core_type = #tpu.core_type<tc>} {
    %get3A = arith.constant 0 : index
    %get3A_0 = arith.constant 0 : index
    %get3A_1 = arith.constant 0 : index
    %get3A_2 = vector.load %arg0[%get3A, %get3A_0, %get3A_1] : memref<2x10000x1xf32, #tpu.memory_space<vmem>>, vector<1x10000x1xf32>
    %get3A_3 = vector.shape_cast %get3A_2 : vector<1x10000x1xf32> to vector<10000x1xf32>
    %add3A = arith.constant 1.000000e+00 : f32
    %add3A_4 = vector.broadcast %add3A : f32 to vector<10000x1xf32>
    %add3A_5 = arith.addf %add3A_4, %get3A_3 : vector<10000x1xf32>
    %get3A_6 = arith.constant 1 : index
    %get3A_7 = arith.constant 0 : index
    %get3A_8 = arith.constant 0 : index
    %get3A_9 = vector.load %arg0[%get3A_6, %get3A_7, %get3A_8] : memref<2x10000x1xf32, #tpu.memory_space<vmem>>, vector<1x10000x1xf32>
    %get3A_10 = vector.shape_cast %get3A_9 : vector<1x10000x1xf32> to vector<10000x1xf32>
    %add3A_11 = arith.addf %add3A_5, %get3A_10 : vector<10000x1xf32>
    %rsqrt3A = math.rsqrt %add3A_11 : vector<10000x1xf32>
    %get3A_12 = arith.constant 0 : index
    %get3A_13 = arith.constant 0 : index
    %get3A_14 = arith.constant 0 : index
    %get3A_15 = vector.load %arg1[%get3A_12, %get3A_13, %get3A_14] : memref<2x10000x128xf32, #tpu.memory_space<vmem>>, vector<1x10000x128xf32>
    %get3A_16 = vector.shape_cast %get3A_15 : vector<1x10000x128xf32> to vector<10000x128xf32>
    %get3A_17 = arith.constant 1 : index
    %get3A_18 = arith.constant 0 : index
    %get3A_19 = arith.constant 0 : index
    %get3A_20 = vector.load %arg1[%get3A_17, %get3A_18, %get3A_19] : memref<2x10000x128xf32, #tpu.memory_space<vmem>>, vector<1x10000x128xf32>
    %get3A_21 = vector.shape_cast %get3A_20 : vector<1x10000x128xf32> to vector<10000x128xf32>
    %add3A_22 = arith.addf %get3A_16, %get3A_21 : vector<10000x128xf32>
    %get3A_23 = arith.constant 0 : index
    %get3A_24 = arith.constant 0 : index
    %get3A_25 = vector.load %arg2[%get3A_23, %get3A_24] : memref<10000x128xf32, #tpu.memory_space<vmem>>, vector<10000x128xf32>
    %add3A_26 = arith.addf %add3A_22, %get3A_25 : vector<10000x128xf32>
    %mul3A = vector.broadcast %rsqrt3A : vector<10000x1xf32> to vector<10000x128xf32>
    %mul3A_27 = arith.mulf %mul3A, %add3A_26 : vector<10000x128xf32>
    %get3A_28 = arith.constant 0 : index
    %get3A_29 = arith.constant 0 : index
    %get3A_30 = vector.load %arg3[%get3A_28, %get3A_29] : memref<1x128xf32, #tpu.memory_space<vmem>>, vector<1x128xf32>
    %add3A_31 = vector.broadcast %get3A_30 : vector<1x128xf32> to vector<10000x128xf32>
    %add3A_32 = arith.addf %mul3A_27, %add3A_31 : vector<10000x128xf32>
    %swap3A = arith.constant 0 : index
    %swap3A_33 = arith.constant 0 : index
    %swap3A_34 = vector.load %arg4[%swap3A, %swap3A_33] : memref<10000x128xf32, #tpu.memory_space<vmem>>, vector<10000x128xf32>
    tpu.vector_store %arg4[%swap3A, %swap3A_33], %add3A_32 {strides = array<i32>} : memref<10000x128xf32, #tpu.memory_space<vmem>>, vector<10000x128xf32>,
    return
  }
}

</mosaic_0001>

<sc_bundles>
// kernel: kernel.12.cloned.1.call-start
scs
__scs_entry_jumppad:
0x0: {  	(pc) =	sbr.rel $0x88, $3  }
0x1: {  	(tag) =	ssettag $0x0;
	lr =	simm.s32 $0x1  }
0x2: {  	[smem:$0x3F9B] =	sst lr;
	_ =	strace $0xD0000000  }
0x3: {  	_ = 	snop  }
0x4: {  	_ = 	snop  }
0x5: {  	_ = 	snop  }
0x6: {  	_ = 	snop  }
0x7: {  	_ = 	snop  }
__scs_overlays_trampoline_lowered:
0x8: {  	[smem:$0x3FAA] =	sst s0  }
0x9: {  	[smem:$0x3FAB] =	sst s1  }
0xa: {  	[smem:$0x3FAC] =	sst s2  }
0xb: {  	[smem:$0x3FAD] =	sst s3  }
0xc: {  	[smem:$0x3FAE] =	sst s4  }
0xd: {  	[smem:$0x3FAF] =	sst s5  }
0xe: {  	[smem:$0x3FB0] =	sst s6  }
0xf: {  	[smem:$0x3FB1] =	sst s7  }
0x10: {  	[smem:$0x3FB2] =	sst s8  }
0x11: {  	[smem:$0x3FB3] =	sst s9;
	s0 =	simm.s32 @!p0 $0x0  }
0x12: {  	s1 =	sld [smem:$0x3F99];
	s0 =	simm.s32 @p0 $0x1  }
0x13: {  	[smem:$0x3FB4] =	sst s0;
	s0 =	simm.s32 @!p1 $0x0  }
0x14: {  	s2 =	sld [smem:$0x3F98];
	s0 =	simm.s32 @p1 $0x1  }
0x15: {  	[smem:$0x3FB5] =	sst s0;
	s0 =	simm.s32 @!p2 $0x0  }
0x16: {  	s3 =	sld [smem:$0x3FDB];
	s0 =	simm.s32 @p2 $0x1  }
0x17: {  	s4 =	simm.s32 $0x1BF5;
	[smem:$0x3FB7] =	sst s0  }
0x18: {  	s0 =	sld [smem:$0x3F9A];
	_ =	swait.ge [sflag:s4], $0x0  }
0x19: {  	s7 =	sld [smem:$0x3F9B]  }
0x1a: {  	s8 =	sadd.s32 $0xFFFFE003, lr  }
0x1b: {  	s9 =	sadd.s32 $0xFFFFFEF7, lr;
	s5 =	simm.s32 $0xFFFFFFFF;
	p2 =	slt.u32 s8, $0xFFFFF086  }
0x1c: {  	p1 =	slt.u32 s9, $0xF7A;
	s5 =	simm.s32 @!p2 $0x0  }
0x1d: {  	s5 =	simm.s32 @p1 $0x1;
	p0 =	seq.s32 s7, s2  }
0x1e: {  	s7 =	smul.u32 @!p0 $0xF7A, s2;
	p2 =	seq.s32 @!p0 s5, $0x0  }
0x1f: {  	s9 =	smul.u32 $0xF7A, s1;
	s8 =	simm.s32 @!p0 $0x1BF5;
	p2 =	por !p2, p0  }
0x20: {  	[sflag:s8] =	ssyncset.s32 @!p0 $0xFFFFF086;
	s6 =	sadd.s32 @!p0 s3, s7;
	s7 =	simm.s32 @!p0 $0x108  }
0x21: {  	s3 =	sadd.s32 s3, s9;
	s6 =	sadd.s32 @!p0 $0x88, s6;
	s7 =	simm.s32 @p2 $0x1082  }
0x22: {  	[simem:s7], [sflag:s8] =	dma.local @!p0 [hbm:s6], $0xF7A  }
0x23: {  	s9 =	sor.u32 $0xD0000000, s2;
	s6 =	simm.s32 $0x108;
	_ =	swait.ge @!p0 [sflag:s8], $0x0  }
0x24: {  	s3 =	sadd.s32 $0x88, s3;
	s6 =	simm.s32 @!p1 $0x1082;
	[sflag:s4] =	ssyncset.s32 $0xFFFFF086  }
0x25: {  	[simem:s6], [sflag:s4] =	dma.local [hbm:s3], $0xF7A  }
0x26: {  	[smem:$0x3F9B] =	sst s1;
	(tag) =	ssettag s2;
	_ =	strace s9  }
0x27: {  	s1 =	sld [smem:$0x3FAB]  }
0x28: {  	s2 =	sld [smem:$0x3FAC]  }
0x29: {  	s4 =	sld [smem:$0x3FAE]  }
0x2a: {  	p0 =	seq.s32 s5, $0x0;
	s5 =	sld [smem:$0x3FAF]  }
0x2b: {  	s6 =	sld [smem:$0x3FB0]  }
0x2c: {  	s7 =	sld [smem:$0x3FB1]  }
0x2d: {  	s3 =	simm.s32 $0x108;
	s8 =	sld [smem:$0x3FB2]  }
0x2e: {  	s3 =	simm.s32 @!p0 $0x1082;
	s9 =	sld [smem:$0x3FB3]  }
0x2f: {  	lr =	sadd.s32 s0, s3;
	s0 =	sld [smem:$0x3FAA]  }
0x30: {  	s3 =	sld [smem:$0x3FAD]  }
0x31: {  	[smem:$0x3FB6] =	sst s10  }
0x32: {  	s10 =	sld [smem:$0x3FB4];
	_ =	sdelay $0x3  }
0x33: {  	p0 =	seq.s32 s10, $0x1;
	s10 =	sld [smem:$0x3FB6];
	_ =	sdelay $0x3  }
0x34: {  	[smem:$0x3FB6] =	sst s10  }
0x35: {  	s10 =	sld [smem:$0x3FB5];
	_ =	sdelay $0x3  }
0x36: {  	p1 =	seq.s32 s10, $0x1;
	s10 =	sld [smem:$0x3FB6];
	_ =	sdelay $0x3  }
0x37: {  	[smem:$0x3FB6] =	sst s10  }
0x38: {  	s10 =	sld [smem:$0x3FB7]  }
0x39: {  	_ = 	snop;
	(pc) =	sbr.ind lr, $3  }
0x3a: {  	_ = 	snop  }
0x3b: {  	_ = 	snop  }
0x3c: {  	p2 =	seq.s32 s10, $0x1;
	s10 =	sld [smem:$0x3FB6]  }
0x3d: {  	_ =	shalt  }
0x3e: {  	_ =	shalt  }
0x3f: {  	_ =	shalt  }
0x40: {  	_ =	shalt  }
0x41: {  	_ =	shalt  }
0x42: {  	_ =	shalt  }
0x43: {  	_ =	shalt  }
0x44: {  	_ =	shalt  }
0x45: {  	_ =	shalt  }
0x46: {  	_ =	shalt  }
0x47: {  	_ =	shalt  }
0x48: {  	_ =	shalt  }
0x49: {  	_ =	shalt  }
0x4a: {  	_ =	shalt  }
0x4b: {  	_ =	shalt  }
0x4c: {  	_ =	shalt  }
0x4d: {  	_ =	shalt  }
0x4e: {  	_ =	shalt  }
0x4f: {  	_ =	shalt  }
0x50: {  	_ =	shalt  }
0x51: {  	_ =	shalt  }
0x52: {  	_ =	shalt  }
0x53: {  	_ =	shalt  }
0x54: {  	_ =	shalt  }
0x55: {  	_ =	shalt  }
0x56: {  	_ =	shalt  }
0x57: {  	_ =	shalt  }
0x58: {  	_ =	shalt  }
0x59: {  	_ =	shalt  }
0x5a: {  	_ =	shalt  }
0x5b: {  	_ =	shalt  }
0x5c: {  	_ =	shalt  }
0x5d: {  	_ =	shalt  }
0x5e: {  	_ =	shalt  }
0x5f: {  	_ =	shalt  }
0x60: {  	_ =	shalt  }
0x61: {  	_ =	shalt  }
0x62: {  	_ =	shalt  }
0x63: {  	_ =	shalt  }
0x64: {  	_ =	shalt  }
0x65: {  	_ =	shalt  }
0x66: {  	_ =	shalt  }
0x67: {  	_ =	shalt  }
0x68: {  	_ =	shalt  }
0x69: {  	_ =	shalt  }
0x6a: {  	_ =	shalt  }
0x6b: {  	_ =	shalt  }
0x6c: {  	_ =	shalt  }
0x6d: {  	_ =	shalt  }
0x6e: {  	_ =	shalt  }
0x6f: {  	_ =	shalt  }
0x70: {  	_ =	shalt  }
0x71: {  	_ =	shalt  }
0x72: {  	_ =	shalt  }
0x73: {  	_ =	shalt  }
0x74: {  	_ =	shalt  }
0x75: {  	_ =	shalt  }
0x76: {  	_ =	shalt  }
0x77: {  	_ =	shalt  }
0x78: {  	_ =	shalt  }
0x79: {  	_ =	shalt  }
0x7a: {  	_ =	shalt  }
0x7b: {  	_ =	shalt  }
0x7c: {  	_ =	shalt  }
0x7d: {  	_ =	shalt  }
0x7e: {  	_ =	shalt  }
0x7f: {  	_ =	shalt  }
0x80: {  	_ =	shalt  }
0x81: {  	_ =	shalt  }
0x82: {  	_ =	shalt  }
0x83: {  	_ =	shalt  }
0x84: {  	_ =	shalt  }
0x85: {  	_ =	shalt  }
0x86: {  	_ =	shalt  }
0x87: {  	_ =	shalt  }
.Lfunc_end0:
.L_simem_size_0:
called_computation.1_lowered:
.L_overlay_start_0:
0x88: {  	s2 =	sld [smem:$0x3FD9]  }
0x89: {  	s3 =	sld [smem:$0x3FFE];
	_ =	sdelay $0x1  }
0x8a: {  	s1 =	srdreg.scid  }
0x8b: {  	s0 =	sand.u32 $0x1, s1  }
0x8c: {  	s17 =	sshll.u32 s0, $0xA;
	s2 =	sadd.s32 s3, s2  }
0x8d: {  	s2 =	sadd.s32 s2, s17  }
0x8e: {  	[smem:$0x3FC2] =	sst s2  }
0x8f: {  	_ = 	snop  }
0x90: {  	s2 =	sld [smem:$0x3FD0];
	(tm) =	ssettm $0x1  }
0x91: {  	s18 =	sld [smem:$0x3FFB];
	_ =	sdelay $0x3  }
0x92: {  	_ =	strace s18  }
0x93: {  	s3 =	sld [smem:$0x3FFC];
	_ =	sdelay $0x3  }
0x94: {  	_ =	strace s3  }
0x95: {  	s3 =	sld [smem:$0x3FFD];
	_ =	sdelay $0x3  }
0x96: {  	_ =	strace s3  }
0x97: {  	_ =	strace $0x8FFFFFFF  }
0x98: {  	s19 =	sld [smem:$0x3FDB];
	_ =	sdelay $0x1  }
0x99: {  	s4 =	simm.s32 $_scs_section_size  }
0x9a: {  	s5 =	simm.s32 $_size__tile_overlayer_lowered;
	s6 =	simm.s32 $_tile_overlayer_lowered  }
0x9b: {  	s22 =	simm.s32 $0x1BFF;
	s21 =	sshll.u32 s6, $0x1;
	s3 =	sadd.s32 s4, s19  }
0x9c: {  	s7 =	simm.s32 $0x0;
	s20 =	sshll.u32 s5, $0x1;
	s5 =	sadd.s32 s21, s3  }
0x9d: {  	[timem:s7], [sflag:s22] =	dma.local [hbm:s5], s20  }
0x9e: {  	_ =	swait.ge [sflag:s22], s20  }
0x9f: {  	s4 =	ssub.s32 $0x0, s20;
	[sflag:s22] =	ssyncset.done $0x0  }
0xa0: {  	[sflag:s22] =	ssyncadd.s32 s4;
	_ =	sdelay $0x1  }
0xa1: {  	s23 =	simm.s32 $0x1B8B  }
0xa2: {  	_ =	swait.ge [sflag:s23], $0x1  }
0xa3: {  	[sflag:s23] =	ssyncset.done $0x0  }
0xa4: {  	s25 =	simm.s32 $0x1B8E;
	s24 =	sld [smem:$0x3FFE];
	[sflag:s23] =	ssyncadd.s32 $0xFFFFFFFF  }
0xa5: {  	s26 =	simm.s32 $execute0_lowered;
	[smem:$0x3FD2] =	sst s25  }
0xa6: {  	s5 =	sshll.u32 s26, $0x1;
	_ =	strace $0x80000049;
	[dreg:$0x1] =	wrdreg $0xFFFFFFFF  }
0xa7: {  	s28 =	simm.s32 $_size_execute0_lowered;
	s3 =	sadd.s32 s3, s5;
	[dreg:$0x0] =	wrdreg $0x0  }
0xa8: {  	s5 =	sshll.u32 s28, $0x1;
	[dreg:$0x2] =	wrdreg s3  }
0xa9: {  	[dreg:$0x3] =	wrdreg s5  }
0xaa: {  	[dreg:$0x4] =	wrdreg $0xC0  }
0xab: {  	_ =	task [dreg:s7], $0x5FFFF  }
0xac: {  	[dreg:$0x1] =	wrdreg $0xFFFFFFFF  }
0xad: {  	[dreg:$0x0] =	wrdreg $0x60  }
0xae: {  	[dreg:$0x2] =	wrdreg s2  }
0xaf: {  	[dreg:$0x3] =	wrdreg s24  }
0xb0: {  	[dreg:$0x4] =	wrdreg $0xC3000  }
0xb1: {  	[dreg:$0x5] =	wrdreg $0x9  }
0xb2: {  	_ =	task.clear_ibuf [dreg:s7], $0x6FFFF;
	_ =	strace $0x90000049  }
0xb3: {  	s29 =	simm.s32 $0x9;
	_ =	strace $0x8000004B  }
0xb4: {  	_ =	swait.ge [sflag:s29], $0x1  }
0xb5: {  	[sflag:s29] =	ssyncadd.s32 $0xFFFFFFFF  }
0xb6: {  	_ =	strace $0x9000004B  }
0xb7: {  	_ =	sfence  }
0xb8: {  	s30 =	sld [smem:$0x0];
	_ =	sdelay $0x2  }
0xb9: {  	s31 =	sshll.u32 s1, $0xD;
	s1 =	sshrl.u32 s1, $0x2  }
0xba: {  	s3 =	sand.u32 $0x4000, s31;
	s1 =	sadd.s32 s1, s30  }
0xbb: {  	s0 =	sor.u32 s3, s0;
	s1 =	sshll.u32 s1, $0x11  }
0xbc: {  	s0 =	sor.u32 s1, s0  }
0xbd: {  	s0 =	sadd.s32 $0x8F2B, s0  }
0xbe: {  	[sflag:s0] =	ssyncadd.remote.s32 $0x1  }
0xbf: {  	_ =	sfence.sel $0xFFFF  }
0xc0: {  	[dreg:$0x0] =	wrdreg $0xFFFFFFFF;
	(pc) =	sbr.abs _section_cstart, $3  }
0xc1: {  	[dreg:$0x1] =	wrdreg $0xFFFFFFFF  }
0xc2: {  	_ =	task.clear_ibuf [dreg:s7], $0x2FFFF;
	_ =	strace $0x9FFFFFFF  }
0xc3: {  	(tm) =	ssettm $0x7FFFFFFF  }
tec
execute0_lowered:
.L_overlay_start_1:
0x0: {  	(tag) =	ssettag $0x1  }
0x1: {  	s0 =	rddreg [dreg:$0x0]  }
0x2: {  	s1 =	rddreg [dreg:$0x1];
	s2 =	srdreg.scid  }
0x3: {  	s3 =	rddreg [dreg:$0x2];
	s11 =	stileid.u32;
	s4 =	simm.s32 $0x0  }
0x4: {  	s28 =	simm.s32 $0x2;
	s29 =	simm.s32 $0x180;
	s6 =	smul.u32 $0x13C00, s11  }
0x5: {  	s30 =	simm.s32 $0x3;
	s31 =	simm.s32 $0x280;
	s8 =	smul.u32 $0x4E200, s11  }
0x6: {  	s2 =	sand.u32 $0x1, s2;
	[smem:$0x7FF] =	sst s4;
	s20 =	smul.u32 $0x5200, s11  }
0x7: {  	s5 =	smul.u32 $0x13C000, s2;
	_ =	strace $0x8000004A;
	s7 =	sshll.u32 s2, $0x4  }
0x8: {  	s19 =	ssub.s32 $0x2, s2;
	s2 =	smul.u32 $0x52000, s2;
	s18 =	sor.u32 s11, s7  }
0x9: {  	s8 =	sshrl.u32 s8, $0x2;
	s9 =	sshrl.u32 s19, $0x1;
	s5 =	sadd.s32 s6, s5  }
0xa: {  	s10 =	smul.u32 $0x5200, s18;
	s7 =	ssub.s32 s19, s9;
	s2 =	sadd.s32 s20, s2  }
0xb: {  	s19 =	simm.s32 $0x300;
	s20 =	simm.s32 $0x4;
	s6 =	sshrl.u32 s5, $0x3  }
0xc: {  	s5 =	sadd.s32 $0x1C00, s1;
	s25 =	sadd.s32 $0x400, s2;
	s15 =	smax.u32 s7, $0x1  }
0xd: {  	s18 =	sadd.s32 $0x300, s2;
	s1 =	sadd.s32 s6, s1;
	s6 =	sadd.s32 s8, s3  }
0xe: {  	s23 =	sshrl.u32 s10, $0x3;
	s26 =	sshrl.u32 s25, $0x3;
	s25 =	simm.s32 $0x8300  }
0xf: {  	s8 =	sadd.s32 $0x4000, s6;
	s21 =	sadd.s32 $0x8000, s6;
	s22 =	sadd.s32 $0xC000, s6  }
0x10: {  	s10 =	sadd.s32 $0x10000, s6;
	s11 =	sadd.s32 s5, s23;
	s14 =	sadd.s32 $0x16400, s1  }
0x11: {  	s17 =	sadd.s32 s26, s5;
	s23 =	simm.s32 $0x4300;
	[dreg:$0x4] =	wrdreg s8  }
0x12: {  	s26 =	simm.s32 $0x1;
	s1 =	simm.s32 $0x0;
	[dreg:$0x5] =	wrdreg s21  }
0x13: {  	[dreg:$0x6] =	wrdreg s22;
	s12 =	sadd.s32 $0x20, s11;
	s8 =	sadd.s32 $0x500, s2  }
0x14: {  	s13 =	sadd.s32 $0x40, s11;
	s21 =	simm.s32 $0x80;
	s24 =	sshrl.u32 s8, $0x3  }
0x15: {  	v0 =	vimm.f32 $0.0e+00;
	s22 =	simm.s32 $0x100;
	s16 =	sadd.s32 s24, s5;
	s24 =	simm.s32 $0x200  }
.LBB2_1:
0x16: {  	s2 =	simm.s32 $0x0;
	s7 =	simm.s32 $0x200  }
.LBB2_2:
0x17: {  	p0 =	sne.s32 s7, $0xFE00;
	[tilespmem:s2+$0x370] =	vst v0  }
0x18: {  	[tilespmem:s2+$0x300] =	vst v0  }
0x19: {  	[tilespmem:s2+$0x310] =	vst v0  }
.Ltmp0:
0x1a: {  	[tilespmem:s2+$0x320] =	vst v0;
	(pc) =	sbr.rel @p0 .LBB2_2-.Ltmp0, $4  }
0x1b: {  	[tilespmem:s2+$0x330] =	vst v0  }
0x1c: {  	[tilespmem:s2+$0x340] =	vst v0  }
0x1d: {  	[tilespmem:s2+$0x350] =	vst v0  }
0x1e: {  	[tilespmem:s2+$0x360] =	vst v0;
	s2 =	sshra.s32 s7, $0x2;
	s7 =	sadd.s32 $0x200, s7  }
0x1f: {  	[tilespmem:s2+$0x370] =	vst v0  }
0x20: {  	[tilespmem:s2+$0x300] =	vst v0  }
0x21: {  	[tilespmem:s2+$0x310] =	vst v0  }
0x22: {  	[tilespmem:s2+$0x320] =	vst v0  }
0x23: {  	[tilespmem:s2+$0x330] =	vst v0  }
0x24: {  	[tilespmem:s2+$0x340] =	vst v0  }
0x25: {  	[tilespmem:s2+$0x350] =	vst v0  }
0x26: {  	[tilespmem:s2+$0x360] =	vst v0  }
0x27: {  	[spmem:s6] =	stream.linear.scatter [tilespmem:s19], [sflag:$0x4], $0x4000, $0x38;
	[tilespmem:$0x1FBC0] =	vst v63  }
0x28: {  	_ =	swait.ge [sflag:s20], $0x4000  }
0x29: {  	[sflag:s20] =	ssyncset.done $0x0  }
0x2a: {  	s9 =	rddreg [dreg:$0x4];
	[sflag:s20] =	ssyncadd.s32 $0xFFFFC000  }
0x2b: {  	[spmem:s9] =	stream.linear.scatter [tilespmem:s19], [sflag:$0x4], $0x4000, $0x38;
	[tilespmem:$0x1FBC0] =	vst v63  }
0x2c: {  	_ =	swait.ge [sflag:s20], $0x4000  }
0x2d: {  	[sflag:s20] =	ssyncset.done $0x0  }
0x2e: {  	s7 =	rddreg [dreg:$0x5];
	[sflag:s20] =	ssyncadd.s32 $0xFFFFC000  }
0x2f: {  	[spmem:s7] =	stream.linear.scatter [tilespmem:s19], [sflag:$0x4], $0x4000, $0x38;
	[tilespmem:$0x1FBC0] =	vst v63  }
0x30: {  	_ =	swait.ge [sflag:s20], $0x4000  }
0x31: {  	[sflag:s20] =	ssyncset.done $0x0  }
0x32: {  	s8 =	rddreg [dreg:$0x6];
	[sflag:s20] =	ssyncadd.s32 $0xFFFFC000  }
0x33: {  	[spmem:s8] =	stream.linear.scatter [tilespmem:s19], [sflag:$0x4], $0x4000, $0x38;
	[tilespmem:$0x1FBC0] =	vst v63  }
0x34: {  	_ =	swait.ge [sflag:s20], $0x4000  }
0x35: {  	[sflag:s20] =	ssyncset.done $0x0  }
0x36: {  	[sflag:s20] =	ssyncadd.s32 $0xFFFFC000  }
0x37: {  	[spmem:s10] =	stream.linear.scatter [tilespmem:s19], [sflag:$0x4], $0x3880, $0x38;
	[tilespmem:$0x1FBC0] =	vst v63  }
0x38: {  	_ =	swait.ge [sflag:s20], $0x3880  }
0x39: {  	[sflag:s20] =	ssyncset.done $0x0  }
0x3a: {  	[sflag:s20] =	ssyncadd.s32 $0xFFFFC780  }
0x3b: {  	s9 =	simm.s32 $0x0;
	[bflag:$0x0] =	sbarrier.arrive $0xFFFF  }
0x3c: {  	[tilespmem:s9], [sflag:$0x4] =	stream.linear.gather [hbm4b:s11+s9], $0x100, $0x38;
	[tilespmem:$0x1FBC0] =	vst v63  }
0x3d: {  	_ =	swait.ge [sflag:s20], $0x100  }
0x3e: {  	[sflag:s20] =	ssyncset.done $0x0  }
0x3f: {  	[sflag:s20] =	ssyncadd.s32 $0xFFFFFF00  }
0x40: {  	[tilespmem:s19], [sflag:$0x1] =	stream.indirect.gather [hbm4b:s0+s21], $0x80, s9, s21, $0xb8;
	[tilespmem:$0x1FBC0] =	vst v63  }
0x41: {  	_ = 	snop  }
0x42: {  	[tilespmem:s22], [sflag:$0x4] =	stream.linear.gather [hbm4b:s12+s9], $0x100, $0x38;
	[tilespmem:$0x1FBC0] =	vst v63  }
0x43: {  	_ =	swait.ge [sflag:s20], $0x100  }
0x44: {  	[sflag:s20] =	ssyncset.done $0x0  }
0x45: {  	[sflag:s20] =	ssyncadd.s32 $0xFFFFFF00  }
0x46: {  	[tilespmem:s23], [sflag:$0x2] =	stream.indirect.gather [hbm4b:s0+s21], $0x80, s22, s21, $0xb8;
	[tilespmem:$0x1FBC0] =	vst v63  }
0x47: {  	_ = 	snop  }
0x48: {  	[tilespmem:s24], [sflag:$0x4] =	stream.linear.gather [hbm4b:s13+s9], $0x100, $0x38;
	[tilespmem:$0x1FBC0] =	vst v63  }
0x49: {  	_ =	swait.ge [sflag:s20], $0x100  }
0x4a: {  	[sflag:s20] =	ssyncset.done $0x0  }
0x4b: {  	[sflag:s20] =	ssyncadd.s32 $0xFFFFFF00  }
0x4c: {  	[tilespmem:s25], [sflag:$0x3] =	stream.indirect.gather [hbm4b:s0+s21], $0x80, s24, s21, $0xb8;
	[tilespmem:$0x1FBC0] =	vst v63  }
0x4d: {  	_ =	swait.ge [sflag:s26], $0x4000  }
0x4e: {  	[sflag:s26] =	ssyncset.done $0x0  }
0x4f: {  	[sflag:s26] =	ssyncadd.s32 $0xFFFFC000  }
0x50: {  	[spmem:s3] =	stream.indirect.scatter.add.f32 [tilespmem:s19], [sflag:$0x4], $0x80, s21, s21, $0xb8;
	[tilespmem:$0x1FBC0] =	vst v63  }
0x51: {  	_ =	swait.ge [sflag:s20], $0x4000  }
0x52: {  	s7 =	sshrl.u32 s18, $0x3;
	[sflag:s20] =	ssyncset.done $0x0  }
0x53: {  	s2 =	sadd.s32 s5, s7;
	[sflag:s20] =	ssyncadd.s32 $0xFFFFC000  }
0x54: {  	[tilespmem:s4], [sflag:$0x4] =	stream.linear.gather [hbm4b:s2+s4], $0x100, $0x38;
	[tilespmem:$0x1FBC0] =	vst v63  }
0x55: {  	_ =	swait.ge [sflag:s20], $0x100  }
0x56: {  	[sflag:s20] =	ssyncset.done $0x0  }
0x57: {  	[sflag:s20] =	ssyncadd.s32 $0xFFFFFF00  }
0x58: {  	[tilespmem:s19], [sflag:$0x1] =	stream.indirect.gather [hbm4b:s0+s21], $0x80, s4, s21, $0xb8;
	[tilespmem:$0x1FBC0] =	vst v63  }
0x59: {  	_ =	swait.ge [sflag:s28], $0x4000  }
0x5a: {  	[sflag:s28] =	ssyncset.done $0x0  }
0x5b: {  	[sflag:s28] =	ssyncadd.s32 $0xFFFFC000  }
0x5c: {  	[spmem:s3] =	stream.indirect.scatter.add.f32 [tilespmem:s23], [sflag:$0x4], $0x80, s29, s21, $0xb8;
	[tilespmem:$0x1FBC0] =	vst v63  }
0x5d: {  	_ =	swait.ge [sflag:s20], $0x4000  }
0x5e: {  	[sflag:s20] =	ssyncset.done $0x0  }
0x5f: {  	s8 =	sadd.s32 $0x0, s17;
	[sflag:s20] =	ssyncadd.s32 $0xFFFFC000  }
0x60: {  	[tilespmem:s22], [sflag:$0x4] =	stream.linear.gather [hbm4b:s8+s4], $0x100, $0x38;
	[tilespmem:$0x1FBC0] =	vst v63  }
0x61: {  	_ =	swait.ge [sflag:s20], $0x100  }
0x62: {  	[sflag:s20] =	ssyncset.done $0x0  }
0x63: {  	[sflag:s20] =	ssyncadd.s32 $0xFFFFFF00  }
0x64: {  	[tilespmem:s23], [sflag:$0x2] =	stream.indirect.gather [hbm4b:s0+s21], $0x80, s22, s21, $0xb8;
	[tilespmem:$0x1FBC0] =	vst v63  }
0x65: {  	_ =	swait.ge [sflag:s30], $0x4000  }
0x66: {  	[sflag:s30] =	ssyncset.done $0x0  }
0x67: {  	[sflag:s30] =	ssyncadd.s32 $0xFFFFC000  }
0x68: {  	[spmem:s3] =	stream.indirect.scatter.add.f32 [tilespmem:s25], [sflag:$0x4], $0x80, s31, s21, $0xb8;
	[tilespmem:$0x1FBC0] =	vst v63  }
0x69: {  	_ =	swait.ge [sflag:s20], $0x4000  }
0x6a: {  	[sflag:s20] =	ssyncset.done $0x0  }
0x6b: {  	s9 =	sadd.s32 $0x0, s16;
	[sflag:s20] =	ssyncadd.s32 $0xFFFFC000  }
0x6c: {  	[tilespmem:s24], [sflag:$0x4] =	stream.linear.gather [hbm4b:s9+s4], $0x100, $0x38;
	[tilespmem:$0x1FBC0] =	vst v63  }
0x6d: {  	_ =	swait.ge [sflag:s20], $0x100  }
0x6e: {  	[sflag:s20] =	ssyncset.done $0x0  }
0x6f: {  	s7 =	sadd.s32 $0x300, s18;
	s2 =	simm.s32 $0x60;
	[sflag:s20] =	ssyncadd.s32 $0xFFFFFF00  }
.LBB2_4:
0x70: {  	[tilespmem:s25], [sflag:$0x3] =	stream.indirect.gather [hbm4b:s0+s21], $0x80, s24, s21, $0xb8;
	[tilespmem:$0x1FBC0] =	vst v63  }
0x71: {  	s8 =	smov.u32 s2  }
0x72: {  	p0 =	sne.s32 s2, $0x960;
	s2 =	sadd.s32 $0x60, s2;
	_ =	swait.ge [sflag:s26], $0x4000  }
0x73: {  	[sflag:s26] =	ssyncset.done $0x0  }
0x74: {  	[sflag:s26] =	ssyncadd.s32 $0xFFFFC000  }
0x75: {  	[spmem:s3] =	stream.indirect.scatter.add.f32 [tilespmem:s19], [sflag:$0x4], $0x80, s21, s21, $0xb8;
	[tilespmem:$0x1FBC0] =	vst v63  }
0x76: {  	_ =	swait.ge [sflag:s20], $0x4000  }
0x77: {  	s9 =	sshrl.u32 s7, $0x3;
	[sflag:s20] =	ssyncset.done $0x0  }
0x78: {  	s9 =	sadd.s32 s5, s9;
	[sflag:s20] =	ssyncadd.s32 $0xFFFFC000  }
0x79: {  	[tilespmem:s4], [sflag:$0x4] =	stream.linear.gather [hbm4b:s9+s4], $0x100, $0x38;
	[tilespmem:$0x1FBC0] =	vst v63  }
0x7a: {  	_ =	swait.ge [sflag:s20], $0x100  }
0x7b: {  	[sflag:s20] =	ssyncset.done $0x0  }
0x7c: {  	[sflag:s20] =	ssyncadd.s32 $0xFFFFFF00  }
0x7d: {  	[tilespmem:s19], [sflag:$0x1] =	stream.indirect.gather [hbm4b:s0+s21], $0x80, s4, s21, $0xb8;
	[tilespmem:$0x1FBC0] =	vst v63  }
0x7e: {  	_ =	swait.ge [sflag:s28], $0x4000  }
0x7f: {  	[sflag:s28] =	ssyncset.done $0x0  }
0x80: {  	[sflag:s28] =	ssyncadd.s32 $0xFFFFC000  }
0x81: {  	[spmem:s3] =	stream.indirect.scatter.add.f32 [tilespmem:s23], [sflag:$0x4], $0x80, s29, s21, $0xb8;
	[tilespmem:$0x1FBC0] =	vst v63  }
0x82: {  	_ =	swait.ge [sflag:s20], $0x4000  }
0x83: {  	[sflag:s20] =	ssyncset.done $0x0  }
0x84: {  	s9 =	sadd.s32 s8, s17;
	[sflag:s20] =	ssyncadd.s32 $0xFFFFC000  }
0x85: {  	[tilespmem:s22], [sflag:$0x4] =	stream.linear.gather [hbm4b:s9+s4], $0x100, $0x38;
	[tilespmem:$0x1FBC0] =	vst v63  }
0x86: {  	_ =	swait.ge [sflag:s20], $0x100  }
0x87: {  	[sflag:s20] =	ssyncset.done $0x0  }
0x88: {  	[sflag:s20] =	ssyncadd.s32 $0xFFFFFF00  }
0x89: {  	[tilespmem:s23], [sflag:$0x2] =	stream.indirect.gather [hbm4b:s0+s21], $0x80, s22, s21, $0xb8;
	[tilespmem:$0x1FBC0] =	vst v63  }
0x8a: {  	_ =	swait.ge [sflag:s30], $0x4000  }
0x8b: {  	[sflag:s30] =	ssyncset.done $0x0  }
0x8c: {  	[sflag:s30] =	ssyncadd.s32 $0xFFFFC000  }
0x8d: {  	[spmem:s3] =	stream.indirect.scatter.add.f32 [tilespmem:s25], [sflag:$0x4], $0x80, s31, s21, $0xb8;
	[tilespmem:$0x1FBC0] =	vst v63  }
0x8e: {  	_ =	swait.ge [sflag:s20], $0x4000  }
0x8f: {  	[sflag:s20] =	ssyncset.done $0x0  }
.Ltmp1:
0x90: {  	s8 =	sadd.s32 s8, s16;
	[sflag:s20] =	ssyncadd.s32 $0xFFFFC000;
	(pc) =	sbr.rel @p0 .LBB2_4-.Ltmp1, $4  }
0x91: {  	[tilespmem:s24], [sflag:$0x4] =	stream.linear.gather [hbm4b:s8+s4], $0x100, $0x38;
	[tilespmem:$0x1FBC0] =	vst v63  }
0x92: {  	_ =	swait.ge [sflag:s20], $0x100  }
0x93: {  	[sflag:s20] =	ssyncset.done $0x0  }
0x94: {  	s7 =	sadd.s32 $0x300, s7;
	[sflag:s20] =	ssyncadd.s32 $0xFFFFFF00  }
0x95: {  	[tilespmem:s25], [sflag:$0x3] =	stream.indirect.gather [hbm4b:s0+s21], $0x80, s24, s21, $0xb8;
	[tilespmem:$0x1FBC0] =	vst v63  }
0x96: {  	_ =	swait.ge [sflag:s26], $0x4000  }
0x97: {  	[sflag:s26] =	ssyncset.done $0x0  }
0x98: {  	[sflag:s26] =	ssyncadd.s32 $0xFFFFC000  }
0x99: {  	[spmem:s3] =	stream.indirect.scatter.add.f32 [tilespmem:s19], [sflag:$0x4], $0x80, s21, s21, $0xb8;
	[tilespmem:$0x1FBC0] =	vst v63  }
0x9a: {  	_ =	swait.ge [sflag:s20], $0x4000  }
0x9b: {  	[sflag:s20] =	ssyncset.done $0x0  }
0x9c: {  	[sflag:s20] =	ssyncadd.s32 $0xFFFFC000  }
0x9d: {  	_ =	swait.ge [sflag:s28], $0x4000  }
0x9e: {  	[sflag:s28] =	ssyncset.done $0x0  }
0x9f: {  	[sflag:s28] =	ssyncadd.s32 $0xFFFFC000  }
0xa0: {  	[spmem:s3] =	stream.indirect.scatter.add.f32 [tilespmem:s23], [sflag:$0x4], $0x80, s29, s21, $0xb8;
	[tilespmem:$0x1FBC0] =	vst v63  }
0xa1: {  	_ =	swait.ge [sflag:s20], $0x4000  }
0xa2: {  	[sflag:s20] =	ssyncset.done $0x0  }
0xa3: {  	[sflag:s20] =	ssyncadd.s32 $0xFFFFC000  }
0xa4: {  	_ =	swait.ge [sflag:s30], $0x4000  }
0xa5: {  	[sflag:s30] =	ssyncset.done $0x0  }
0xa6: {  	[sflag:s30] =	ssyncadd.s32 $0xFFFFC000  }
0xa7: {  	[spmem:s3] =	stream.indirect.scatter.add.f32 [tilespmem:s25], [sflag:$0x4], $0x80, s31, s21, $0xb8;
	[tilespmem:$0x1FBC0] =	vst v63  }
0xa8: {  	s2 =	stileid.u32;
	_ =	swait.ge [sflag:s20], $0x4000  }
0xa9: {  	s7 =	sshrl.u32 s6, $0x3;
	s1 =	sadd.s32 $0x1, s1;
	[sflag:s20] =	ssyncset.done $0x0  }
0xaa: {  	s2 =	sshll.u32 s2, $0x6;
	p0 =	sne.s32 s1, s15;
	[sflag:s20] =	ssyncadd.s32 $0xFFFFC000  }
.Ltmp2:
0xab: {  	s2 =	sor.u32 $0x1C04, s2;
	[bflag:$0x0] =	sbarrier.arrive $0xFFFF;
	(pc) =	sbr.rel @p0 .LBB2_1-.Ltmp2, $4  }
0xac: {  	[hbm:s14], [sflag:s2] =	dma.local [spmem:s7], $0x2710  }
0xad: {  	_ =	swait.ge [sflag:s20], $0x2710  }
0xae: {  	[sflag:s20] =	ssyncset.done $0x0  }
0xaf: {  	[sflag:s20] =	ssyncadd.s32 $0xFFFFD8F0  }
0xb0: {  	_ =	sfence.sel $0x180000  }
0xb1: {  	[bflag:$0x0] =	sbarrier.arrive $0xFFFF  }
0xb2: {  	_ =	strace $0x9000004A  }
0xb3: {  	s0 =	stileid.u32;
	[bflag:$0x2] =	sbarrier.arrive $0xFFFF  }
0xb4: {  	p0 =	sne.s32 s0, $0x0;
	s0 =	rddreg [dreg:$0x3]  }
0xb5: {  	s0 =	sadd.s32 @!p0 $0x100000, s0  }
0xb6: {  	[sflag:s0] =	ssyncadd.tile.s32 @!p0 $0x1;
	_ =	shalt  }
.Lfunc_end2:
_tile_overlayer_lowered:
.L_overlay_start_2:
0xb7: {  	(tag) =	ssettag $0x2  }
0xb8: {  	s0 =	rddreg [dreg:$0x0];
	s2 =	stileid.u32  }
0xb9: {  	s1 =	rddreg [dreg:$0x1];
	p0 =	sne.s32 s2, $0x0  }
0xba: {  	s3 =	rddreg [dreg:$0x2];
	[bflag:$0x3] =	sbarrier.arrive $0xFFFF;
	s2 =	simm.s32 @!p0 $0x1C04  }
0xbb: {  	[timem:s3], [sflag:s2] =	dma.local @!p0 [hbm:s0], s1  }
0xbc: {  	s0 =	simm.s32 @!p0 $0x4  }
0xbd: {  	_ =	swait.ge @!p0 [sflag:s0], s1  }
0xbe: {  	s1 =	ssub.s32 @!p0 $0x0, s1;
	[sflag:s0] =	ssyncset.done @!p0 $0x0  }
0xbf: {  	[sflag:s0] =	ssyncadd.s32 @!p0 s1  }
0xc0: {  	[bflag:$0x3] =	sbarrier.arrive $0xFFFF  }
0xc1: {  	_ =	shalt  }

// kernel: kernel.15.cloned.1.call-start
scs
__scs_entry_jumppad:
0x0: {  	(pc) =	sbr.rel $0x88, $3  }
0x1: {  	(tag) =	ssettag $0x0;
	lr =	simm.s32 $0x1  }
0x2: {  	[smem:$0x3F9B] =	sst lr;
	_ =	strace $0xD0000000  }
0x3: {  	_ = 	snop  }
0x4: {  	_ = 	snop  }
0x5: {  	_ = 	snop  }
0x6: {  	_ = 	snop  }
0x7: {  	_ = 	snop  }
__scs_overlays_trampoline_lowered:
0x8: {  	[smem:$0x3FAA] =	sst s0  }
0x9: {  	[smem:$0x3FAB] =	sst s1  }
0xa: {  	[smem:$0x3FAC] =	sst s2  }
0xb: {  	[smem:$0x3FAD] =	sst s3  }
0xc: {  	[smem:$0x3FAE] =	sst s4  }
0xd: {  	[smem:$0x3FAF] =	sst s5  }
0xe: {  	[smem:$0x3FB0] =	sst s6  }
0xf: {  	[smem:$0x3FB1] =	sst s7  }
0x10: {  	[smem:$0x3FB2] =	sst s8  }
0x11: {  	[smem:$0x3FB3] =	sst s9;
	s0 =	simm.s32 @!p0 $0x0  }
0x12: {  	s1 =	sld [smem:$0x3F99];
	s0 =	simm.s32 @p0 $0x1  }
0x13: {  	[smem:$0x3FB4] =	sst s0;
	s0 =	simm.s32 @!p1 $0x0  }
0x14: {  	s2 =	sld [smem:$0x3F98];
	s0 =	simm.s32 @p1 $0x1  }
0x15: {  	[smem:$0x3FB5] =	sst s0;
	s0 =	simm.s32 @!p2 $0x0  }
0x16: {  	s3 =	sld [smem:$0x3FDB];
	s0 =	simm.s32 @p2 $0x1  }
0x17: {  	s4 =	simm.s32 $0x1BF5;
	[smem:$0x3FB7] =	sst s0  }
0x18: {  	s0 =	sld [smem:$0x3F9A];
	_ =	swait.ge [sflag:s4], $0x0  }
0x19: {  	s7 =	sld [smem:$0x3F9B]  }
0x1a: {  	s8 =	sadd.s32 $0xFFFFE003, lr  }
0x1b: {  	s9 =	sadd.s32 $0xFFFFFEF7, lr;
	s5 =	simm.s32 $0xFFFFFFFF;
	p2 =	slt.u32 s8, $0xFFFFF086  }
0x1c: {  	p1 =	slt.u32 s9, $0xF7A;
	s5 =	simm.s32 @!p2 $0x0  }
0x1d: {  	s5 =	simm.s32 @p1 $0x1;
	p0 =	seq.s32 s7, s2  }
0x1e: {  	s7 =	smul.u32 @!p0 $0xF7A, s2;
	p2 =	seq.s32 @!p0 s5, $0x0  }
0x1f: {  	s9 =	smul.u32 $0xF7A, s1;
	s8 =	simm.s32 @!p0 $0x1BF5;
	p2 =	por !p2, p0  }
0x20: {  	[sflag:s8] =	ssyncset.s32 @!p0 $0xFFFFF086;
	s6 =	sadd.s32 @!p0 s3, s7;
	s7 =	simm.s32 @!p0 $0x108  }
0x21: {  	s3 =	sadd.s32 s3, s9;
	s6 =	sadd.s32 @!p0 $0x88, s6;
	s7 =	simm.s32 @p2 $0x1082  }
0x22: {  	[simem:s7], [sflag:s8] =	dma.local @!p0 [hbm:s6], $0xF7A  }
0x23: {  	s9 =	sor.u32 $0xD0000000, s2;
	s6 =	simm.s32 $0x108;
	_ =	swait.ge @!p0 [sflag:s8], $0x0  }
0x24: {  	s3 =	sadd.s32 $0x88, s3;
	s6 =	simm.s32 @!p1 $0x1082;
	[sflag:s4] =	ssyncset.s32 $0xFFFFF086  }
0x25: {  	[simem:s6], [sflag:s4] =	dma.local [hbm:s3], $0xF7A  }
0x26: {  	[smem:$0x3F9B] =	sst s1;
	(tag) =	ssettag s2;
	_ =	strace s9  }
0x27: {  	s1 =	sld [smem:$0x3FAB]  }
0x28: {  	s2 =	sld [smem:$0x3FAC]  }
0x29: {  	s4 =	sld [smem:$0x3FAE]  }
0x2a: {  	p0 =	seq.s32 s5, $0x0;
	s5 =	sld [smem:$0x3FAF]  }
0x2b: {  	s6 =	sld [smem:$0x3FB0]  }
0x2c: {  	s7 =	sld [smem:$0x3FB1]  }
0x2d: {  	s3 =	simm.s32 $0x108;
	s8 =	sld [smem:$0x3FB2]  }
0x2e: {  	s3 =	simm.s32 @!p0 $0x1082;
	s9 =	sld [smem:$0x3FB3]  }
0x2f: {  	lr =	sadd.s32 s0, s3;
	s0 =	sld [smem:$0x3FAA]  }
0x30: {  	s3 =	sld [smem:$0x3FAD]  }
0x31: {  	[smem:$0x3FB6] =	sst s10  }
0x32: {  	s10 =	sld [smem:$0x3FB4];
	_ =	sdelay $0x3  }
0x33: {  	p0 =	seq.s32 s10, $0x1;
	s10 =	sld [smem:$0x3FB6];
	_ =	sdelay $0x3  }
0x34: {  	[smem:$0x3FB6] =	sst s10  }
0x35: {  	s10 =	sld [smem:$0x3FB5];
	_ =	sdelay $0x3  }
0x36: {  	p1 =	seq.s32 s10, $0x1;
	s10 =	sld [smem:$0x3FB6];
	_ =	sdelay $0x3  }
0x37: {  	[smem:$0x3FB6] =	sst s10  }
0x38: {  	s10 =	sld [smem:$0x3FB7]  }
0x39: {  	_ = 	snop;
	(pc) =	sbr.ind lr, $3  }
0x3a: {  	_ = 	snop  }
0x3b: {  	_ = 	snop  }
0x3c: {  	p2 =	seq.s32 s10, $0x1;
	s10 =	sld [smem:$0x3FB6]  }
0x3d: {  	_ =	shalt  }
0x3e: {  	_ =	shalt  }
0x3f: {  	_ =	shalt  }
0x40: {  	_ =	shalt  }
0x41: {  	_ =	shalt  }
0x42: {  	_ =	shalt  }
0x43: {  	_ =	shalt  }
0x44: {  	_ =	shalt  }
0x45: {  	_ =	shalt  }
0x46: {  	_ =	shalt  }
0x47: {  	_ =	shalt  }
0x48: {  	_ =	shalt  }
0x49: {  	_ =	shalt  }
0x4a: {  	_ =	shalt  }
0x4b: {  	_ =	shalt  }
0x4c: {  	_ =	shalt  }
0x4d: {  	_ =	shalt  }
0x4e: {  	_ =	shalt  }
0x4f: {  	_ =	shalt  }
0x50: {  	_ =	shalt  }
0x51: {  	_ =	shalt  }
0x52: {  	_ =	shalt  }
0x53: {  	_ =	shalt  }
0x54: {  	_ =	shalt  }
0x55: {  	_ =	shalt  }
0x56: {  	_ =	shalt  }
0x57: {  	_ =	shalt  }
0x58: {  	_ =	shalt  }
0x59: {  	_ =	shalt  }
0x5a: {  	_ =	shalt  }
0x5b: {  	_ =	shalt  }
0x5c: {  	_ =	shalt  }
0x5d: {  	_ =	shalt  }
0x5e: {  	_ =	shalt  }
0x5f: {  	_ =	shalt  }
0x60: {  	_ =	shalt  }
0x61: {  	_ =	shalt  }
0x62: {  	_ =	shalt  }
0x63: {  	_ =	shalt  }
0x64: {  	_ =	shalt  }
0x65: {  	_ =	shalt  }
0x66: {  	_ =	shalt  }
0x67: {  	_ =	shalt  }
0x68: {  	_ =	shalt  }
0x69: {  	_ =	shalt  }
0x6a: {  	_ =	shalt  }
0x6b: {  	_ =	shalt  }
0x6c: {  	_ =	shalt  }
0x6d: {  	_ =	shalt  }
0x6e: {  	_ =	shalt  }
0x6f: {  	_ =	shalt  }
0x70: {  	_ =	shalt  }
0x71: {  	_ =	shalt  }
0x72: {  	_ =	shalt  }
0x73: {  	_ =	shalt  }
0x74: {  	_ =	shalt  }
0x75: {  	_ =	shalt  }
0x76: {  	_ =	shalt  }
0x77: {  	_ =	shalt  }
0x78: {  	_ =	shalt  }
0x79: {  	_ =	shalt  }
0x7a: {  	_ =	shalt  }
0x7b: {  	_ =	shalt  }
0x7c: {  	_ =	shalt  }
0x7d: {  	_ =	shalt  }
0x7e: {  	_ =	shalt  }
0x7f: {  	_ =	shalt  }
0x80: {  	_ =	shalt  }
0x81: {  	_ =	shalt  }
0x82: {  	_ =	shalt  }
0x83: {  	_ =	shalt  }
0x84: {  	_ =	shalt  }
0x85: {  	_ =	shalt  }
0x86: {  	_ =	shalt  }
0x87: {  	_ =	shalt  }
.Lfunc_end0:
.L_simem_size_0:
called_computation.2_lowered:
.L_overlay_start_0:
0x88: {  	s2 =	sld [smem:$0x3FD9]  }
0x89: {  	s3 =	sld [smem:$0x3FFE];
	_ =	sdelay $0x1  }
0x8a: {  	s1 =	srdreg.scid  }
0x8b: {  	s0 =	sand.u32 $0x1, s1  }
0x8c: {  	s17 =	sshll.u32 s0, $0xA;
	s2 =	sadd.s32 s3, s2  }
0x8d: {  	s2 =	sadd.s32 s2, s17  }
0x8e: {  	[smem:$0x3FC2] =	sst s2  }
0x8f: {  	_ = 	snop  }
0x90: {  	s2 =	sld [smem:$0x3FD0];
	(tm) =	ssettm $0x1  }
0x91: {  	s18 =	sld [smem:$0x3FFB];
	_ =	sdelay $0x3  }
0x92: {  	_ =	strace s18  }
0x93: {  	s3 =	sld [smem:$0x3FFC];
	_ =	sdelay $0x3  }
0x94: {  	_ =	strace s3  }
0x95: {  	s3 =	sld [smem:$0x3FFD];
	_ =	sdelay $0x3  }
0x96: {  	_ =	strace s3  }
0x97: {  	_ =	strace $0x8FFFFFFF  }
0x98: {  	s19 =	sld [smem:$0x3FDB];
	_ =	sdelay $0x1  }
0x99: {  	s4 =	simm.s32 $_scs_section_size  }
0x9a: {  	s5 =	simm.s32 $_size__tile_overlayer_lowered;
	s6 =	simm.s32 $_tile_overlayer_lowered  }
0x9b: {  	s22 =	simm.s32 $0x1BFF;
	s21 =	sshll.u32 s6, $0x1;
	s3 =	sadd.s32 s4, s19  }
0x9c: {  	s7 =	simm.s32 $0x0;
	s20 =	sshll.u32 s5, $0x1;
	s5 =	sadd.s32 s21, s3  }
0x9d: {  	[timem:s7], [sflag:s22] =	dma.local [hbm:s5], s20  }
0x9e: {  	_ =	swait.ge [sflag:s22], s20  }
0x9f: {  	s4 =	ssub.s32 $0x0, s20;
	[sflag:s22] =	ssyncset.done $0x0  }
0xa0: {  	[sflag:s22] =	ssyncadd.s32 s4;
	_ =	sdelay $0x1  }
0xa1: {  	s23 =	simm.s32 $0x1B8B  }
0xa2: {  	_ =	swait.ge [sflag:s23], $0x1  }
0xa3: {  	[sflag:s23] =	ssyncset.done $0x0  }
0xa4: {  	s25 =	simm.s32 $0x1B8E;
	s24 =	sld [smem:$0x3FFE];
	[sflag:s23] =	ssyncadd.s32 $0xFFFFFFFF  }
0xa5: {  	s26 =	simm.s32 $execute0_lowered;
	[smem:$0x3FD2] =	sst s25  }
0xa6: {  	s5 =	sshll.u32 s26, $0x1;
	_ =	strace $0x8000004C;
	[dreg:$0x1] =	wrdreg $0xFFFFFFFF  }
0xa7: {  	s28 =	simm.s32 $_size_execute0_lowered;
	s3 =	sadd.s32 s3, s5;
	[dreg:$0x0] =	wrdreg $0x0  }
0xa8: {  	s5 =	sshll.u32 s28, $0x1;
	[dreg:$0x2] =	wrdreg s3  }
0xa9: {  	[dreg:$0x3] =	wrdreg s5  }
0xaa: {  	[dreg:$0x4] =	wrdreg $0xC0  }
0xab: {  	_ =	task [dreg:s7], $0x5FFFF  }
0xac: {  	[dreg:$0x1] =	wrdreg $0xFFFFFFFF  }
0xad: {  	[dreg:$0x0] =	wrdreg $0x60  }
0xae: {  	[dreg:$0x2] =	wrdreg s2  }
0xaf: {  	[dreg:$0x3] =	wrdreg s24  }
0xb0: {  	[dreg:$0x4] =	wrdreg $0xC3000  }
0xb1: {  	[dreg:$0x5] =	wrdreg $0x9  }
0xb2: {  	_ =	task.clear_ibuf [dreg:s7], $0x6FFFF;
	_ =	strace $0x9000004C  }
0xb3: {  	s29 =	simm.s32 $0x9;
	_ =	strace $0x8000004E  }
0xb4: {  	_ =	swait.ge [sflag:s29], $0x1  }
0xb5: {  	[sflag:s29] =	ssyncadd.s32 $0xFFFFFFFF  }
0xb6: {  	_ =	strace $0x9000004E  }
0xb7: {  	_ =	sfence  }
0xb8: {  	s30 =	sld [smem:$0x0];
	_ =	sdelay $0x2  }
0xb9: {  	s31 =	sshll.u32 s1, $0xD;
	s1 =	sshrl.u32 s1, $0x2  }
0xba: {  	s3 =	sand.u32 $0x4000, s31;
	s1 =	sadd.s32 s1, s30  }
0xbb: {  	s0 =	sor.u32 s3, s0;
	s1 =	sshll.u32 s1, $0x11  }
0xbc: {  	s0 =	sor.u32 s1, s0  }
0xbd: {  	s0 =	sadd.s32 $0x8F2B, s0  }
0xbe: {  	[sflag:s0] =	ssyncadd.remote.s32 $0x1  }
0xbf: {  	_ =	sfence.sel $0xFFFF  }
0xc0: {  	[dreg:$0x0] =	wrdreg $0xFFFFFFFF;
	(pc) =	sbr.abs _section_cstart, $3  }
0xc1: {  	[dreg:$0x1] =	wrdreg $0xFFFFFFFF  }
0xc2: {  	_ =	task.clear_ibuf [dreg:s7], $0x2FFFF;
	_ =	strace $0x9FFFFFFF  }
0xc3: {  	(tm) =	ssettm $0x7FFFFFFF  }
tec
execute0_lowered:
.L_overlay_start_1:
0x0: {  	(tag) =	ssettag $0x1  }
0x1: {  	s0 =	rddreg [dreg:$0x0]  }
0x2: {  	s1 =	rddreg [dreg:$0x1];
	s2 =	srdreg.scid  }
0x3: {  	s3 =	rddreg [dreg:$0x2];
	s11 =	stileid.u32;
	s4 =	simm.s32 $0x0  }
0x4: {  	s28 =	simm.s32 $0x2;
	s29 =	simm.s32 $0x180;
	s6 =	smul.u32 $0x13C00, s11  }
0x5: {  	s30 =	simm.s32 $0x3;
	s31 =	simm.s32 $0x280;
	s8 =	smul.u32 $0x4E200, s11  }
0x6: {  	s2 =	sand.u32 $0x1, s2;
	[smem:$0x7FF] =	sst s4;
	s20 =	smul.u32 $0x5200, s11  }
0x7: {  	s5 =	smul.u32 $0x13C000, s2;
	_ =	strace $0x8000004D;
	s7 =	sshll.u32 s2, $0x4  }
0x8: {  	s19 =	ssub.s32 $0x2, s2;
	s2 =	smul.u32 $0x52000, s2;
	s18 =	sor.u32 s11, s7  }
0x9: {  	s8 =	sshrl.u32 s8, $0x2;
	s9 =	sshrl.u32 s19, $0x1;
	s5 =	sadd.s32 s6, s5  }
0xa: {  	s10 =	smul.u32 $0x5200, s18;
	s7 =	ssub.s32 s19, s9;
	s2 =	sadd.s32 s20, s2  }
0xb: {  	s19 =	simm.s32 $0x300;
	s20 =	simm.s32 $0x4;
	s6 =	sshrl.u32 s5, $0x3  }
0xc: {  	s5 =	sadd.s32 $0x1C00, s1;
	s25 =	sadd.s32 $0x400, s2;
	s15 =	smax.u32 s7, $0x1  }
0xd: {  	s18 =	sadd.s32 $0x300, s2;
	s1 =	sadd.s32 s6, s1;
	s6 =	sadd.s32 s8, s3  }
0xe: {  	s23 =	sshrl.u32 s10, $0x3;
	s26 =	sshrl.u32 s25, $0x3;
	s25 =	simm.s32 $0x8300  }
0xf: {  	s8 =	sadd.s32 $0x4000, s6;
	s21 =	sadd.s32 $0x8000, s6;
	s22 =	sadd.s32 $0xC000, s6  }
0x10: {  	s10 =	sadd.s32 $0x10000, s6;
	s11 =	sadd.s32 s5, s23;
	s14 =	sadd.s32 $0x16400, s1  }
0x11: {  	s17 =	sadd.s32 s26, s5;
	s23 =	simm.s32 $0x4300;
	[dreg:$0x4] =	wrdreg s8  }
0x12: {  	s26 =	simm.s32 $0x1;
	s1 =	simm.s32 $0x0;
	[dreg:$0x5] =	wrdreg s21  }
0x13: {  	[dreg:$0x6] =	wrdreg s22;
	s12 =	sadd.s32 $0x20, s11;
	s8 =	sadd.s32 $0x500, s2  }
0x14: {  	s13 =	sadd.s32 $0x40, s11;
	s21 =	simm.s32 $0x80;
	s24 =	sshrl.u32 s8, $0x3  }
0x15: {  	v0 =	vimm.f32 $0.0e+00;
	s22 =	simm.s32 $0x100;
	s16 =	sadd.s32 s24, s5;
	s24 =	simm.s32 $0x200  }
.LBB2_1:
0x16: {  	s2 =	simm.s32 $0x0;
	s7 =	simm.s32 $0x200  }
.LBB2_2:
0x17: {  	p0 =	sne.s32 s7, $0xFE00;
	[tilespmem:s2+$0x370] =	vst v0  }
0x18: {  	[tilespmem:s2+$0x300] =	vst v0  }
0x19: {  	[tilespmem:s2+$0x310] =	vst v0  }
.Ltmp0:
0x1a: {  	[tilespmem:s2+$0x320] =	vst v0;
	(pc) =	sbr.rel @p0 .LBB2_2-.Ltmp0, $4  }
0x1b: {  	[tilespmem:s2+$0x330] =	vst v0  }
0x1c: {  	[tilespmem:s2+$0x340] =	vst v0  }
0x1d: {  	[tilespmem:s2+$0x350] =	vst v0  }
0x1e: {  	[tilespmem:s2+$0x360] =	vst v0;
	s2 =	sshra.s32 s7, $0x2;
	s7 =	sadd.s32 $0x200, s7  }
0x1f: {  	[tilespmem:s2+$0x370] =	vst v0  }
0x20: {  	[tilespmem:s2+$0x300] =	vst v0  }
0x21: {  	[tilespmem:s2+$0x310] =	vst v0  }
0x22: {  	[tilespmem:s2+$0x320] =	vst v0  }
0x23: {  	[tilespmem:s2+$0x330] =	vst v0  }
0x24: {  	[tilespmem:s2+$0x340] =	vst v0  }
0x25: {  	[tilespmem:s2+$0x350] =	vst v0  }
0x26: {  	[tilespmem:s2+$0x360] =	vst v0  }
0x27: {  	[spmem:s6] =	stream.linear.scatter [tilespmem:s19], [sflag:$0x4], $0x4000, $0x38;
	[tilespmem:$0x1FBC0] =	vst v63  }
0x28: {  	_ =	swait.ge [sflag:s20], $0x4000  }
0x29: {  	[sflag:s20] =	ssyncset.done $0x0  }
0x2a: {  	s9 =	rddreg [dreg:$0x4];
	[sflag:s20] =	ssyncadd.s32 $0xFFFFC000  }
0x2b: {  	[spmem:s9] =	stream.linear.scatter [tilespmem:s19], [sflag:$0x4], $0x4000, $0x38;
	[tilespmem:$0x1FBC0] =	vst v63  }
0x2c: {  	_ =	swait.ge [sflag:s20], $0x4000  }
0x2d: {  	[sflag:s20] =	ssyncset.done $0x0  }
0x2e: {  	s7 =	rddreg [dreg:$0x5];
	[sflag:s20] =	ssyncadd.s32 $0xFFFFC000  }
0x2f: {  	[spmem:s7] =	stream.linear.scatter [tilespmem:s19], [sflag:$0x4], $0x4000, $0x38;
	[tilespmem:$0x1FBC0] =	vst v63  }
0x30: {  	_ =	swait.ge [sflag:s20], $0x4000  }
0x31: {  	[sflag:s20] =	ssyncset.done $0x0  }
0x32: {  	s8 =	rddreg [dreg:$0x6];
	[sflag:s20] =	ssyncadd.s32 $0xFFFFC000  }
0x33: {  	[spmem:s8] =	stream.linear.scatter [tilespmem:s19], [sflag:$0x4], $0x4000, $0x38;
	[tilespmem:$0x1FBC0] =	vst v63  }
0x34: {  	_ =	swait.ge [sflag:s20], $0x4000  }
0x35: {  	[sflag:s20] =	ssyncset.done $0x0  }
0x36: {  	[sflag:s20] =	ssyncadd.s32 $0xFFFFC000  }
0x37: {  	[spmem:s10] =	stream.linear.scatter [tilespmem:s19], [sflag:$0x4], $0x3880, $0x38;
	[tilespmem:$0x1FBC0] =	vst v63  }
0x38: {  	_ =	swait.ge [sflag:s20], $0x3880  }
0x39: {  	[sflag:s20] =	ssyncset.done $0x0  }
0x3a: {  	[sflag:s20] =	ssyncadd.s32 $0xFFFFC780  }
0x3b: {  	s9 =	simm.s32 $0x0;
	[bflag:$0x0] =	sbarrier.arrive $0xFFFF  }
0x3c: {  	[tilespmem:s9], [sflag:$0x4] =	stream.linear.gather [hbm4b:s11+s9], $0x100, $0x38;
	[tilespmem:$0x1FBC0] =	vst v63  }
0x3d: {  	_ =	swait.ge [sflag:s20], $0x100  }
0x3e: {  	[sflag:s20] =	ssyncset.done $0x0  }
0x3f: {  	[sflag:s20] =	ssyncadd.s32 $0xFFFFFF00  }
0x40: {  	[tilespmem:s19], [sflag:$0x1] =	stream.indirect.gather [hbm4b:s0+s21], $0x80, s9, s21, $0xb8;
	[tilespmem:$0x1FBC0] =	vst v63  }
0x41: {  	_ = 	snop  }
0x42: {  	[tilespmem:s22], [sflag:$0x4] =	stream.linear.gather [hbm4b:s12+s9], $0x100, $0x38;
	[tilespmem:$0x1FBC0] =	vst v63  }
0x43: {  	_ =	swait.ge [sflag:s20], $0x100  }
0x44: {  	[sflag:s20] =	ssyncset.done $0x0  }
0x45: {  	[sflag:s20] =	ssyncadd.s32 $0xFFFFFF00  }
0x46: {  	[tilespmem:s23], [sflag:$0x2] =	stream.indirect.gather [hbm4b:s0+s21], $0x80, s22, s21, $0xb8;
	[tilespmem:$0x1FBC0] =	vst v63  }
0x47: {  	_ = 	snop  }
0x48: {  	[tilespmem:s24], [sflag:$0x4] =	stream.linear.gather [hbm4b:s13+s9], $0x100, $0x38;
	[tilespmem:$0x1FBC0] =	vst v63  }
0x49: {  	_ =	swait.ge [sflag:s20], $0x100  }
0x4a: {  	[sflag:s20] =	ssyncset.done $0x0  }
0x4b: {  	[sflag:s20] =	ssyncadd.s32 $0xFFFFFF00  }
0x4c: {  	[tilespmem:s25], [sflag:$0x3] =	stream.indirect.gather [hbm4b:s0+s21], $0x80, s24, s21, $0xb8;
	[tilespmem:$0x1FBC0] =	vst v63  }
0x4d: {  	_ =	swait.ge [sflag:s26], $0x4000  }
0x4e: {  	[sflag:s26] =	ssyncset.done $0x0  }
0x4f: {  	[sflag:s26] =	ssyncadd.s32 $0xFFFFC000  }
0x50: {  	[spmem:s3] =	stream.indirect.scatter.add.f32 [tilespmem:s19], [sflag:$0x4], $0x80, s21, s21, $0xb8;
	[tilespmem:$0x1FBC0] =	vst v63  }
0x51: {  	_ =	swait.ge [sflag:s20], $0x4000  }
0x52: {  	s7 =	sshrl.u32 s18, $0x3;
	[sflag:s20] =	ssyncset.done $0x0  }
0x53: {  	s2 =	sadd.s32 s5, s7;
	[sflag:s20] =	ssyncadd.s32 $0xFFFFC000  }
0x54: {  	[tilespmem:s4], [sflag:$0x4] =	stream.linear.gather [hbm4b:s2+s4], $0x100, $0x38;
	[tilespmem:$0x1FBC0] =	vst v63  }
0x55: {  	_ =	swait.ge [sflag:s20], $0x100  }
0x56: {  	[sflag:s20] =	ssyncset.done $0x0  }
0x57: {  	[sflag:s20] =	ssyncadd.s32 $0xFFFFFF00  }
0x58: {  	[tilespmem:s19], [sflag:$0x1] =	stream.indirect.gather [hbm4b:s0+s21], $0x80, s4, s21, $0xb8;
	[tilespmem:$0x1FBC0] =	vst v63  }
0x59: {  	_ =	swait.ge [sflag:s28], $0x4000  }
0x5a: {  	[sflag:s28] =	ssyncset.done $0x0  }
0x5b: {  	[sflag:s28] =	ssyncadd.s32 $0xFFFFC000  }
0x5c: {  	[spmem:s3] =	stream.indirect.scatter.add.f32 [tilespmem:s23], [sflag:$0x4], $0x80, s29, s21, $0xb8;
	[tilespmem:$0x1FBC0] =	vst v63  }
0x5d: {  	_ =	swait.ge [sflag:s20], $0x4000  }
0x5e: {  	[sflag:s20] =	ssyncset.done $0x0  }
0x5f: {  	s8 =	sadd.s32 $0x0, s17;
	[sflag:s20] =	ssyncadd.s32 $0xFFFFC000  }
0x60: {  	[tilespmem:s22], [sflag:$0x4] =	stream.linear.gather [hbm4b:s8+s4], $0x100, $0x38;
	[tilespmem:$0x1FBC0] =	vst v63  }
0x61: {  	_ =	swait.ge [sflag:s20], $0x100  }
0x62: {  	[sflag:s20] =	ssyncset.done $0x0  }
0x63: {  	[sflag:s20] =	ssyncadd.s32 $0xFFFFFF00  }
0x64: {  	[tilespmem:s23], [sflag:$0x2] =	stream.indirect.gather [hbm4b:s0+s21], $0x80, s22, s21, $0xb8;
	[tilespmem:$0x1FBC0] =	vst v63  }
0x65: {  	_ =	swait.ge [sflag:s30], $0x4000  }
0x66: {  	[sflag:s30] =	ssyncset.done $0x0  }
0x67: {  	[sflag:s30] =	ssyncadd.s32 $0xFFFFC000  }
0x68: {  	[spmem:s3] =	stream.indirect.scatter.add.f32 [tilespmem:s25], [sflag:$0x4], $0x80, s31, s21, $0xb8;
	[tilespmem:$0x1FBC0] =	vst v63  }
0x69: {  	_ =	swait.ge [sflag:s20], $0x4000  }
0x6a: {  	[sflag:s20] =	ssyncset.done $0x0  }
0x6b: {  	s9 =	sadd.s32 $0x0, s16;
	[sflag:s20] =	ssyncadd.s32 $0xFFFFC000  }
0x6c: {  	[tilespmem:s24], [sflag:$0x4] =	stream.linear.gather [hbm4b:s9+s4], $0x100, $0x38;
	[tilespmem:$0x1FBC0] =	vst v63  }
0x6d: {  	_ =	swait.ge [sflag:s20], $0x100  }
0x6e: {  	[sflag:s20] =	ssyncset.done $0x0  }
0x6f: {  	s7 =	sadd.s32 $0x300, s18;
	s2 =	simm.s32 $0x60;
	[sflag:s20] =	ssyncadd.s32 $0xFFFFFF00  }
.LBB2_4:
0x70: {  	[tilespmem:s25], [sflag:$0x3] =	stream.indirect.gather [hbm4b:s0+s21], $0x80, s24, s21, $0xb8;
	[tilespmem:$0x1FBC0] =	vst v63  }
0x71: {  	s8 =	smov.u32 s2  }
0x72: {  	p0 =	sne.s32 s2, $0x960;
	s2 =	sadd.s32 $0x60, s2;
	_ =	swait.ge [sflag:s26], $0x4000  }
0x73: {  	[sflag:s26] =	ssyncset.done $0x0  }
0x74: {  	[sflag:s26] =	ssyncadd.s32 $0xFFFFC000  }
0x75: {  	[spmem:s3] =	stream.indirect.scatter.add.f32 [tilespmem:s19], [sflag:$0x4], $0x80, s21, s21, $0xb8;
	[tilespmem:$0x1FBC0] =	vst v63  }
0x76: {  	_ =	swait.ge [sflag:s20], $0x4000  }
0x77: {  	s9 =	sshrl.u32 s7, $0x3;
	[sflag:s20] =	ssyncset.done $0x0  }
0x78: {  	s9 =	sadd.s32 s5, s9;
	[sflag:s20] =	ssyncadd.s32 $0xFFFFC000  }
0x79: {  	[tilespmem:s4], [sflag:$0x4] =	stream.linear.gather [hbm4b:s9+s4], $0x100, $0x38;
	[tilespmem:$0x1FBC0] =	vst v63  }
0x7a: {  	_ =	swait.ge [sflag:s20], $0x100  }
0x7b: {  	[sflag:s20] =	ssyncset.done $0x0  }
0x7c: {  	[sflag:s20] =	ssyncadd.s32 $0xFFFFFF00  }
0x7d: {  	[tilespmem:s19], [sflag:$0x1] =	stream.indirect.gather [hbm4b:s0+s21], $0x80, s4, s21, $0xb8;
	[tilespmem:$0x1FBC0] =	vst v63  }
0x7e: {  	_ =	swait.ge [sflag:s28], $0x4000  }
0x7f: {  	[sflag:s28] =	ssyncset.done $0x0  }
0x80: {  	[sflag:s28] =	ssyncadd.s32 $0xFFFFC000  }
0x81: {  	[spmem:s3] =	stream.indirect.scatter.add.f32 [tilespmem:s23], [sflag:$0x4], $0x80, s29, s21, $0xb8;
	[tilespmem:$0x1FBC0] =	vst v63  }
0x82: {  	_ =	swait.ge [sflag:s20], $0x4000  }
0x83: {  	[sflag:s20] =	ssyncset.done $0x0  }
0x84: {  	s9 =	sadd.s32 s8, s17;
	[sflag:s20] =	ssyncadd.s32 $0xFFFFC000  }
0x85: {  	[tilespmem:s22], [sflag:$0x4] =	stream.linear.gather [hbm4b:s9+s4], $0x100, $0x38;
	[tilespmem:$0x1FBC0] =	vst v63  }
0x86: {  	_ =	swait.ge [sflag:s20], $0x100  }
0x87: {  	[sflag:s20] =	ssyncset.done $0x0  }
0x88: {  	[sflag:s20] =	ssyncadd.s32 $0xFFFFFF00  }
0x89: {  	[tilespmem:s23], [sflag:$0x2] =	stream.indirect.gather [hbm4b:s0+s21], $0x80, s22, s21, $0xb8;
	[tilespmem:$0x1FBC0] =	vst v63  }
0x8a: {  	_ =	swait.ge [sflag:s30], $0x4000  }
0x8b: {  	[sflag:s30] =	ssyncset.done $0x0  }
0x8c: {  	[sflag:s30] =	ssyncadd.s32 $0xFFFFC000  }
0x8d: {  	[spmem:s3] =	stream.indirect.scatter.add.f32 [tilespmem:s25], [sflag:$0x4], $0x80, s31, s21, $0xb8;
	[tilespmem:$0x1FBC0] =	vst v63  }
0x8e: {  	_ =	swait.ge [sflag:s20], $0x4000  }
0x8f: {  	[sflag:s20] =	ssyncset.done $0x0  }
.Ltmp1:
0x90: {  	s8 =	sadd.s32 s8, s16;
	[sflag:s20] =	ssyncadd.s32 $0xFFFFC000;
	(pc) =	sbr.rel @p0 .LBB2_4-.Ltmp1, $4  }
0x91: {  	[tilespmem:s24], [sflag:$0x4] =	stream.linear.gather [hbm4b:s8+s4], $0x100, $0x38;
	[tilespmem:$0x1FBC0] =	vst v63  }
0x92: {  	_ =	swait.ge [sflag:s20], $0x100  }
0x93: {  	[sflag:s20] =	ssyncset.done $0x0  }
0x94: {  	s7 =	sadd.s32 $0x300, s7;
	[sflag:s20] =	ssyncadd.s32 $0xFFFFFF00  }
0x95: {  	[tilespmem:s25], [sflag:$0x3] =	stream.indirect.gather [hbm4b:s0+s21], $0x80, s24, s21, $0xb8;
	[tilespmem:$0x1FBC0] =	vst v63  }
0x96: {  	_ =	swait.ge [sflag:s26], $0x4000  }
0x97: {  	[sflag:s26] =	ssyncset.done $0x0  }
0x98: {  	[sflag:s26] =	ssyncadd.s32 $0xFFFFC000  }
0x99: {  	[spmem:s3] =	stream.indirect.scatter.add.f32 [tilespmem:s19], [sflag:$0x4], $0x80, s21, s21, $0xb8;
	[tilespmem:$0x1FBC0] =	vst v63  }
0x9a: {  	_ =	swait.ge [sflag:s20], $0x4000  }
0x9b: {  	[sflag:s20] =	ssyncset.done $0x0  }
0x9c: {  	[sflag:s20] =	ssyncadd.s32 $0xFFFFC000  }
0x9d: {  	_ =	swait.ge [sflag:s28], $0x4000  }
0x9e: {  	[sflag:s28] =	ssyncset.done $0x0  }
0x9f: {  	[sflag:s28] =	ssyncadd.s32 $0xFFFFC000  }
0xa0: {  	[spmem:s3] =	stream.indirect.scatter.add.f32 [tilespmem:s23], [sflag:$0x4], $0x80, s29, s21, $0xb8;
	[tilespmem:$0x1FBC0] =	vst v63  }
0xa1: {  	_ =	swait.ge [sflag:s20], $0x4000  }
0xa2: {  	[sflag:s20] =	ssyncset.done $0x0  }
0xa3: {  	[sflag:s20] =	ssyncadd.s32 $0xFFFFC000  }
0xa4: {  	_ =	swait.ge [sflag:s30], $0x4000  }
0xa5: {  	[sflag:s30] =	ssyncset.done $0x0  }
0xa6: {  	[sflag:s30] =	ssyncadd.s32 $0xFFFFC000  }
0xa7: {  	[spmem:s3] =	stream.indirect.scatter.add.f32 [tilespmem:s25], [sflag:$0x4], $0x80, s31, s21, $0xb8;
	[tilespmem:$0x1FBC0] =	vst v63  }
0xa8: {  	s2 =	stileid.u32;
	_ =	swait.ge [sflag:s20], $0x4000  }
0xa9: {  	s7 =	sshrl.u32 s6, $0x3;
	s1 =	sadd.s32 $0x1, s1;
	[sflag:s20] =	ssyncset.done $0x0  }
0xaa: {  	s2 =	sshll.u32 s2, $0x6;
	p0 =	sne.s32 s1, s15;
	[sflag:s20] =	ssyncadd.s32 $0xFFFFC000  }
.Ltmp2:
0xab: {  	s2 =	sor.u32 $0x1C04, s2;
	[bflag:$0x0] =	sbarrier.arrive $0xFFFF;
	(pc) =	sbr.rel @p0 .LBB2_1-.Ltmp2, $4  }
0xac: {  	[hbm:s14], [sflag:s2] =	dma.local [spmem:s7], $0x2710  }
0xad: {  	_ =	swait.ge [sflag:s20], $0x2710  }
0xae: {  	[sflag:s20] =	ssyncset.done $0x0  }
0xaf: {  	[sflag:s20] =	ssyncadd.s32 $0xFFFFD8F0  }
0xb0: {  	_ =	sfence.sel $0x180000  }
0xb1: {  	[bflag:$0x0] =	sbarrier.arrive $0xFFFF  }
0xb2: {  	_ =	strace $0x9000004D  }
0xb3: {  	s0 =	stileid.u32;
	[bflag:$0x2] =	sbarrier.arrive $0xFFFF  }
0xb4: {  	p0 =	sne.s32 s0, $0x0;
	s0 =	rddreg [dreg:$0x3]  }
0xb5: {  	s0 =	sadd.s32 @!p0 $0x100000, s0  }
0xb6: {  	[sflag:s0] =	ssyncadd.tile.s32 @!p0 $0x1;
	_ =	shalt  }
.Lfunc_end2:
_tile_overlayer_lowered:
.L_overlay_start_2:
0xb7: {  	(tag) =	ssettag $0x2  }
0xb8: {  	s0 =	rddreg [dreg:$0x0];
	s2 =	stileid.u32  }
0xb9: {  	s1 =	rddreg [dreg:$0x1];
	p0 =	sne.s32 s2, $0x0  }
0xba: {  	s3 =	rddreg [dreg:$0x2];
	[bflag:$0x3] =	sbarrier.arrive $0xFFFF;
	s2 =	simm.s32 @!p0 $0x1C04  }
0xbb: {  	[timem:s3], [sflag:s2] =	dma.local @!p0 [hbm:s0], s1  }
0xbc: {  	s0 =	simm.s32 @!p0 $0x4  }
0xbd: {  	_ =	swait.ge @!p0 [sflag:s0], s1  }
0xbe: {  	s1 =	ssub.s32 @!p0 $0x0, s1;
	[sflag:s0] =	ssyncset.done @!p0 $0x0  }
0xbf: {  	[sflag:s0] =	ssyncadd.s32 @!p0 s1  }
0xc0: {  	[bflag:$0x3] =	sbarrier.arrive $0xFFFF  }
0xc1: {  	_ =	shalt  }

// kernel: kernel.9.cloned.1.call-start
scs
__scs_entry_jumppad:
0x0: {  	(pc) =	sbr.rel $0x88, $3  }
0x1: {  	(tag) =	ssettag $0x0;
	lr =	simm.s32 $0x1  }
0x2: {  	[smem:$0x3F9B] =	sst lr;
	_ =	strace $0xD0000000  }
0x3: {  	_ = 	snop  }
0x4: {  	_ = 	snop  }
0x5: {  	_ = 	snop  }
0x6: {  	_ = 	snop  }
0x7: {  	_ = 	snop  }
__scs_overlays_trampoline_lowered:
0x8: {  	[smem:$0x3FAA] =	sst s0  }
0x9: {  	[smem:$0x3FAB] =	sst s1  }
0xa: {  	[smem:$0x3FAC] =	sst s2  }
0xb: {  	[smem:$0x3FAD] =	sst s3  }
0xc: {  	[smem:$0x3FAE] =	sst s4  }
0xd: {  	[smem:$0x3FAF] =	sst s5  }
0xe: {  	[smem:$0x3FB0] =	sst s6  }
0xf: {  	[smem:$0x3FB1] =	sst s7  }
0x10: {  	[smem:$0x3FB2] =	sst s8  }
0x11: {  	[smem:$0x3FB3] =	sst s9;
	s0 =	simm.s32 @!p0 $0x0  }
0x12: {  	s1 =	sld [smem:$0x3F99];
	s0 =	simm.s32 @p0 $0x1  }
0x13: {  	[smem:$0x3FB4] =	sst s0;
	s0 =	simm.s32 @!p1 $0x0  }
0x14: {  	s2 =	sld [smem:$0x3F98];
	s0 =	simm.s32 @p1 $0x1  }
0x15: {  	[smem:$0x3FB5] =	sst s0;
	s0 =	simm.s32 @!p2 $0x0  }
0x16: {  	s3 =	sld [smem:$0x3FDB];
	s0 =	simm.s32 @p2 $0x1  }
0x17: {  	s4 =	simm.s32 $0x1BF5;
	[smem:$0x3FB7] =	sst s0  }
0x18: {  	s0 =	sld [smem:$0x3F9A];
	_ =	swait.ge [sflag:s4], $0x0  }
0x19: {  	s7 =	sld [smem:$0x3F9B]  }
0x1a: {  	s8 =	sadd.s32 $0xFFFFE003, lr  }
0x1b: {  	s9 =	sadd.s32 $0xFFFFFEF7, lr;
	s5 =	simm.s32 $0xFFFFFFFF;
	p2 =	slt.u32 s8, $0xFFFFF086  }
0x1c: {  	p1 =	slt.u32 s9, $0xF7A;
	s5 =	simm.s32 @!p2 $0x0  }
0x1d: {  	s5 =	simm.s32 @p1 $0x1;
	p0 =	seq.s32 s7, s2  }
0x1e: {  	s7 =	smul.u32 @!p0 $0xF7A, s2;
	p2 =	seq.s32 @!p0 s5, $0x0  }
0x1f: {  	s9 =	smul.u32 $0xF7A, s1;
	s8 =	simm.s32 @!p0 $0x1BF5;
	p2 =	por !p2, p0  }
0x20: {  	[sflag:s8] =	ssyncset.s32 @!p0 $0xFFFFF086;
	s6 =	sadd.s32 @!p0 s3, s7;
	s7 =	simm.s32 @!p0 $0x108  }
0x21: {  	s3 =	sadd.s32 s3, s9;
	s6 =	sadd.s32 @!p0 $0x88, s6;
	s7 =	simm.s32 @p2 $0x1082  }
0x22: {  	[simem:s7], [sflag:s8] =	dma.local @!p0 [hbm:s6], $0xF7A  }
0x23: {  	s9 =	sor.u32 $0xD0000000, s2;
	s6 =	simm.s32 $0x108;
	_ =	swait.ge @!p0 [sflag:s8], $0x0  }
0x24: {  	s3 =	sadd.s32 $0x88, s3;
	s6 =	simm.s32 @!p1 $0x1082;
	[sflag:s4] =	ssyncset.s32 $0xFFFFF086  }
0x25: {  	[simem:s6], [sflag:s4] =	dma.local [hbm:s3], $0xF7A  }
0x26: {  	[smem:$0x3F9B] =	sst s1;
	(tag) =	ssettag s2;
	_ =	strace s9  }
0x27: {  	s1 =	sld [smem:$0x3FAB]  }
0x28: {  	s2 =	sld [smem:$0x3FAC]  }
0x29: {  	s4 =	sld [smem:$0x3FAE]  }
0x2a: {  	p0 =	seq.s32 s5, $0x0;
	s5 =	sld [smem:$0x3FAF]  }
0x2b: {  	s6 =	sld [smem:$0x3FB0]  }
0x2c: {  	s7 =	sld [smem:$0x3FB1]  }
0x2d: {  	s3 =	simm.s32 $0x108;
	s8 =	sld [smem:$0x3FB2]  }
0x2e: {  	s3 =	simm.s32 @!p0 $0x1082;
	s9 =	sld [smem:$0x3FB3]  }
0x2f: {  	lr =	sadd.s32 s0, s3;
	s0 =	sld [smem:$0x3FAA]  }
0x30: {  	s3 =	sld [smem:$0x3FAD]  }
0x31: {  	[smem:$0x3FB6] =	sst s10  }
0x32: {  	s10 =	sld [smem:$0x3FB4];
	_ =	sdelay $0x3  }
0x33: {  	p0 =	seq.s32 s10, $0x1;
	s10 =	sld [smem:$0x3FB6];
	_ =	sdelay $0x3  }
0x34: {  	[smem:$0x3FB6] =	sst s10  }
0x35: {  	s10 =	sld [smem:$0x3FB5];
	_ =	sdelay $0x3  }
0x36: {  	p1 =	seq.s32 s10, $0x1;
	s10 =	sld [smem:$0x3FB6];
	_ =	sdelay $0x3  }
0x37: {  	[smem:$0x3FB6] =	sst s10  }
0x38: {  	s10 =	sld [smem:$0x3FB7]  }
0x39: {  	_ = 	snop;
	(pc) =	sbr.ind lr, $3  }
0x3a: {  	_ = 	snop  }
0x3b: {  	_ = 	snop  }
0x3c: {  	p2 =	seq.s32 s10, $0x1;
	s10 =	sld [smem:$0x3FB6]  }
0x3d: {  	_ =	shalt  }
0x3e: {  	_ =	shalt  }
0x3f: {  	_ =	shalt  }
0x40: {  	_ =	shalt  }
0x41: {  	_ =	shalt  }
0x42: {  	_ =	shalt  }
0x43: {  	_ =	shalt  }
0x44: {  	_ =	shalt  }
0x45: {  	_ =	shalt  }
0x46: {  	_ =	shalt  }
0x47: {  	_ =	shalt  }
0x48: {  	_ =	shalt  }
0x49: {  	_ =	shalt  }
0x4a: {  	_ =	shalt  }
0x4b: {  	_ =	shalt  }
0x4c: {  	_ =	shalt  }
0x4d: {  	_ =	shalt  }
0x4e: {  	_ =	shalt  }
0x4f: {  	_ =	shalt  }
0x50: {  	_ =	shalt  }
0x51: {  	_ =	shalt  }
0x52: {  	_ =	shalt  }
0x53: {  	_ =	shalt  }
0x54: {  	_ =	shalt  }
0x55: {  	_ =	shalt  }
0x56: {  	_ =	shalt  }
0x57: {  	_ =	shalt  }
0x58: {  	_ =	shalt  }
0x59: {  	_ =	shalt  }
0x5a: {  	_ =	shalt  }
0x5b: {  	_ =	shalt  }
0x5c: {  	_ =	shalt  }
0x5d: {  	_ =	shalt  }
0x5e: {  	_ =	shalt  }
0x5f: {  	_ =	shalt  }
0x60: {  	_ =	shalt  }
0x61: {  	_ =	shalt  }
0x62: {  	_ =	shalt  }
0x63: {  	_ =	shalt  }
0x64: {  	_ =	shalt  }
0x65: {  	_ =	shalt  }
0x66: {  	_ =	shalt  }
0x67: {  	_ =	shalt  }
0x68: {  	_ =	shalt  }
0x69: {  	_ =	shalt  }
0x6a: {  	_ =	shalt  }
0x6b: {  	_ =	shalt  }
0x6c: {  	_ =	shalt  }
0x6d: {  	_ =	shalt  }
0x6e: {  	_ =	shalt  }
0x6f: {  	_ =	shalt  }
0x70: {  	_ =	shalt  }
0x71: {  	_ =	shalt  }
0x72: {  	_ =	shalt  }
0x73: {  	_ =	shalt  }
0x74: {  	_ =	shalt  }
0x75: {  	_ =	shalt  }
0x76: {  	_ =	shalt  }
0x77: {  	_ =	shalt  }
0x78: {  	_ =	shalt  }
0x79: {  	_ =	shalt  }
0x7a: {  	_ =	shalt  }
0x7b: {  	_ =	shalt  }
0x7c: {  	_ =	shalt  }
0x7d: {  	_ =	shalt  }
0x7e: {  	_ =	shalt  }
0x7f: {  	_ =	shalt  }
0x80: {  	_ =	shalt  }
0x81: {  	_ =	shalt  }
0x82: {  	_ =	shalt  }
0x83: {  	_ =	shalt  }
0x84: {  	_ =	shalt  }
0x85: {  	_ =	shalt  }
0x86: {  	_ =	shalt  }
0x87: {  	_ =	shalt  }
.Lfunc_end0:
.L_simem_size_0:
called_computation_lowered:
.L_overlay_start_0:
0x88: {  	s2 =	sld [smem:$0x3FD9]  }
0x89: {  	s3 =	sld [smem:$0x3FFE];
	_ =	sdelay $0x1  }
0x8a: {  	s1 =	srdreg.scid  }
0x8b: {  	s0 =	sand.u32 $0x1, s1  }
0x8c: {  	s16 =	sshll.u32 s0, $0xA;
	s2 =	sadd.s32 s3, s2  }
0x8d: {  	s2 =	sadd.s32 s2, s16  }
0x8e: {  	[smem:$0x3FC2] =	sst s2  }
0x8f: {  	_ = 	snop  }
0x90: {  	(tm) =	ssettm $0x1  }
0x91: {  	s17 =	sld [smem:$0x3FFB];
	_ =	sdelay $0x3  }
0x92: {  	_ =	strace s17  }
0x93: {  	s2 =	sld [smem:$0x3FFC];
	_ =	sdelay $0x3  }
0x94: {  	_ =	strace s2  }
0x95: {  	s2 =	sld [smem:$0x3FFD];
	_ =	sdelay $0x3  }
0x96: {  	_ =	strace s2  }
0x97: {  	_ =	strace $0x8FFFFFFF  }
0x98: {  	s18 =	sld [smem:$0x3FDB];
	_ =	sdelay $0x1  }
0x99: {  	s19 =	simm.s32 $_scs_section_size  }
0x9a: {  	s4 =	simm.s32 $_size__tile_overlayer_lowered;
	s5 =	simm.s32 $_tile_overlayer_lowered  }
0x9b: {  	s22 =	simm.s32 $0x1BFF;
	s21 =	sshll.u32 s5, $0x1;
	s2 =	sadd.s32 s19, s18  }
0x9c: {  	s6 =	simm.s32 $0x0;
	s20 =	sshll.u32 s4, $0x1;
	s4 =	sadd.s32 s21, s2  }
0x9d: {  	[timem:s6], [sflag:s22] =	dma.local [hbm:s4], s20  }
0x9e: {  	_ =	swait.ge [sflag:s22], s20  }
0x9f: {  	s3 =	ssub.s32 $0x0, s20;
	[sflag:s22] =	ssyncset.done $0x0  }
0xa0: {  	[sflag:s22] =	ssyncadd.s32 s3;
	_ =	sdelay $0x1  }
0xa1: {  	s23 =	simm.s32 $0x1B8B  }
0xa2: {  	_ =	swait.ge [sflag:s23], $0x1  }
0xa3: {  	[sflag:s23] =	ssyncset.done $0x0  }
0xa4: {  	s25 =	simm.s32 $0x1B8E;
	s24 =	sld [smem:$0x3FFE];
	[sflag:s23] =	ssyncadd.s32 $0xFFFFFFFF  }
0xa5: {  	s26 =	simm.s32 $execute0_lowered;
	[smem:$0x3FD2] =	sst s25  }
0xa6: {  	s4 =	sshll.u32 s26, $0x1;
	_ =	strace $0x80000046;
	[dreg:$0x1] =	wrdreg $0xFFFFFFFF  }
0xa7: {  	s28 =	simm.s32 $_size_execute0_lowered;
	s2 =	sadd.s32 s2, s4;
	[dreg:$0x0] =	wrdreg $0x0  }
0xa8: {  	s4 =	sshll.u32 s28, $0x1;
	[dreg:$0x2] =	wrdreg s2  }
0xa9: {  	[dreg:$0x3] =	wrdreg s4  }
0xaa: {  	[dreg:$0x4] =	wrdreg $0xC0  }
0xab: {  	_ =	task [dreg:s6], $0x5FFFF  }
0xac: {  	[dreg:$0x1] =	wrdreg $0xFFFFFFFF  }
0xad: {  	[dreg:$0x0] =	wrdreg $0x60  }
0xae: {  	[dreg:$0x2] =	wrdreg s24  }
0xaf: {  	[dreg:$0x3] =	wrdreg $0x44000  }
0xb0: {  	[dreg:$0x4] =	wrdreg $0x9  }
0xb1: {  	_ =	task.clear_ibuf [dreg:s6], $0x5FFFF;
	_ =	strace $0x90000046  }
0xb2: {  	s29 =	simm.s32 $0x9;
	_ =	strace $0x80000048  }
0xb3: {  	_ =	swait.ge [sflag:s29], $0x1  }
0xb4: {  	[sflag:s29] =	ssyncadd.s32 $0xFFFFFFFF  }
0xb5: {  	_ =	strace $0x90000048  }
0xb6: {  	_ =	sfence  }
0xb7: {  	s30 =	sld [smem:$0x0];
	_ =	sdelay $0x2  }
0xb8: {  	s31 =	sshll.u32 s1, $0xD;
	s1 =	sshrl.u32 s1, $0x2  }
0xb9: {  	s3 =	sand.u32 $0x4000, s31;
	s1 =	sadd.s32 s1, s30  }
0xba: {  	s0 =	sor.u32 s3, s0;
	s1 =	sshll.u32 s1, $0x11  }
0xbb: {  	s0 =	sor.u32 s1, s0  }
0xbc: {  	s0 =	sadd.s32 $0x8F2B, s0  }
0xbd: {  	[sflag:s0] =	ssyncadd.remote.s32 $0x1  }
0xbe: {  	_ =	sfence.sel $0xFFFF  }
0xbf: {  	[dreg:$0x0] =	wrdreg $0xFFFFFFFF;
	(pc) =	sbr.abs _section_cstart, $3  }
0xc0: {  	[dreg:$0x1] =	wrdreg $0xFFFFFFFF  }
0xc1: {  	_ =	task.clear_ibuf [dreg:s6], $0x2FFFF;
	_ =	strace $0x9FFFFFFF  }
0xc2: {  	(tm) =	ssettm $0x7FFFFFFF  }
0xc3: {  	_ =	shalt  }
tec
execute0_lowered:
.L_overlay_start_1:
0x0: {  	(tag) =	ssettag $0x1  }
0x1: {  	s0 =	srdreg.scid  }
0x2: {  	s1 =	rddreg [dreg:$0x0];
	s9 =	stileid.u32  }
0x3: {  	s2 =	rddreg [dreg:$0x1];
	s3 =	simm.s32 $0x0;
	s5 =	smul.u32 $0x13C00, s9  }
0x4: {  	s28 =	simm.s32 $0x300;
	s29 =	simm.s32 $0x380;
	s6 =	smul.u32 $0x4E200, s9  }
0x5: {  	s30 =	simm.s32 $0x1;
	s0 =	sand.u32 $0x1, s0;
	s23 =	smul.u32 $0x5200, s9  }
0x6: {  	s31 =	simm.s32 $0x2;
	[smem:$0x7FF] =	sst s3;
	s4 =	smul.u32 $0x13C000, s0  }
0x7: {  	_ =	strace $0x80000047;
	s15 =	sshll.u32 s0, $0x4;
	s7 =	ssub.s32 $0x2, s0  }
0x8: {  	s0 =	smul.u32 $0x52000, s0;
	s8 =	sor.u32 s9, s15;
	s16 =	sshrl.u32 s6, $0x2  }
0x9: {  	s17 =	sshrl.u32 s7, $0x1;
	s4 =	sadd.s32 s5, s4;
	s8 =	smul.u32 $0x5200, s8  }
0xa: {  	s6 =	ssub.s32 s7, s17;
	s0 =	sadd.s32 s23, s0;
	s23 =	simm.s32 $0x100  }
0xb: {  	s5 =	sshrl.u32 s4, $0x3;
	s4 =	sadd.s32 $0x1C00, s1;
	s15 =	smax.u32 s6, $0x1  }
0xc: {  	s25 =	sadd.s32 $0x700, s0;
	s26 =	sadd.s32 $0x600, s0;
	s7 =	sadd.s32 $0x500, s0  }
0xd: {  	s1 =	sadd.s32 s5, s1;
	s5 =	sadd.s32 s16, s2;
	s21 =	sshrl.u32 s8, $0x3  }
0xe: {  	s6 =	sshrl.u32 s26, $0x3;
	s7 =	sshrl.u32 s7, $0x3;
	s26 =	simm.s32 $0x280  }
0xf: {  	s18 =	sadd.s32 $0x4000, s5;
	s19 =	sadd.s32 $0x8000, s5;
	s20 =	sadd.s32 $0xC000, s5  }
0x10: {  	s22 =	sadd.s32 $0x10000, s5;
	s10 =	sadd.s32 s4, s21;
	[dreg:$0x3] =	wrdreg s18  }
0x11: {  	s14 =	sadd.s32 $0x16400, s1;
	s1 =	sshrl.u32 s25, $0x3;
	[dreg:$0x4] =	wrdreg s19  }
0x12: {  	s17 =	sadd.s32 s6, s4;
	s21 =	simm.s32 $0x5;
	[dreg:$0x5] =	wrdreg s20  }
0x13: {  	s25 =	simm.s32 $0x200;
	s6 =	simm.s32 $0x0;
	[dreg:$0x6] =	wrdreg s22  }
0x14: {  	s24 =	sadd.s32 $0x20, s10;
	s12 =	sadd.s32 $0x40, s10;
	s13 =	sadd.s32 $0x60, s10  }
0x15: {  	s16 =	sadd.s32 s1, s4;
	s18 =	sadd.s32 s7, s4;
	s19 =	sadd.s32 $0x400, s0  }
0x16: {  	s20 =	simm.s32 $0x400;
	s22 =	simm.s32 $0x80;
	s1 =	simm.s32 $0x3  }
0x17: {  	v0 =	vimm.f32 $0.0e+00;
	v1 =	vimm.f32 $1.000000000e+00;
	s0 =	simm.s32 $0x4;
	[dreg:$0x7] =	wrdreg s24;
	s24 =	simm.s32 $0x180  }
.LBB2_1:
0x18: {  	s7 =	simm.s32 $0x0;
	s8 =	simm.s32 $0x200  }
.LBB2_2:
0x19: {  	p0 =	sne.s32 s8, $0xFE00;
	[tilespmem:s7+$0x470] =	vst v0  }
0x1a: {  	[tilespmem:s7+$0x400] =	vst v0  }
0x1b: {  	[tilespmem:s7+$0x410] =	vst v0  }
.Ltmp0:
0x1c: {  	[tilespmem:s7+$0x420] =	vst v0;
	(pc) =	sbr.rel @p0 .LBB2_2-.Ltmp0, $4  }
0x1d: {  	[tilespmem:s7+$0x430] =	vst v0  }
0x1e: {  	[tilespmem:s7+$0x440] =	vst v0  }
0x1f: {  	[tilespmem:s7+$0x450] =	vst v0  }
0x20: {  	[tilespmem:s7+$0x460] =	vst v0;
	s7 =	sshra.s32 s8, $0x2;
	s8 =	sadd.s32 $0x200, s8  }
0x21: {  	[tilespmem:s7+$0x470] =	vst v0  }
0x22: {  	[tilespmem:s7+$0x400] =	vst v0  }
0x23: {  	[tilespmem:s7+$0x410] =	vst v0  }
0x24: {  	[tilespmem:s7+$0x420] =	vst v0  }
0x25: {  	[tilespmem:s7+$0x430] =	vst v0  }
0x26: {  	[tilespmem:s7+$0x440] =	vst v0  }
0x27: {  	[tilespmem:s7+$0x450] =	vst v0  }
0x28: {  	[tilespmem:s7+$0x460] =	vst v0  }
0x29: {  	[spmem:s5] =	stream.linear.scatter [tilespmem:s20], [sflag:$0x5], $0x4000, $0x38;
	[tilespmem:$0x17CC0] =	vst v63  }
0x2a: {  	_ =	swait.ge [sflag:s21], $0x4000  }
0x2b: {  	[sflag:s21] =	ssyncset.done $0x0  }
0x2c: {  	s11 =	rddreg [dreg:$0x3];
	[sflag:s21] =	ssyncadd.s32 $0xFFFFC000  }
0x2d: {  	[spmem:s11] =	stream.linear.scatter [tilespmem:s20], [sflag:$0x5], $0x4000, $0x38;
	[tilespmem:$0x17CC0] =	vst v63  }
0x2e: {  	_ =	swait.ge [sflag:s21], $0x4000  }
0x2f: {  	[sflag:s21] =	ssyncset.done $0x0  }
0x30: {  	s8 =	rddreg [dreg:$0x4];
	[sflag:s21] =	ssyncadd.s32 $0xFFFFC000  }
0x31: {  	[spmem:s8] =	stream.linear.scatter [tilespmem:s20], [sflag:$0x5], $0x4000, $0x38;
	[tilespmem:$0x17CC0] =	vst v63  }
0x32: {  	_ =	swait.ge [sflag:s21], $0x4000  }
0x33: {  	[sflag:s21] =	ssyncset.done $0x0  }
0x34: {  	s9 =	rddreg [dreg:$0x5];
	[sflag:s21] =	ssyncadd.s32 $0xFFFFC000  }
0x35: {  	[spmem:s9] =	stream.linear.scatter [tilespmem:s20], [sflag:$0x5], $0x4000, $0x38;
	[tilespmem:$0x17CC0] =	vst v63  }
0x36: {  	_ =	swait.ge [sflag:s21], $0x4000  }
0x37: {  	[sflag:s21] =	ssyncset.done $0x0  }
0x38: {  	s11 =	rddreg [dreg:$0x6];
	[sflag:s21] =	ssyncadd.s32 $0xFFFFC000  }
0x39: {  	[spmem:s11] =	stream.linear.scatter [tilespmem:s20], [sflag:$0x5], $0x3880, $0x38;
	[tilespmem:$0x17CC0] =	vst v63  }
0x3a: {  	_ =	swait.ge [sflag:s21], $0x3880  }
0x3b: {  	[sflag:s21] =	ssyncset.done $0x0  }
0x3c: {  	s7 =	simm.s32 $0x0;
	s8 =	simm.s32 $0x200;
	[sflag:s21] =	ssyncadd.s32 $0xFFFFC780  }
.LBB2_4:
0x3d: {  	p0 =	sne.s32 s8, $0xFE00;
	[tilespmem:s7+$0x470] =	vst v1  }
0x3e: {  	[tilespmem:s7+$0x400] =	vst v1  }
0x3f: {  	[tilespmem:s7+$0x410] =	vst v1  }
.Ltmp1:
0x40: {  	[tilespmem:s7+$0x420] =	vst v1;
	(pc) =	sbr.rel @p0 .LBB2_4-.Ltmp1, $4  }
0x41: {  	[tilespmem:s7+$0x430] =	vst v1  }
0x42: {  	[tilespmem:s7+$0x440] =	vst v1  }
0x43: {  	[tilespmem:s7+$0x450] =	vst v1  }
0x44: {  	[tilespmem:s7+$0x460] =	vst v1;
	s7 =	sshra.s32 s8, $0x2;
	s8 =	sadd.s32 $0x200, s8  }
0x45: {  	[tilespmem:s7+$0x470] =	vst v1  }
0x46: {  	[tilespmem:s7+$0x400] =	vst v1  }
0x47: {  	[tilespmem:s7+$0x410] =	vst v1  }
0x48: {  	[tilespmem:s7+$0x420] =	vst v1  }
0x49: {  	[tilespmem:s7+$0x430] =	vst v1  }
0x4a: {  	[tilespmem:s7+$0x440] =	vst v1  }
0x4b: {  	[tilespmem:s7+$0x450] =	vst v1  }
0x4c: {  	[tilespmem:s7+$0x460] =	vst v1  }
0x4d: {  	s9 =	simm.s32 $0x0;
	[bflag:$0x0] =	sbarrier.arrive $0xFFFF  }
0x4e: {  	[tilespmem:s9], [sflag:$0x5] =	stream.linear.gather [hbm4b:s10+s9], $0x100, $0x38;
	[tilespmem:$0x17CC0] =	vst v63  }
0x4f: {  	_ =	swait.ge [sflag:s21], $0x100  }
0x50: {  	[sflag:s21] =	ssyncset.done $0x0  }
0x51: {  	[sflag:s21] =	ssyncadd.s32 $0xFFFFFF00  }
0x52: {  	[spmem:s2] =	stream.indirect.scatter.add.f32 [tilespmem:s20], [sflag:$0x1], $0x80, s22, s22, $0xb8;
	[tilespmem:$0x17CC0] =	vst v63  }
0x53: {  	s8 =	rddreg [dreg:$0x7]  }
0x54: {  	[tilespmem:s23], [sflag:$0x5] =	stream.linear.gather [hbm4b:s8+s9], $0x100, $0x38;
	[tilespmem:$0x17CC0] =	vst v63  }
0x55: {  	_ =	swait.ge [sflag:s21], $0x100  }
0x56: {  	[sflag:s21] =	ssyncset.done $0x0  }
0x57: {  	[sflag:s21] =	ssyncadd.s32 $0xFFFFFF00  }
0x58: {  	[spmem:s2] =	stream.indirect.scatter.add.f32 [tilespmem:s20], [sflag:$0x2], $0x80, s24, s22, $0xb8;
	[tilespmem:$0x17CC0] =	vst v63  }
0x59: {  	_ = 	snop  }
0x5a: {  	[tilespmem:s25], [sflag:$0x5] =	stream.linear.gather [hbm4b:s12+s9], $0x100, $0x38;
	[tilespmem:$0x17CC0] =	vst v63  }
0x5b: {  	_ =	swait.ge [sflag:s21], $0x100  }
0x5c: {  	[sflag:s21] =	ssyncset.done $0x0  }
0x5d: {  	[sflag:s21] =	ssyncadd.s32 $0xFFFFFF00  }
0x5e: {  	[spmem:s2] =	stream.indirect.scatter.add.f32 [tilespmem:s20], [sflag:$0x3], $0x80, s26, s22, $0xb8;
	[tilespmem:$0x17CC0] =	vst v63  }
0x5f: {  	_ = 	snop  }
0x60: {  	[tilespmem:s28], [sflag:$0x5] =	stream.linear.gather [hbm4b:s13+s9], $0x100, $0x38;
	[tilespmem:$0x17CC0] =	vst v63  }
0x61: {  	_ =	swait.ge [sflag:s21], $0x100  }
0x62: {  	[sflag:s21] =	ssyncset.done $0x0  }
0x63: {  	[sflag:s21] =	ssyncadd.s32 $0xFFFFFF00  }
0x64: {  	[spmem:s2] =	stream.indirect.scatter.add.f32 [tilespmem:s20], [sflag:$0x4], $0x80, s29, s22, $0xb8;
	[tilespmem:$0x17CC0] =	vst v63  }
0x65: {  	_ =	swait.ge [sflag:s30], $0x4000  }
0x66: {  	s11 =	sshrl.u32 s19, $0x3;
	[sflag:s30] =	ssyncset.done $0x0  }
0x67: {  	s7 =	sadd.s32 s4, s11;
	[sflag:s30] =	ssyncadd.s32 $0xFFFFC000  }
0x68: {  	[tilespmem:s3], [sflag:$0x5] =	stream.linear.gather [hbm4b:s7+s3], $0x100, $0x38;
	[tilespmem:$0x17CC0] =	vst v63  }
0x69: {  	_ =	swait.ge [sflag:s21], $0x100  }
0x6a: {  	[sflag:s21] =	ssyncset.done $0x0  }
0x6b: {  	[sflag:s21] =	ssyncadd.s32 $0xFFFFFF00  }
0x6c: {  	[spmem:s2] =	stream.indirect.scatter.add.f32 [tilespmem:s20], [sflag:$0x1], $0x80, s22, s22, $0xb8;
	[tilespmem:$0x17CC0] =	vst v63  }
0x6d: {  	_ =	swait.ge [sflag:s31], $0x4000  }
0x6e: {  	[sflag:s31] =	ssyncset.done $0x0  }
0x6f: {  	s8 =	sadd.s32 $0x0, s18;
	[sflag:s31] =	ssyncadd.s32 $0xFFFFC000  }
0x70: {  	[tilespmem:s23], [sflag:$0x5] =	stream.linear.gather [hbm4b:s8+s3], $0x100, $0x38;
	[tilespmem:$0x17CC0] =	vst v63  }
0x71: {  	_ =	swait.ge [sflag:s21], $0x100  }
0x72: {  	[sflag:s21] =	ssyncset.done $0x0  }
0x73: {  	[sflag:s21] =	ssyncadd.s32 $0xFFFFFF00  }
0x74: {  	[spmem:s2] =	stream.indirect.scatter.add.f32 [tilespmem:s20], [sflag:$0x2], $0x80, s24, s22, $0xb8;
	[tilespmem:$0x17CC0] =	vst v63  }
0x75: {  	_ =	swait.ge [sflag:s1], $0x4000  }
0x76: {  	[sflag:s1] =	ssyncset.done $0x0  }
0x77: {  	s9 =	sadd.s32 $0x0, s17;
	[sflag:s1] =	ssyncadd.s32 $0xFFFFC000  }
0x78: {  	[tilespmem:s25], [sflag:$0x5] =	stream.linear.gather [hbm4b:s9+s3], $0x100, $0x38;
	[tilespmem:$0x17CC0] =	vst v63  }
0x79: {  	_ =	swait.ge [sflag:s21], $0x100  }
0x7a: {  	[sflag:s21] =	ssyncset.done $0x0  }
0x7b: {  	[sflag:s21] =	ssyncadd.s32 $0xFFFFFF00  }
0x7c: {  	[spmem:s2] =	stream.indirect.scatter.add.f32 [tilespmem:s20], [sflag:$0x3], $0x80, s26, s22, $0xb8;
	[tilespmem:$0x17CC0] =	vst v63  }
0x7d: {  	_ =	swait.ge [sflag:s0], $0x4000  }
0x7e: {  	[sflag:s0] =	ssyncset.done $0x0  }
0x7f: {  	s11 =	sadd.s32 $0x0, s16;
	[sflag:s0] =	ssyncadd.s32 $0xFFFFC000  }
0x80: {  	[tilespmem:s28], [sflag:$0x5] =	stream.linear.gather [hbm4b:s11+s3], $0x100, $0x38;
	[tilespmem:$0x17CC0] =	vst v63  }
0x81: {  	_ =	swait.ge [sflag:s21], $0x100  }
0x82: {  	[sflag:s21] =	ssyncset.done $0x0  }
0x83: {  	s7 =	simm.s32 $0x80;
	s8 =	sadd.s32 $0x400, s19;
	[sflag:s21] =	ssyncadd.s32 $0xFFFFFF00  }
.LBB2_6:
0x84: {  	[spmem:s2] =	stream.indirect.scatter.add.f32 [tilespmem:s20], [sflag:$0x4], $0x80, s29, s22, $0xb8;
	[tilespmem:$0x17CC0] =	vst v63  }
0x85: {  	s9 =	smov.u32 s7  }
0x86: {  	p0 =	sne.s32 s7, $0x900;
	s7 =	sadd.s32 $0x80, s7;
	_ =	swait.ge [sflag:s30], $0x4000  }
0x87: {  	s11 =	sshrl.u32 s8, $0x3;
	[sflag:s30] =	ssyncset.done $0x0  }
0x88: {  	s11 =	sadd.s32 s4, s11;
	[sflag:s30] =	ssyncadd.s32 $0xFFFFC000  }
0x89: {  	[tilespmem:s3], [sflag:$0x5] =	stream.linear.gather [hbm4b:s11+s3], $0x100, $0x38;
	[tilespmem:$0x17CC0] =	vst v63  }
0x8a: {  	_ =	swait.ge [sflag:s21], $0x100  }
0x8b: {  	[sflag:s21] =	ssyncset.done $0x0  }
0x8c: {  	[sflag:s21] =	ssyncadd.s32 $0xFFFFFF00  }
0x8d: {  	[spmem:s2] =	stream.indirect.scatter.add.f32 [tilespmem:s20], [sflag:$0x1], $0x80, s22, s22, $0xb8;
	[tilespmem:$0x17CC0] =	vst v63  }
0x8e: {  	_ =	swait.ge [sflag:s31], $0x4000  }
0x8f: {  	[sflag:s31] =	ssyncset.done $0x0  }
0x90: {  	s11 =	sadd.s32 s9, s18;
	[sflag:s31] =	ssyncadd.s32 $0xFFFFC000  }
0x91: {  	[tilespmem:s23], [sflag:$0x5] =	stream.linear.gather [hbm4b:s11+s3], $0x100, $0x38;
	[tilespmem:$0x17CC0] =	vst v63  }
0x92: {  	_ =	swait.ge [sflag:s21], $0x100  }
0x93: {  	[sflag:s21] =	ssyncset.done $0x0  }
0x94: {  	[sflag:s21] =	ssyncadd.s32 $0xFFFFFF00  }
0x95: {  	[spmem:s2] =	stream.indirect.scatter.add.f32 [tilespmem:s20], [sflag:$0x2], $0x80, s24, s22, $0xb8;
	[tilespmem:$0x17CC0] =	vst v63  }
0x96: {  	_ =	swait.ge [sflag:s1], $0x4000  }
0x97: {  	[sflag:s1] =	ssyncset.done $0x0  }
0x98: {  	s11 =	sadd.s32 s9, s17;
	[sflag:s1] =	ssyncadd.s32 $0xFFFFC000  }
0x99: {  	[tilespmem:s25], [sflag:$0x5] =	stream.linear.gather [hbm4b:s11+s3], $0x100, $0x38;
	[tilespmem:$0x17CC0] =	vst v63  }
0x9a: {  	_ =	swait.ge [sflag:s21], $0x100  }
0x9b: {  	[sflag:s21] =	ssyncset.done $0x0  }
0x9c: {  	[sflag:s21] =	ssyncadd.s32 $0xFFFFFF00  }
0x9d: {  	[spmem:s2] =	stream.indirect.scatter.add.f32 [tilespmem:s20], [sflag:$0x3], $0x80, s26, s22, $0xb8;
	[tilespmem:$0x17CC0] =	vst v63  }
0x9e: {  	_ =	swait.ge [sflag:s0], $0x4000  }
0x9f: {  	[sflag:s0] =	ssyncset.done $0x0  }
.Ltmp2:
0xa0: {  	s9 =	sadd.s32 s9, s16;
	[sflag:s0] =	ssyncadd.s32 $0xFFFFC000;
	(pc) =	sbr.rel @p0 .LBB2_6-.Ltmp2, $4  }
0xa1: {  	[tilespmem:s28], [sflag:$0x5] =	stream.linear.gather [hbm4b:s9+s3], $0x100, $0x38;
	[tilespmem:$0x17CC0] =	vst v63  }
0xa2: {  	_ =	swait.ge [sflag:s21], $0x100  }
0xa3: {  	[sflag:s21] =	ssyncset.done $0x0  }
0xa4: {  	s8 =	sadd.s32 $0x400, s8;
	[sflag:s21] =	ssyncadd.s32 $0xFFFFFF00  }
0xa5: {  	[spmem:s2] =	stream.indirect.scatter.add.f32 [tilespmem:s20], [sflag:$0x4], $0x80, s29, s22, $0xb8;
	[tilespmem:$0x17CC0] =	vst v63  }
0xa6: {  	_ =	swait.ge [sflag:s30], $0x4000  }
0xa7: {  	[sflag:s30] =	ssyncset.done $0x0  }
0xa8: {  	[sflag:s30] =	ssyncadd.s32 $0xFFFFC000  }
0xa9: {  	_ =	swait.ge [sflag:s31], $0x4000  }
0xaa: {  	[sflag:s31] =	ssyncset.done $0x0  }
0xab: {  	[sflag:s31] =	ssyncadd.s32 $0xFFFFC000  }
0xac: {  	_ =	swait.ge [sflag:s1], $0x4000  }
0xad: {  	[sflag:s1] =	ssyncset.done $0x0  }
0xae: {  	[sflag:s1] =	ssyncadd.s32 $0xFFFFC000  }
0xaf: {  	s7 =	stileid.u32;
	_ =	swait.ge [sflag:s0], $0x4000  }
0xb0: {  	s8 =	sshrl.u32 s5, $0x3;
	s6 =	sadd.s32 $0x1, s6;
	[sflag:s0] =	ssyncset.done $0x0  }
0xb1: {  	s7 =	sshll.u32 s7, $0x6;
	p0 =	sne.s32 s6, s15;
	[sflag:s0] =	ssyncadd.s32 $0xFFFFC000  }
.Ltmp3:
0xb2: {  	s7 =	sor.u32 $0x1C05, s7;
	[bflag:$0x0] =	sbarrier.arrive $0xFFFF;
	(pc) =	sbr.rel @p0 .LBB2_1-.Ltmp3, $4  }
0xb3: {  	[hbm:s14], [sflag:s7] =	dma.local [spmem:s8], $0x2710  }
0xb4: {  	_ =	swait.ge [sflag:s21], $0x2710  }
0xb5: {  	[sflag:s21] =	ssyncset.done $0x0  }
0xb6: {  	[sflag:s21] =	ssyncadd.s32 $0xFFFFD8F0  }
0xb7: {  	_ =	sfence.sel $0x180000  }
0xb8: {  	[bflag:$0x0] =	sbarrier.arrive $0xFFFF  }
0xb9: {  	_ =	strace $0x90000047  }
0xba: {  	s0 =	stileid.u32;
	[bflag:$0x2] =	sbarrier.arrive $0xFFFF  }
0xbb: {  	p0 =	sne.s32 s0, $0x0;
	s0 =	rddreg [dreg:$0x2]  }
0xbc: {  	s0 =	sadd.s32 @!p0 $0x100000, s0  }
0xbd: {  	[sflag:s0] =	ssyncadd.tile.s32 @!p0 $0x1;
	_ =	shalt  }
.Lfunc_end2:
_tile_overlayer_lowered:
.L_overlay_start_2:
0xbe: {  	(tag) =	ssettag $0x2  }
0xbf: {  	s0 =	rddreg [dreg:$0x0];
	s2 =	stileid.u32  }
0xc0: {  	s1 =	rddreg [dreg:$0x1];
	p0 =	sne.s32 s2, $0x0  }
0xc1: {  	s3 =	rddreg [dreg:$0x2];
	[bflag:$0x3] =	sbarrier.arrive $0xFFFF;
	s2 =	simm.s32 @!p0 $0x1C05  }
0xc2: {  	[timem:s3], [sflag:s2] =	dma.local @!p0 [hbm:s0], s1  }
0xc3: {  	s0 =	simm.s32 @!p0 $0x5  }
0xc4: {  	_ =	swait.ge @!p0 [sflag:s0], s1  }
0xc5: {  	s1 =	ssub.s32 @!p0 $0x0, s1;
	[sflag:s0] =	ssyncset.done @!p0 $0x0  }
0xc6: {  	[sflag:s0] =	ssyncadd.s32 @!p0 s1  }
0xc7: {  	[bflag:$0x3] =	sbarrier.arrive $0xFFFF  }
0xc8: {  	_ =	shalt  }

</sc_bundles>
